<compile_context>
chip_gen: v7x
topology: tpu7x:2x2x1
jax: 0.10.2.dev20260603
libtpu: 0.0.44.dev20260713+nightly
codegen_flags: <defaults>
</compile_context>

<pallas_src>
import functools

import jax
import jax.numpy as jnp
from jax import lax
from jax.experimental import pallas as pl
from jax.experimental.pallas import tpu as pltpu
from jax.experimental.pallas import tpu_sc as plsc

N = 10000
E = 320000
D = 128
DE = 16
DH = 256

NC = 2
NS = 16
L = 16

EPW = E // (NC * NS)
K = 16
NCH = EPW // K
ZP = 80
NZP = N // ZP


def _ab_body(x_ref, w1_ref, w2_ref, a_ref, b_ref):
    xb = x_ref[...]
    a_ref[...] = jnp.dot(xb, w1_ref[...], preferred_element_type=jnp.float32)
    b_ref[...] = jnp.dot(xb, w2_ref[...], preferred_element_type=jnp.float32)


def _node_proj(x, w1, w2):
    blk = 1000
    return pl.pallas_call(
        _ab_body,
        grid=(N // blk,),
        in_specs=[
            pl.BlockSpec((blk, D), lambda i: (i, 0)),
            pl.BlockSpec((D, DH), lambda i: (0, 0)),
            pl.BlockSpec((D, DH), lambda i: (0, 0)),
        ],
        out_specs=[
            pl.BlockSpec((blk, DH), lambda i: (i, 0)),
            pl.BlockSpec((blk, DH), lambda i: (i, 0)),
        ],
        out_shape=[
            jax.ShapeDtypeStruct((N, DH), jnp.float32),
            jax.ShapeDtypeStruct((N, DH), jnp.float32),
        ],
    )(x, w1, w2)


def _c_body(ea_ref, w3_ref, bm_ref, c_ref):
    c_ref[...] = (
        jnp.dot(ea_ref[...], w3_ref[...], preferred_element_type=jnp.float32)
        + bm_ref[...]
    )


def _edge_proj(ea, w3, bm):
    blk = 4000
    return pl.pallas_call(
        _c_body,
        grid=(E // blk,),
        in_specs=[
            pl.BlockSpec((blk, DE), lambda i: (i, 0)),
            pl.BlockSpec((DE, DH), lambda i: (0, 0)),
            pl.BlockSpec((1, DH), lambda i: (0, 0)),
        ],
        out_specs=pl.BlockSpec((blk, DH), lambda i: (i, 0)),
        out_shape=jax.ShapeDtypeStruct((E, DH), jnp.float32),
    )(ea, w3, bm)


def _edge_kernel_body(a_hbm, b_hbm, c_hbm, src_hbm, dst_hbm, out_hbm,
                      src_v0, src_v1, dst_v0, dst_v1, dst_s0, dst_s1,
                      ra0, ra1, rb0, rb1, rc0, rc1, m0, m1, zp, agg_sh,
                      si0, si1, sg0, sg1, ss0, ss1):
    cid = lax.axis_index("c")
    sid = lax.axis_index("s")
    wid = cid * NS + sid
    ebase = wid * EPW

    src_v = (src_v0, src_v1)
    dst_v = (dst_v0, dst_v1)
    dst_s = (dst_s0, dst_s1)
    ra = (ra0, ra1)
    rb = (rb0, rb1)
    rc = (rc0, rc1)
    m = (m0, m1)
    si = (si0, si1)
    sg = (sg0, sg1)
    ss = (ss0, ss1)

    def issue_idx(c, p):
        off = ebase + c * K
        pltpu.async_copy(src_hbm.at[pl.ds(off, K)], src_v[p], si[p])
        pltpu.async_copy(dst_hbm.at[pl.ds(off, K)], dst_v[p], si[p])

    def drain_idx(p):
        pltpu.make_async_copy(src_hbm.at[pl.ds(0, K)], src_v[p], si[p]).wait()
        pltpu.make_async_copy(dst_hbm.at[pl.ds(0, K)], dst_v[p], si[p]).wait()

    def issue_gathers(c, p):
        pltpu.async_copy(a_hbm.at[src_v[p]], ra[p], sg[p])
        pltpu.async_copy(b_hbm.at[dst_v[p]], rb[p], sg[p])
        pltpu.async_copy(c_hbm.at[pl.ds(ebase + c * K, K)], rc[p], sg[p])

    def drain_gathers(p):
        pltpu.make_async_copy(a_hbm.at[pl.ds(0, K)], ra[p], sg[p]).wait()
        pltpu.make_async_copy(b_hbm.at[pl.ds(0, K)], rb[p], sg[p]).wait()
        pltpu.make_async_copy(c_hbm.at[pl.ds(0, K)], rc[p], sg[p]).wait()

    def issue_scatter(p):
        pltpu.async_copy(m[p], agg_sh.at[dst_s[p]], ss[p], add=True)

    def drain_scatter(p):
        pltpu.make_async_copy(m[p], agg_sh.at[pl.ds(0, K)], ss[p]).wait()

    def compute(p):
        rap, rbp, rcp, mp = ra[p], rb[p], rc[p], m[p]

        def _row(r, _):
            for half in range(2):
                ks = [half * 4 + j for j in range(4)]
                gs = [rap[r, pl.ds(k * L, L)]
                      + rbp[r, pl.ds(k * L, L)]
                      + rcp[r, pl.ds(k * L, L)] for k in ks]
                hs = [rap[r, pl.ds(D + k * L, L)]
                      + rbp[r, pl.ds(D + k * L, L)]
                      + rcp[r, pl.ds(D + k * L, L)] for k in ks]
                egs = [jnp.exp(-g) for g in gs]
                ehs = [jnp.exp(-h) for h in hs]
                for i, k in enumerate(ks):
                    den = (1.0 + egs[i]) * (1.0 + ehs[i])
                    mp[r, pl.ds(k * L, L)] = hs[i] / den
            return 0
        lax.fori_loop(0, K, _row, 0)

    def _zfill(r, _):
        for j in range(D // L):
            zp[r, pl.ds(j * L, L)] = jnp.zeros((L,), jnp.float32)
        return 0
    lax.fori_loop(0, ZP, _zfill, 0)

    def _zcopy(i, _):
        c = sid + i * NS

        @pl.when(c < NZP)
        def _():
            pltpu.sync_copy(zp, agg_sh.at[pl.ds(c * ZP, ZP)])
        return 0
    lax.fori_loop(0, (NZP + NS - 1) // NS, _zcopy, 0)
    plsc.subcore_barrier()

    issue_idx(0, 0)
    drain_idx(0)
    issue_gathers(0, 0)
    issue_idx(1, 1)

    def _half(t, c, p, q, last):
        drain_idx(q)
        issue_gathers(c + 1, q)

        @pl.when(t >= 1)
        def _():
            drain_scatter(p)
        drain_gathers(p)
        dst_s[p][pl.ds(0, L)] = dst_v[p][pl.ds(0, L)]
        if not last:
            issue_idx(c + 2, p)
        compute(p)
        issue_scatter(p)

    def _pair(t, _):
        _half(t, 2 * t, 0, 1, False)

        @pl.when(t < NCH // 2 - 1)
        def _():
            _half(t, 2 * t + 1, 1, 0, False)
        @pl.when(t == NCH // 2 - 1)
        def _():
            _half(t, 2 * t + 1, 1, 0, True)
        return 0
    lax.fori_loop(0, NCH // 2, _pair, 0)

    drain_scatter(0)
    drain_gathers(0)
    dst_s0[pl.ds(0, L)] = dst_v0[pl.ds(0, L)]
    compute(0)
    issue_scatter(0)

    drain_scatter(1)
    drain_scatter(0)
    plsc.subcore_barrier()

    def _out(i, _):
        c = sid + i * NS

        @pl.when(c < NZP)
        def _():
            pltpu.sync_copy(agg_sh.at[pl.ds(c * ZP, ZP)], zp)
            pltpu.sync_copy(zp, out_hbm.at[cid, pl.ds(c * ZP, ZP)])
        return 0
    lax.fori_loop(0, (NZP + NS - 1) // NS, _out, 0)


_edge_kernel = functools.partial(
    pl.kernel,
    out_type=jax.ShapeDtypeStruct((NC, N, D), jnp.float32),
    mesh=plsc.VectorSubcoreMesh(core_axis_name="c", subcore_axis_name="s"),
    scratch_types=(
        [pltpu.VMEM((K,), jnp.int32)] * 6
        + [pltpu.VMEM((K, DH), jnp.float32)] * 6
        + [pltpu.VMEM((K, D), jnp.float32)] * 2
        + [pltpu.VMEM((ZP, D), jnp.float32)]
        + [pltpu.VMEM_SHARED((N, D), jnp.float32)]
        + [pltpu.SemaphoreType.DMA] * 6
    ),
)


def _edge_pass(a, b, c, src, dst):
    return _edge_kernel(_edge_kernel_body)(a, b, c, src, dst)


def _post_body(agg_ref, x_ref, w_ref, b_ref, o_ref):
    s = agg_ref[0] + agg_ref[1]
    o_ref[...] = (
        x_ref[...]
        + jnp.dot(s, w_ref[...], preferred_element_type=jnp.float32)
        + b_ref[...]
    )


def _post(agg2, x, w_out, b_out):
    blk = 1000
    return pl.pallas_call(
        _post_body,
        grid=(N // blk,),
        in_specs=[
            pl.BlockSpec((NC, blk, D), lambda i: (0, i, 0)),
            pl.BlockSpec((blk, D), lambda i: (i, 0)),
            pl.BlockSpec((D, D), lambda i: (0, 0)),
            pl.BlockSpec((1, D), lambda i: (0, 0)),
        ],
        out_specs=pl.BlockSpec((blk, D), lambda i: (i, 0)),
        out_shape=jax.ShapeDtypeStruct((N, D), jnp.float32),
    )(agg2, x, w_out, b_out.reshape(1, D))


def kernel(x, edge_index, edge_attr, W_msg, b_msg, W_out, b_out):
    w1 = W_msg[:D]
    w2 = W_msg[D:2 * D]
    w3 = W_msg[2 * D:]
    src = edge_index[0].astype(jnp.int32)
    dst = edge_index[1].astype(jnp.int32)

    a, b = _node_proj(x, w1, w2)
    c = _edge_proj(edge_attr, w3, b_msg.reshape(1, DH))
    agg2 = _edge_pass(a, b, c, src, dst)
    return _post(agg2, x, W_out, b_out)

# --- scband reference (transcript-rebuilt; emitter-appended) ---
"""Pipeline reference for scband-chgnet-feature-gen-2465311228409 (READ-ONLY COPY).

The authoritative reference and input builder live on the scoring server;
editing this copy changes nothing except your own understanding.
"""

import jax, jax.numpy as jnp
import numpy as np

N_NODES = 10000
N_EDGES = 320000
D_FEAT = 128
D_EDGE = 16

def setup_inputs(seed: int = 0) -> dict:
    key = jax.random.key(seed)
    k1, k2, k3, k4, k5, k6 = jax.random.split(key, 6)
    x = jax.random.normal(k1, (N_NODES, D_FEAT), dtype=jnp.float32)
    edge_index = jax.random.randint(k2, (2, N_EDGES), 0, N_NODES, dtype=jnp.int64)
    edge_attr = jax.random.normal(k3, (N_EDGES, D_EDGE), dtype=jnp.float32)
    # CHGNet-style gated atom-graph-convolution parameters
    in_dim = 2 * D_FEAT + D_EDGE
    W_msg = jax.random.normal(k4, (in_dim, 2 * D_FEAT), dtype=jnp.float32) * (1.0 / np.sqrt(in_dim))
    b_msg = jnp.zeros((2 * D_FEAT,), dtype=jnp.float32)
    W_out = jax.random.normal(k5, (D_FEAT, D_FEAT), dtype=jnp.float32) * (1.0 / np.sqrt(D_FEAT))
    b_out = jnp.zeros((D_FEAT,), dtype=jnp.float32)
    return {"x": x, "edge_index": edge_index, "edge_attr": edge_attr,
            "W_msg": W_msg, "b_msg": b_msg, "W_out": W_out, "b_out": b_out}

def reference(x, edge_index, edge_attr, W_msg, b_msg, W_out, b_out):
    # Gated message passing (CHGNet AtomConv style):
    # message on each edge from [x_src, x_dst, edge_attr], sigmoid-gated,
    # scatter-added to destination node, residual update.
    src = edge_index[0]
    dst = edge_index[1]
    x_src = jnp.take(x, src, axis=0)
    x_dst = jnp.take(x, dst, axis=0)
    h = jnp.concatenate([x_src, x_dst, edge_attr], axis=-1)
    z = h @ W_msg + b_msg
    gate, core = jnp.split(z, 2, axis=-1)
    m = jax.nn.sigmoid(gate) * jax.nn.silu(core)
    agg = jax.ops.segment_sum(m, dst, num_segments=x.shape[0])
    out = x + (agg @ W_out + b_out)
    return out

if __name__ == "__main__":
    import jax
    _d = setup_inputs()
    print(jax.jit(kernel)(*tuple(_d.values())))

</pallas_src>

<mosaic_0001>
#map = affine_map<(d0, d1) -> (0, 0)>
#map1 = affine_map<(d0, d1) -> (0)>
#map2 = affine_map<(d0, d1) -> (0, 0, 0)>
module attributes {stable_mosaic.version = 14 : i64} {
  func.func @_edge_kernel_body(%arg0: i32, %arg1: i32, %arg2: memref<10000x256xf32, #tpu.memory_space<hbm>>, %arg3: memref<10000x256xf32, #tpu.memory_space<hbm>>, %arg4: memref<320000x256xf32, #tpu.memory_space<hbm>>, %arg5: memref<320000xi32, #tpu.memory_space<hbm>>, %arg6: memref<320000xi32, #tpu.memory_space<hbm>>, %arg7: memref<2x10000x128xf32, #tpu.memory_space<hbm>>, %arg8: memref<16xi32, #tpu.memory_space<vmem>>, %arg9: memref<16xi32, #tpu.memory_space<vmem>>, %arg10: memref<16xi32, #tpu.memory_space<vmem>>, %arg11: memref<16xi32, #tpu.memory_space<vmem>>, %arg12: memref<16xi32, #tpu.memory_space<vmem>>, %arg13: memref<16xi32, #tpu.memory_space<vmem>>, %arg14: memref<16x256xf32, #tpu.memory_space<vmem>>, %arg15: memref<16x256xf32, #tpu.memory_space<vmem>>, %arg16: memref<16x256xf32, #tpu.memory_space<vmem>>, %arg17: memref<16x256xf32, #tpu.memory_space<vmem>>, %arg18: memref<16x256xf32, #tpu.memory_space<vmem>>, %arg19: memref<16x256xf32, #tpu.memory_space<vmem>>, %arg20: memref<16x128xf32, #tpu.memory_space<vmem>>, %arg21: memref<16x128xf32, #tpu.memory_space<vmem>>, %arg22: memref<80x128xf32, #tpu.memory_space<vmem>>, %arg23: memref<10000x128xf32, #tpu.memory_space<vmem_shared>>, %arg24: memref<!tpu.dma_semaphore, #tpu.memory_space<semaphore_mem>>, %arg25: memref<!tpu.dma_semaphore, #tpu.memory_space<semaphore_mem>>, %arg26: memref<!tpu.dma_semaphore, #tpu.memory_space<semaphore_mem>>, %arg27: memref<!tpu.dma_semaphore, #tpu.memory_space<semaphore_mem>>, %arg28: memref<!tpu.dma_semaphore, #tpu.memory_space<semaphore_mem>>, %arg29: memref<!tpu.dma_semaphore, #tpu.memory_space<semaphore_mem>>) attributes {dimension_semantics = [#tpu.dimension_semantics<core_parallel>, #tpu.dimension_semantics<subcore_parallel>], iteration_bounds = array<i64: 2, 16>, scalar_prefetch = 0 : i64, scratch_operands = 22 : i64, tpu.core_type = #tpu.core_type<sc_vector_subcore>, window_params = [{transform_indices = #map}, {transform_indices = #map}, {transform_indices = #map}, {transform_indices = #map1}, {transform_indices = #map1}, {transform_indices = #map2}]} {
    %mul3A = arith.constant 16 : i32
    %mul3A_0 = arith.muli %arg0, %mul3A : i32
    %add3A = arith.addi %mul3A_0, %arg1 : i32
    %mul3A_1 = arith.constant 10000 : i32
    %mul3A_2 = arith.muli %add3A, %mul3A_1 : i32
    %scan3A = arith.constant 0 : i32
    %scan3A_3 = arith.constant 0 : i32
    %scan3A_4 = arith.constant 80 : i32
    %scan3A_5 = arith.addi %scan3A_3, %scan3A_4 : i32
    %scan3A_6 = arith.constant 1 : i32
    %scan3A_7 = scf.for %scan3A_112 = %scan3A_3 to %scan3A_5 step %scan3A_6 iter_args(%scan3A_113 = %scan3A) -> (i32)  : i32 {
      %broadcast_in_dim3A = arith.constant 0.000000e+00 : f32
      %broadcast_in_dim3A_114 = vector.broadcast %broadcast_in_dim3A : f32 to vector<16xf32>
      %swap3A_115 = arith.index_cast %scan3A_112 : i32 to index
      %swap3A_116 = arith.constant 0 : index
      %swap3A_117 = tpu.vector_load %arg22[%swap3A_115, %swap3A_116] {strides = array<i32>} : memref<80x128xf32, #tpu.memory_space<vmem>>, vector<1x16xf32>,
      %swap3A_118 = vector.shape_cast %swap3A_117 : vector<1x16xf32> to vector<16xf32>
      %swap3A_119 = vector.shape_cast %broadcast_in_dim3A_114 : vector<16xf32> to vector<1x16xf32>
      tpu.vector_store %arg22[%swap3A_115, %swap3A_116], %swap3A_119 {strides = array<i32>} : memref<80x128xf32, #tpu.memory_space<vmem>>, vector<1x16xf32>,
      %broadcast_in_dim3A_120 = arith.constant 0.000000e+00 : f32
      %broadcast_in_dim3A_121 = vector.broadcast %broadcast_in_dim3A_120 : f32 to vector<16xf32>
      %swap3A_122 = arith.index_cast %scan3A_112 : i32 to index
      %swap3A_123 = arith.constant 16 : index
      %swap3A_124 = tpu.vector_load %arg22[%swap3A_122, %swap3A_123] {strides = array<i32>} : memref<80x128xf32, #tpu.memory_space<vmem>>, vector<1x16xf32>,
      %swap3A_125 = vector.shape_cast %swap3A_124 : vector<1x16xf32> to vector<16xf32>
      %swap3A_126 = vector.shape_cast %broadcast_in_dim3A_121 : vector<16xf32> to vector<1x16xf32>
      tpu.vector_store %arg22[%swap3A_122, %swap3A_123], %swap3A_126 {strides = array<i32>} : memref<80x128xf32, #tpu.memory_space<vmem>>, vector<1x16xf32>,
      %broadcast_in_dim3A_127 = arith.constant 0.000000e+00 : f32
      %broadcast_in_dim3A_128 = vector.broadcast %broadcast_in_dim3A_127 : f32 to vector<16xf32>
      %swap3A_129 = arith.index_cast %scan3A_112 : i32 to index
      %swap3A_130 = arith.constant 32 : index
      %swap3A_131 = tpu.vector_load %arg22[%swap3A_129, %swap3A_130] {strides = array<i32>} : memref<80x128xf32, #tpu.memory_space<vmem>>, vector<1x16xf32>,
      %swap3A_132 = vector.shape_cast %swap3A_131 : vector<1x16xf32> to vector<16xf32>
      %swap3A_133 = vector.shape_cast %broadcast_in_dim3A_128 : vector<16xf32> to vector<1x16xf32>
      tpu.vector_store %arg22[%swap3A_129, %swap3A_130], %swap3A_133 {strides = array<i32>} : memref<80x128xf32, #tpu.memory_space<vmem>>, vector<1x16xf32>,
      %broadcast_in_dim3A_134 = arith.constant 0.000000e+00 : f32
      %broadcast_in_dim3A_135 = vector.broadcast %broadcast_in_dim3A_134 : f32 to vector<16xf32>
      %swap3A_136 = arith.index_cast %scan3A_112 : i32 to index
      %swap3A_137 = arith.constant 48 : index
      %swap3A_138 = tpu.vector_load %arg22[%swap3A_136, %swap3A_137] {strides = array<i32>} : memref<80x128xf32, #tpu.memory_space<vmem>>, vector<1x16xf32>,
      %swap3A_139 = vector.shape_cast %swap3A_138 : vector<1x16xf32> to vector<16xf32>
      %swap3A_140 = vector.shape_cast %broadcast_in_dim3A_135 : vector<16xf32> to vector<1x16xf32>
      tpu.vector_store %arg22[%swap3A_136, %swap3A_137], %swap3A_140 {strides = array<i32>} : memref<80x128xf32, #tpu.memory_space<vmem>>, vector<1x16xf32>,
      %broadcast_in_dim3A_141 = arith.constant 0.000000e+00 : f32
      %broadcast_in_dim3A_142 = vector.broadcast %broadcast_in_dim3A_141 : f32 to vector<16xf32>
      %swap3A_143 = arith.index_cast %scan3A_112 : i32 to index
      %swap3A_144 = arith.constant 64 : index
      %swap3A_145 = tpu.vector_load %arg22[%swap3A_143, %swap3A_144] {strides = array<i32>} : memref<80x128xf32, #tpu.memory_space<vmem>>, vector<1x16xf32>,
      %swap3A_146 = vector.shape_cast %swap3A_145 : vector<1x16xf32> to vector<16xf32>
      %swap3A_147 = vector.shape_cast %broadcast_in_dim3A_142 : vector<16xf32> to vector<1x16xf32>
      tpu.vector_store %arg22[%swap3A_143, %swap3A_144], %swap3A_147 {strides = array<i32>} : memref<80x128xf32, #tpu.memory_space<vmem>>, vector<1x16xf32>,
      %broadcast_in_dim3A_148 = arith.constant 0.000000e+00 : f32
      %broadcast_in_dim3A_149 = vector.broadcast %broadcast_in_dim3A_148 : f32 to vector<16xf32>
      %swap3A_150 = arith.index_cast %scan3A_112 : i32 to index
      %swap3A_151 = arith.constant 80 : index
      %swap3A_152 = tpu.vector_load %arg22[%swap3A_150, %swap3A_151] {strides = array<i32>} : memref<80x128xf32, #tpu.memory_space<vmem>>, vector<1x16xf32>,
      %swap3A_153 = vector.shape_cast %swap3A_152 : vector<1x16xf32> to vector<16xf32>
      %swap3A_154 = vector.shape_cast %broadcast_in_dim3A_149 : vector<16xf32> to vector<1x16xf32>
      tpu.vector_store %arg22[%swap3A_150, %swap3A_151], %swap3A_154 {strides = array<i32>} : memref<80x128xf32, #tpu.memory_space<vmem>>, vector<1x16xf32>,
      %broadcast_in_dim3A_155 = arith.constant 0.000000e+00 : f32
      %broadcast_in_dim3A_156 = vector.broadcast %broadcast_in_dim3A_155 : f32 to vector<16xf32>
      %swap3A_157 = arith.index_cast %scan3A_112 : i32 to index
      %swap3A_158 = arith.constant 96 : index
      %swap3A_159 = tpu.vector_load %arg22[%swap3A_157, %swap3A_158] {strides = array<i32>} : memref<80x128xf32, #tpu.memory_space<vmem>>, vector<1x16xf32>,
      %swap3A_160 = vector.shape_cast %swap3A_159 : vector<1x16xf32> to vector<16xf32>
      %swap3A_161 = vector.shape_cast %broadcast_in_dim3A_156 : vector<16xf32> to vector<1x16xf32>
      tpu.vector_store %arg22[%swap3A_157, %swap3A_158], %swap3A_161 {strides = array<i32>} : memref<80x128xf32, #tpu.memory_space<vmem>>, vector<1x16xf32>,
      %broadcast_in_dim3A_162 = arith.constant 0.000000e+00 : f32
      %broadcast_in_dim3A_163 = vector.broadcast %broadcast_in_dim3A_162 : f32 to vector<16xf32>
      %swap3A_164 = arith.index_cast %scan3A_112 : i32 to index
      %swap3A_165 = arith.constant 112 : index
      %swap3A_166 = tpu.vector_load %arg22[%swap3A_164, %swap3A_165] {strides = array<i32>} : memref<80x128xf32, #tpu.memory_space<vmem>>, vector<1x16xf32>,
      %swap3A_167 = vector.shape_cast %swap3A_166 : vector<1x16xf32> to vector<16xf32>
      %swap3A_168 = vector.shape_cast %broadcast_in_dim3A_163 : vector<16xf32> to vector<1x16xf32>
      tpu.vector_store %arg22[%swap3A_164, %swap3A_165], %swap3A_168 {strides = array<i32>} : memref<80x128xf32, #tpu.memory_space<vmem>>, vector<1x16xf32>,
      %scan3A_169 = arith.constant 0 : i32
      scf.yield %scan3A_169 : i32
    }
    %scan3A_8 = arith.constant 80 : i32
    %scan3A_9 = arith.constant 0 : i32
    %scan3A_10 = arith.constant 0 : i32
    %scan3A_11 = arith.constant 8 : i32
    %scan3A_12 = arith.addi %scan3A_10, %scan3A_11 : i32
    %scan3A_13 = arith.constant 1 : i32
    %scan3A_14 = scf.for %scan3A_112 = %scan3A_10 to %scan3A_12 step %scan3A_13 iter_args(%scan3A_113 = %scan3A_9) -> (i32)  : i32 {
      %mul3A_114 = arith.constant 16 : i32
      %mul3A_115 = arith.muli %scan3A_112, %mul3A_114 : i32
      %add3A_116 = arith.addi %arg1, %mul3A_115 : i32
      %lt3A = arith.constant 125 : i32
      %lt3A_117 = arith.cmpi slt, %add3A_116, %lt3A : i32
      %convert_element_type3A = arith.extui %lt3A_117 : i1 to i32
      %cond3A = arith.constant 0 : i32
      %cond3A_118 = arith.cmpi ne, %convert_element_type3A, %cond3A : i32
      scf.if %cond3A_118 {
        %mul3A_120 = arith.constant 80 : i32
        %mul3A_121 = arith.muli %add3A_116, %mul3A_120 : i32
        "tpu.region"() ({
          %run_scoped3A = tpu.sem_alloc : memref<!tpu.dma_semaphore, #tpu.memory_space<semaphore_mem>>
          %dma_start3A_122 = arith.constant 0 : i32
          %dma_start3A_123 = tpu.memref_slice %arg23[%mul3A_121, %dma_start3A_122] : memref<10000x128xf32, #tpu.memory_space<vmem_shared>> -> memref<80x128xf32, #tpu.memory_space<vmem_shared>>
          %dma_start3A_124 = arith.constant 0 : i32
          %dma_start3A_125 = tpu.memref_slice %arg23[%mul3A_121, %dma_start3A_124] : memref<10000x128xf32, #tpu.memory_space<vmem_shared>> -> memref<80x128xf32, #tpu.memory_space<vmem_shared>>
          tpu.enqueue_dma source(%arg22 : memref<80x128xf32, #tpu.memory_space<vmem>>) target(%dma_start3A_125 : memref<80x128xf32, #tpu.memory_space<vmem_shared>>) target_semaphore(%run_scoped3A : memref<!tpu.dma_semaphore, #tpu.memory_space<semaphore_mem>>)
          %dma_wait3A_126 = arith.constant 0 : i32
          %dma_wait3A_127 = tpu.memref_slice %arg23[%mul3A_121, %dma_wait3A_126] : memref<10000x128xf32, #tpu.memory_space<vmem_shared>> -> memref<80x128xf32, #tpu.memory_space<vmem_shared>>
          %dma_wait3A_128 = arith.constant 0 : i32
          %dma_wait3A_129 = tpu.memref_slice %arg23[%mul3A_121, %dma_wait3A_128] : memref<10000x128xf32, #tpu.memory_space<vmem_shared>> -> memref<80x128xf32, #tpu.memory_space<vmem_shared>>
          tpu.wait_dma2 semaphore(%run_scoped3A : memref<!tpu.dma_semaphore, #tpu.memory_space<semaphore_mem>>) src(%arg22 : memref<80x128xf32, #tpu.memory_space<vmem>>) dst(%dma_wait3A_129 : memref<80x128xf32, #tpu.memory_space<vmem_shared>>)
          tpu.yield
        }) : () -> ()
      } else {
      }
      %scan3A_119 = arith.constant 0 : i32
      scf.yield %scan3A_119 : i32
    }
    %scan3A_15 = arith.constant 8 : i32
    %barrier3A = arith.constant 0 : index
    tpu.barrier barrier_id(%barrier3A)
    %add3A_16 = arith.constant 0 : i32
    %add3A_17 = arith.addi %mul3A_2, %add3A_16 : i32
    %dma_start3A = tpu.memref_slice %arg5[%add3A_17] : memref<320000xi32, #tpu.memory_space<hbm>> -> memref<16xi32, #tpu.memory_space<hbm>>
    %dma_start3A_18 = tpu.memref_slice %arg5[%add3A_17] : memref<320000xi32, #tpu.memory_space<hbm>> -> memref<16xi32, #tpu.memory_space<hbm>>
    tpu.enqueue_dma source(%dma_start3A_18 : memref<16xi32, #tpu.memory_space<hbm>>) target(%arg8 : memref<16xi32, #tpu.memory_space<vmem>>) target_semaphore(%arg24 : memref<!tpu.dma_semaphore, #tpu.memory_space<semaphore_mem>>)
    %dma_start3A_19 = tpu.memref_slice %arg6[%add3A_17] : memref<320000xi32, #tpu.memory_space<hbm>> -> memref<16xi32, #tpu.memory_space<hbm>>
    %dma_start3A_20 = tpu.memref_slice %arg6[%add3A_17] : memref<320000xi32, #tpu.memory_space<hbm>> -> memref<16xi32, #tpu.memory_space<hbm>>
    tpu.enqueue_dma source(%dma_start3A_20 : memref<16xi32, #tpu.memory_space<hbm>>) target(%arg10 : memref<16xi32, #tpu.memory_space<vmem>>) target_semaphore(%arg24 : memref<!tpu.dma_semaphore, #tpu.memory_space<semaphore_mem>>)
    %dma_wait3A = arith.constant 0 : i32
    %dma_wait3A_21 = tpu.memref_slice %arg5[%dma_wait3A] : memref<320000xi32, #tpu.memory_space<hbm>> -> memref<16xi32, #tpu.memory_space<hbm>>
    %dma_wait3A_22 = arith.constant 0 : i32
    %dma_wait3A_23 = tpu.memref_slice %arg5[%dma_wait3A_22] : memref<320000xi32, #tpu.memory_space<hbm>> -> memref<16xi32, #tpu.memory_space<hbm>>
    tpu.wait_dma2 semaphore(%arg24 : memref<!tpu.dma_semaphore, #tpu.memory_space<semaphore_mem>>) src(%dma_wait3A_23 : memref<16xi32, #tpu.memory_space<hbm>>) dst(%arg8 : memref<16xi32, #tpu.memory_space<vmem>>)
    %dma_wait3A_24 = arith.constant 0 : i32
    %dma_wait3A_25 = tpu.memref_slice %arg6[%dma_wait3A_24] : memref<320000xi32, #tpu.memory_space<hbm>> -> memref<16xi32, #tpu.memory_space<hbm>>
    %dma_wait3A_26 = arith.constant 0 : i32
    %dma_wait3A_27 = tpu.memref_slice %arg6[%dma_wait3A_26] : memref<320000xi32, #tpu.memory_space<hbm>> -> memref<16xi32, #tpu.memory_space<hbm>>
    tpu.wait_dma2 semaphore(%arg24 : memref<!tpu.dma_semaphore, #tpu.memory_space<semaphore_mem>>) src(%dma_wait3A_27 : memref<16xi32, #tpu.memory_space<hbm>>) dst(%arg10 : memref<16xi32, #tpu.memory_space<vmem>>)
    %dma_start3A_28 = arith.constant 0 : i32
    %dma_start3A_29 = arith.constant 0 : i32
    %dma_start3A_30 = tpu.memref_slice %arg2[%dma_start3A_28, %dma_start3A_29] : memref<10000x256xf32, #tpu.memory_space<hbm>> -> memref<10000x256xf32, #tpu.memory_space<hbm>>
    tpu.enqueue_indirect_dma source(%dma_start3A_30 : memref<10000x256xf32, #tpu.memory_space<hbm>>) target(%arg14 : memref<16x256xf32, #tpu.memory_space<vmem>>) offsets(%arg8 : memref<16xi32, #tpu.memory_space<vmem>>) semaphore(%arg26 : memref<!tpu.dma_semaphore, #tpu.memory_space<semaphore_mem>>)
    %dma_start3A_31 = arith.constant 0 : i32
    %dma_start3A_32 = arith.constant 0 : i32
    %dma_start3A_33 = tpu.memref_slice %arg3[%dma_start3A_31, %dma_start3A_32] : memref<10000x256xf32, #tpu.memory_space<hbm>> -> memref<10000x256xf32, #tpu.memory_space<hbm>>
    tpu.enqueue_indirect_dma source(%dma_start3A_33 : memref<10000x256xf32, #tpu.memory_space<hbm>>) target(%arg16 : memref<16x256xf32, #tpu.memory_space<vmem>>) offsets(%arg10 : memref<16xi32, #tpu.memory_space<vmem>>) semaphore(%arg26 : memref<!tpu.dma_semaphore, #tpu.memory_space<semaphore_mem>>)
    %add3A_34 = arith.constant 0 : i32
    %add3A_35 = arith.addi %mul3A_2, %add3A_34 : i32
    %dma_start3A_36 = arith.constant 0 : i32
    %dma_start3A_37 = tpu.memref_slice %arg4[%add3A_35, %dma_start3A_36] : memref<320000x256xf32, #tpu.memory_space<hbm>> -> memref<16x256xf32, #tpu.memory_space<hbm>>
    %dma_start3A_38 = arith.constant 0 : i32
    %dma_start3A_39 = tpu.memref_slice %arg4[%add3A_35, %dma_start3A_38] : memref<320000x256xf32, #tpu.memory_space<hbm>> -> memref<16x256xf32, #tpu.memory_space<hbm>>
    tpu.enqueue_dma source(%dma_start3A_39 : memref<16x256xf32, #tpu.memory_space<hbm>>) target(%arg18 : memref<16x256xf32, #tpu.memory_space<vmem>>) target_semaphore(%arg26 : memref<!tpu.dma_semaphore, #tpu.memory_space<semaphore_mem>>)
    %add3A_40 = arith.constant 16 : i32
    %add3A_41 = arith.addi %mul3A_2, %add3A_40 : i32
    %dma_start3A_42 = tpu.memref_slice %arg5[%add3A_41] : memref<320000xi32, #tpu.memory_space<hbm>> -> memref<16xi32, #tpu.memory_space<hbm>>
    %dma_start3A_43 = tpu.memref_slice %arg5[%add3A_41] : memref<320000xi32, #tpu.memory_space<hbm>> -> memref<16xi32, #tpu.memory_space<hbm>>
    tpu.enqueue_dma source(%dma_start3A_43 : memref<16xi32, #tpu.memory_space<hbm>>) target(%arg9 : memref<16xi32, #tpu.memory_space<vmem>>) target_semaphore(%arg25 : memref<!tpu.dma_semaphore, #tpu.memory_space<semaphore_mem>>)
    %dma_start3A_44 = tpu.memref_slice %arg6[%add3A_41] : memref<320000xi32, #tpu.memory_space<hbm>> -> memref<16xi32, #tpu.memory_space<hbm>>
    %dma_start3A_45 = tpu.memref_slice %arg6[%add3A_41] : memref<320000xi32, #tpu.memory_space<hbm>> -> memref<16xi32, #tpu.memory_space<hbm>>
    tpu.enqueue_dma source(%dma_start3A_45 : memref<16xi32, #tpu.memory_space<hbm>>) target(%arg11 : memref<16xi32, #tpu.memory_space<vmem>>) target_semaphore(%arg25 : memref<!tpu.dma_semaphore, #tpu.memory_space<semaphore_mem>>)
    %scan3A_46 = arith.constant 0 : i32
    %scan3A_47 = arith.constant 0 : i32
    %scan3A_48 = arith.constant 312 : i32
    %scan3A_49 = arith.addi %scan3A_47, %scan3A_48 : i32
    %scan3A_50 = arith.constant 1 : i32
    %scan3A_51 = scf.for %scan3A_112 = %scan3A_47 to %scan3A_49 step %scan3A_50 iter_args(%scan3A_113 = %scan3A_46) -> (i32)  : i32 {
      %mul3A_114 = arith.constant 2 : i32
      %mul3A_115 = arith.muli %mul3A_114, %scan3A_112 : i32
      %dma_wait3A_116 = arith.constant 0 : i32
      %dma_wait3A_117 = tpu.memref_slice %arg5[%dma_wait3A_116] : memref<320000xi32, #tpu.memory_space<hbm>> -> memref<16xi32, #tpu.memory_space<hbm>>
      %dma_wait3A_118 = arith.constant 0 : i32
      %dma_wait3A_119 = tpu.memref_slice %arg5[%dma_wait3A_118] : memref<320000xi32, #tpu.memory_space<hbm>> -> memref<16xi32, #tpu.memory_space<hbm>>
      tpu.wait_dma2 semaphore(%arg25 : memref<!tpu.dma_semaphore, #tpu.memory_space<semaphore_mem>>) src(%dma_wait3A_119 : memref<16xi32, #tpu.memory_space<hbm>>) dst(%arg9 : memref<16xi32, #tpu.memory_space<vmem>>)
      %dma_wait3A_120 = arith.constant 0 : i32
      %dma_wait3A_121 = tpu.memref_slice %arg6[%dma_wait3A_120] : memref<320000xi32, #tpu.memory_space<hbm>> -> memref<16xi32, #tpu.memory_space<hbm>>
      %dma_wait3A_122 = arith.constant 0 : i32
      %dma_wait3A_123 = tpu.memref_slice %arg6[%dma_wait3A_122] : memref<320000xi32, #tpu.memory_space<hbm>> -> memref<16xi32, #tpu.memory_space<hbm>>
      tpu.wait_dma2 semaphore(%arg25 : memref<!tpu.dma_semaphore, #tpu.memory_space<semaphore_mem>>) src(%dma_wait3A_123 : memref<16xi32, #tpu.memory_space<hbm>>) dst(%arg11 : memref<16xi32, #tpu.memory_space<vmem>>)
      %add3A_124 = arith.constant 1 : i32
      %add3A_125 = arith.addi %mul3A_115, %add3A_124 : i32
      %dma_start3A_126 = arith.constant 0 : i32
      %dma_start3A_127 = arith.constant 0 : i32
      %dma_start3A_128 = tpu.memref_slice %arg2[%dma_start3A_126, %dma_start3A_127] : memref<10000x256xf32, #tpu.memory_space<hbm>> -> memref<10000x256xf32, #tpu.memory_space<hbm>>
      tpu.enqueue_indirect_dma source(%dma_start3A_128 : memref<10000x256xf32, #tpu.memory_space<hbm>>) target(%arg15 : memref<16x256xf32, #tpu.memory_space<vmem>>) offsets(%arg9 : memref<16xi32, #tpu.memory_space<vmem>>) semaphore(%arg27 : memref<!tpu.dma_semaphore, #tpu.memory_space<semaphore_mem>>)
      %dma_start3A_129 = arith.constant 0 : i32
      %dma_start3A_130 = arith.constant 0 : i32
      %dma_start3A_131 = tpu.memref_slice %arg3[%dma_start3A_129, %dma_start3A_130] : memref<10000x256xf32, #tpu.memory_space<hbm>> -> memref<10000x256xf32, #tpu.memory_space<hbm>>
      tpu.enqueue_indirect_dma source(%dma_start3A_131 : memref<10000x256xf32, #tpu.memory_space<hbm>>) target(%arg17 : memref<16x256xf32, #tpu.memory_space<vmem>>) offsets(%arg11 : memref<16xi32, #tpu.memory_space<vmem>>) semaphore(%arg27 : memref<!tpu.dma_semaphore, #tpu.memory_space<semaphore_mem>>)
      %mul3A_132 = arith.constant 16 : i32
      %mul3A_133 = arith.muli %add3A_125, %mul3A_132 : i32
      %add3A_134 = arith.addi %mul3A_2, %mul3A_133 : i32
      %dma_start3A_135 = arith.constant 0 : i32
      %dma_start3A_136 = tpu.memref_slice %arg4[%add3A_134, %dma_start3A_135] : memref<320000x256xf32, #tpu.memory_space<hbm>> -> memref<16x256xf32, #tpu.memory_space<hbm>>
      %dma_start3A_137 = arith.constant 0 : i32
      %dma_start3A_138 = tpu.memref_slice %arg4[%add3A_134, %dma_start3A_137] : memref<320000x256xf32, #tpu.memory_space<hbm>> -> memref<16x256xf32, #tpu.memory_space<hbm>>
      tpu.enqueue_dma source(%dma_start3A_138 : memref<16x256xf32, #tpu.memory_space<hbm>>) target(%arg19 : memref<16x256xf32, #tpu.memory_space<vmem>>) target_semaphore(%arg27 : memref<!tpu.dma_semaphore, #tpu.memory_space<semaphore_mem>>)
      %ge3A = arith.constant 1 : i32
      %ge3A_139 = arith.cmpi sge, %scan3A_112, %ge3A : i32
      %convert_element_type3A = arith.extui %ge3A_139 : i1 to i32
      %cond3A = arith.constant 0 : i32
      %cond3A_140 = arith.cmpi ne, %convert_element_type3A, %cond3A : i32
      scf.if %cond3A_140 {
        %dma_wait3A_194 = arith.constant 0 : i32
        %dma_wait3A_195 = arith.constant 0 : i32
        %dma_wait3A_196 = tpu.memref_slice %arg23[%dma_wait3A_194, %dma_wait3A_195] : memref<10000x128xf32, #tpu.memory_space<vmem_shared>> -> memref<16x128xf32, #tpu.memory_space<vmem_shared>>
        %dma_wait3A_197 = arith.constant 0 : i32
        %dma_wait3A_198 = arith.constant 0 : i32
        %dma_wait3A_199 = tpu.memref_slice %arg23[%dma_wait3A_197, %dma_wait3A_198] : memref<10000x128xf32, #tpu.memory_space<vmem_shared>> -> memref<16x128xf32, #tpu.memory_space<vmem_shared>>
        tpu.wait_dma2 semaphore(%arg28 : memref<!tpu.dma_semaphore, #tpu.memory_space<semaphore_mem>>) src(%arg20 : memref<16x128xf32, #tpu.memory_space<vmem>>) dst(%dma_wait3A_199 : memref<16x128xf32, #tpu.memory_space<vmem_shared>>)
      } else {
      }
      %dma_wait3A_141 = arith.constant 0 : i32
      %dma_wait3A_142 = arith.constant 0 : i32
      %dma_wait3A_143 = tpu.memref_slice %arg2[%dma_wait3A_141, %dma_wait3A_142] : memref<10000x256xf32, #tpu.memory_space<hbm>> -> memref<16x256xf32, #tpu.memory_space<hbm>>
      %dma_wait3A_144 = arith.constant 0 : i32
      %dma_wait3A_145 = arith.constant 0 : i32
      %dma_wait3A_146 = tpu.memref_slice %arg2[%dma_wait3A_144, %dma_wait3A_145] : memref<10000x256xf32, #tpu.memory_space<hbm>> -> memref<16x256xf32, #tpu.memory_space<hbm>>
      tpu.wait_dma2 semaphore(%arg26 : memref<!tpu.dma_semaphore, #tpu.memory_space<semaphore_mem>>) src(%dma_wait3A_146 : memref<16x256xf32, #tpu.memory_space<hbm>>) dst(%arg14 : memref<16x256xf32, #tpu.memory_space<vmem>>)
      %dma_wait3A_147 = arith.constant 0 : i32
      %dma_wait3A_148 = arith.constant 0 : i32
      %dma_wait3A_149 = tpu.memref_slice %arg3[%dma_wait3A_147, %dma_wait3A_148] : memref<10000x256xf32, #tpu.memory_space<hbm>> -> memref<16x256xf32, #tpu.memory_space<hbm>>
      %dma_wait3A_150 = arith.constant 0 : i32
      %dma_wait3A_151 = arith.constant 0 : i32
      %dma_wait3A_152 = tpu.memref_slice %arg3[%dma_wait3A_150, %dma_wait3A_151] : memref<10000x256xf32, #tpu.memory_space<hbm>> -> memref<16x256xf32, #tpu.memory_space<hbm>>
      tpu.wait_dma2 semaphore(%arg26 : memref<!tpu.dma_semaphore, #tpu.memory_space<semaphore_mem>>) src(%dma_wait3A_152 : memref<16x256xf32, #tpu.memory_space<hbm>>) dst(%arg16 : memref<16x256xf32, #tpu.memory_space<vmem>>)
      %dma_wait3A_153 = arith.constant 0 : i32
      %dma_wait3A_154 = arith.constant 0 : i32
      %dma_wait3A_155 = tpu.memref_slice %arg4[%dma_wait3A_153, %dma_wait3A_154] : memref<320000x256xf32, #tpu.memory_space<hbm>> -> memref<16x256xf32, #tpu.memory_space<hbm>>
      %dma_wait3A_156 = arith.constant 0 : i32
      %dma_wait3A_157 = arith.constant 0 : i32
      %dma_wait3A_158 = tpu.memref_slice %arg4[%dma_wait3A_156, %dma_wait3A_157] : memref<320000x256xf32, #tpu.memory_space<hbm>> -> memref<16x256xf32, #tpu.memory_space<hbm>>
      tpu.wait_dma2 semaphore(%arg26 : memref<!tpu.dma_semaphore, #tpu.memory_space<semaphore_mem>>) src(%dma_wait3A_158 : memref<16x256xf32, #tpu.memory_space<hbm>>) dst(%arg18 : memref<16x256xf32, #tpu.memory_space<vmem>>)
      %get3A_159 = arith.constant 0 : index
      %get3A_160 = tpu.vector_load %arg10[%get3A_159] {strides = array<i32>} : memref<16xi32, #tpu.memory_space<vmem>>, vector<16xi32>,
      %get3A_161 = vector.shape_cast %get3A_160 : vector<16xi32> to vector<16xi32>
      %swap3A_162 = arith.constant 0 : index
      %swap3A_163 = tpu.vector_load %arg12[%swap3A_162] {strides = array<i32>} : memref<16xi32, #tpu.memory_space<vmem>>, vector<16xi32>,
      %swap3A_164 = vector.shape_cast %swap3A_163 : vector<16xi32> to vector<16xi32>
      %swap3A_165 = vector.shape_cast %get3A_161 : vector<16xi32> to vector<16xi32>
      tpu.vector_store %arg12[%swap3A_162], %swap3A_165 {strides = array<i32>} : memref<16xi32, #tpu.memory_space<vmem>>, vector<16xi32>,
      %add3A_166 = arith.constant 2 : i32
      %add3A_167 = arith.addi %mul3A_115, %add3A_166 : i32
      %mul3A_168 = arith.constant 16 : i32
      %mul3A_169 = arith.muli %add3A_167, %mul3A_168 : i32
      %add3A_170 = arith.addi %mul3A_2, %mul3A_169 : i32
      %dma_start3A_171 = tpu.memref_slice %arg5[%add3A_170] : memref<320000xi32, #tpu.memory_space<hbm>> -> memref<16xi32, #tpu.memory_space<hbm>>
      %dma_start3A_172 = tpu.memref_slice %arg5[%add3A_170] : memref<320000xi32, #tpu.memory_space<hbm>> -> memref<16xi32, #tpu.memory_space<hbm>>
      tpu.enqueue_dma source(%dma_start3A_172 : memref<16xi32, #tpu.memory_space<hbm>>) target(%arg8 : memref<16xi32, #tpu.memory_space<vmem>>) target_semaphore(%arg24 : memref<!tpu.dma_semaphore, #tpu.memory_space<semaphore_mem>>)
      %dma_start3A_173 = tpu.memref_slice %arg6[%add3A_170] : memref<320000xi32, #tpu.memory_space<hbm>> -> memref<16xi32, #tpu.memory_space<hbm>>
      %dma_start3A_174 = tpu.memref_slice %arg6[%add3A_170] : memref<320000xi32, #tpu.memory_space<hbm>> -> memref<16xi32, #tpu.memory_space<hbm>>
      tpu.enqueue_dma source(%dma_start3A_174 : memref<16xi32, #tpu.memory_space<hbm>>) target(%arg10 : memref<16xi32, #tpu.memory_space<vmem>>) target_semaphore(%arg24 : memref<!tpu.dma_semaphore, #tpu.memory_space<semaphore_mem>>)
      %scan3A_175 = arith.constant 0 : i32
      %scan3A_176 = arith.constant 0 : i32
      %scan3A_177 = arith.constant 16 : i32
      %scan3A_178 = arith.addi %scan3A_176, %scan3A_177 : i32
      %scan3A_179 = arith.constant 1 : i32
      %scan3A_180 = scf.for %scan3A_194 = %scan3A_176 to %scan3A_178 step %scan3A_179 iter_args(%scan3A_195 = %scan3A_175) -> (i32)  : i32 {
        %get3A_196 = arith.index_cast %scan3A_194 : i32 to index
        %get3A_197 = arith.constant 0 : index
        %get3A_198 = tpu.vector_load %arg14[%get3A_196, %get3A_197] {strides = array<i32>} : memref<16x256xf32, #tpu.memory_space<vmem>>, vector<1x16xf32>,
        %get3A_199 = vector.shape_cast %get3A_198 : vector<1x16xf32> to vector<16xf32>
        %get3A_200 = arith.index_cast %scan3A_194 : i32 to index
        %get3A_201 = arith.constant 0 : index
        %get3A_202 = tpu.vector_load %arg16[%get3A_200, %get3A_201] {strides = array<i32>} : memref<16x256xf32, #tpu.memory_space<vmem>>, vector<1x16xf32>,
        %get3A_203 = vector.shape_cast %get3A_202 : vector<1x16xf32> to vector<16xf32>
        %add3A_204 = arith.addf %get3A_199, %get3A_203 : vector<16xf32>
        %get3A_205 = arith.index_cast %scan3A_194 : i32 to index
        %get3A_206 = arith.constant 0 : index
        %get3A_207 = tpu.vector_load %arg18[%get3A_205, %get3A_206] {strides = array<i32>} : memref<16x256xf32, #tpu.memory_space<vmem>>, vector<1x16xf32>,
        %get3A_208 = vector.shape_cast %get3A_207 : vector<1x16xf32> to vector<16xf32>
        %add3A_209 = arith.addf %add3A_204, %get3A_208 : vector<16xf32>
        %get3A_210 = arith.index_cast %scan3A_194 : i32 to index
        %get3A_211 = arith.constant 16 : index
        %get3A_212 = tpu.vector_load %arg14[%get3A_210, %get3A_211] {strides = array<i32>} : memref<16x256xf32, #tpu.memory_space<vmem>>, vector<1x16xf32>,
        %get3A_213 = vector.shape_cast %get3A_212 : vector<1x16xf32> to vector<16xf32>
        %get3A_214 = arith.index_cast %scan3A_194 : i32 to index
        %get3A_215 = arith.constant 16 : index
        %get3A_216 = tpu.vector_load %arg16[%get3A_214, %get3A_215] {strides = array<i32>} : memref<16x256xf32, #tpu.memory_space<vmem>>, vector<1x16xf32>,
        %get3A_217 = vector.shape_cast %get3A_216 : vector<1x16xf32> to vector<16xf32>
        %add3A_218 = arith.addf %get3A_213, %get3A_217 : vector<16xf32>
        %get3A_219 = arith.index_cast %scan3A_194 : i32 to index
        %get3A_220 = arith.constant 16 : index
        %get3A_221 = tpu.vector_load %arg18[%get3A_219, %get3A_220] {strides = array<i32>} : memref<16x256xf32, #tpu.memory_space<vmem>>, vector<1x16xf32>,
        %get3A_222 = vector.shape_cast %get3A_221 : vector<1x16xf32> to vector<16xf32>
        %add3A_223 = arith.addf %add3A_218, %get3A_222 : vector<16xf32>
        %get3A_224 = arith.index_cast %scan3A_194 : i32 to index
        %get3A_225 = arith.constant 32 : index
        %get3A_226 = tpu.vector_load %arg14[%get3A_224, %get3A_225] {strides = array<i32>} : memref<16x256xf32, #tpu.memory_space<vmem>>, vector<1x16xf32>,
        %get3A_227 = vector.shape_cast %get3A_226 : vector<1x16xf32> to vector<16xf32>
        %get3A_228 = arith.index_cast %scan3A_194 : i32 to index
        %get3A_229 = arith.constant 32 : index
        %get3A_230 = tpu.vector_load %arg16[%get3A_228, %get3A_229] {strides = array<i32>} : memref<16x256xf32, #tpu.memory_space<vmem>>, vector<1x16xf32>,
        %get3A_231 = vector.shape_cast %get3A_230 : vector<1x16xf32> to vector<16xf32>
        %add3A_232 = arith.addf %get3A_227, %get3A_231 : vector<16xf32>
        %get3A_233 = arith.index_cast %scan3A_194 : i32 to index
        %get3A_234 = arith.constant 32 : index
        %get3A_235 = tpu.vector_load %arg18[%get3A_233, %get3A_234] {strides = array<i32>} : memref<16x256xf32, #tpu.memory_space<vmem>>, vector<1x16xf32>,
        %get3A_236 = vector.shape_cast %get3A_235 : vector<1x16xf32> to vector<16xf32>
        %add3A_237 = arith.addf %add3A_232, %get3A_236 : vector<16xf32>
        %get3A_238 = arith.index_cast %scan3A_194 : i32 to index
        %get3A_239 = arith.constant 48 : index
        %get3A_240 = tpu.vector_load %arg14[%get3A_238, %get3A_239] {strides = array<i32>} : memref<16x256xf32, #tpu.memory_space<vmem>>, vector<1x16xf32>,
        %get3A_241 = vector.shape_cast %get3A_240 : vector<1x16xf32> to vector<16xf32>
        %get3A_242 = arith.index_cast %scan3A_194 : i32 to index
        %get3A_243 = arith.constant 48 : index
        %get3A_244 = tpu.vector_load %arg16[%get3A_242, %get3A_243] {strides = array<i32>} : memref<16x256xf32, #tpu.memory_space<vmem>>, vector<1x16xf32>,
        %get3A_245 = vector.shape_cast %get3A_244 : vector<1x16xf32> to vector<16xf32>
        %add3A_246 = arith.addf %get3A_241, %get3A_245 : vector<16xf32>
        %get3A_247 = arith.index_cast %scan3A_194 : i32 to index
        %get3A_248 = arith.constant 48 : index
        %get3A_249 = tpu.vector_load %arg18[%get3A_247, %get3A_248] {strides = array<i32>} : memref<16x256xf32, #tpu.memory_space<vmem>>, vector<1x16xf32>,
        %get3A_250 = vector.shape_cast %get3A_249 : vector<1x16xf32> to vector<16xf32>
        %add3A_251 = arith.addf %add3A_246, %get3A_250 : vector<16xf32>
        %get3A_252 = arith.index_cast %scan3A_194 : i32 to index
        %get3A_253 = arith.constant 128 : index
        %get3A_254 = tpu.vector_load %arg14[%get3A_252, %get3A_253] {strides = array<i32>} : memref<16x256xf32, #tpu.memory_space<vmem>>, vector<1x16xf32>,
        %get3A_255 = vector.shape_cast %get3A_254 : vector<1x16xf32> to vector<16xf32>
        %get3A_256 = arith.index_cast %scan3A_194 : i32 to index
        %get3A_257 = arith.constant 128 : index
        %get3A_258 = tpu.vector_load %arg16[%get3A_256, %get3A_257] {strides = array<i32>} : memref<16x256xf32, #tpu.memory_space<vmem>>, vector<1x16xf32>,
        %get3A_259 = vector.shape_cast %get3A_258 : vector<1x16xf32> to vector<16xf32>
        %add3A_260 = arith.addf %get3A_255, %get3A_259 : vector<16xf32>
        %get3A_261 = arith.index_cast %scan3A_194 : i32 to index
        %get3A_262 = arith.constant 128 : index
        %get3A_263 = tpu.vector_load %arg18[%get3A_261, %get3A_262] {strides = array<i32>} : memref<16x256xf32, #tpu.memory_space<vmem>>, vector<1x16xf32>,
        %get3A_264 = vector.shape_cast %get3A_263 : vector<1x16xf32> to vector<16xf32>
        %add3A_265 = arith.addf %add3A_260, %get3A_264 : vector<16xf32>
        %get3A_266 = arith.index_cast %scan3A_194 : i32 to index
        %get3A_267 = arith.constant 144 : index
        %get3A_268 = tpu.vector_load %arg14[%get3A_266, %get3A_267] {strides = array<i32>} : memref<16x256xf32, #tpu.memory_space<vmem>>, vector<1x16xf32>,
        %get3A_269 = vector.shape_cast %get3A_268 : vector<1x16xf32> to vector<16xf32>
        %get3A_270 = arith.index_cast %scan3A_194 : i32 to index
        %get3A_271 = arith.constant 144 : index
        %get3A_272 = tpu.vector_load %arg16[%get3A_270, %get3A_271] {strides = array<i32>} : memref<16x256xf32, #tpu.memory_space<vmem>>, vector<1x16xf32>,
        %get3A_273 = vector.shape_cast %get3A_272 : vector<1x16xf32> to vector<16xf32>
        %add3A_274 = arith.addf %get3A_269, %get3A_273 : vector<16xf32>
        %get3A_275 = arith.index_cast %scan3A_194 : i32 to index
        %get3A_276 = arith.constant 144 : index
        %get3A_277 = tpu.vector_load %arg18[%get3A_275, %get3A_276] {strides = array<i32>} : memref<16x256xf32, #tpu.memory_space<vmem>>, vector<1x16xf32>,
        %get3A_278 = vector.shape_cast %get3A_277 : vector<1x16xf32> to vector<16xf32>
        %add3A_279 = arith.addf %add3A_274, %get3A_278 : vector<16xf32>
        %get3A_280 = arith.index_cast %scan3A_194 : i32 to index
        %get3A_281 = arith.constant 160 : index
        %get3A_282 = tpu.vector_load %arg14[%get3A_280, %get3A_281] {strides = array<i32>} : memref<16x256xf32, #tpu.memory_space<vmem>>, vector<1x16xf32>,
        %get3A_283 = vector.shape_cast %get3A_282 : vector<1x16xf32> to vector<16xf32>
        %get3A_284 = arith.index_cast %scan3A_194 : i32 to index
        %get3A_285 = arith.constant 160 : index
        %get3A_286 = tpu.vector_load %arg16[%get3A_284, %get3A_285] {strides = array<i32>} : memref<16x256xf32, #tpu.memory_space<vmem>>, vector<1x16xf32>,
        %get3A_287 = vector.shape_cast %get3A_286 : vector<1x16xf32> to vector<16xf32>
        %add3A_288 = arith.addf %get3A_283, %get3A_287 : vector<16xf32>
        %get3A_289 = arith.index_cast %scan3A_194 : i32 to index
        %get3A_290 = arith.constant 160 : index
        %get3A_291 = tpu.vector_load %arg18[%get3A_289, %get3A_290] {strides = array<i32>} : memref<16x256xf32, #tpu.memory_space<vmem>>, vector<1x16xf32>,
        %get3A_292 = vector.shape_cast %get3A_291 : vector<1x16xf32> to vector<16xf32>
        %add3A_293 = arith.addf %add3A_288, %get3A_292 : vector<16xf32>
        %get3A_294 = arith.index_cast %scan3A_194 : i32 to index
        %get3A_295 = arith.constant 176 : index
        %get3A_296 = tpu.vector_load %arg14[%get3A_294, %get3A_295] {strides = array<i32>} : memref<16x256xf32, #tpu.memory_space<vmem>>, vector<1x16xf32>,
        %get3A_297 = vector.shape_cast %get3A_296 : vector<1x16xf32> to vector<16xf32>
        %get3A_298 = arith.index_cast %scan3A_194 : i32 to index
        %get3A_299 = arith.constant 176 : index
        %get3A_300 = tpu.vector_load %arg16[%get3A_298, %get3A_299] {strides = array<i32>} : memref<16x256xf32, #tpu.memory_space<vmem>>, vector<1x16xf32>,
        %get3A_301 = vector.shape_cast %get3A_300 : vector<1x16xf32> to vector<16xf32>
        %add3A_302 = arith.addf %get3A_297, %get3A_301 : vector<16xf32>
        %get3A_303 = arith.index_cast %scan3A_194 : i32 to index
        %get3A_304 = arith.constant 176 : index
        %get3A_305 = tpu.vector_load %arg18[%get3A_303, %get3A_304] {strides = array<i32>} : memref<16x256xf32, #tpu.memory_space<vmem>>, vector<1x16xf32>,
        %get3A_306 = vector.shape_cast %get3A_305 : vector<1x16xf32> to vector<16xf32>
        %add3A_307 = arith.addf %add3A_302, %get3A_306 : vector<16xf32>
        %neg3A = arith.constant 0.000000e+00 : f32
        %neg3A_308 = vector.broadcast %neg3A : f32 to vector<16xf32>
        %neg3A_309 = arith.subf %neg3A_308, %add3A_209 : vector<16xf32>
        %exp3A = math.exp %neg3A_309 : vector<16xf32>
        %neg3A_310 = arith.constant 0.000000e+00 : f32
        %neg3A_311 = vector.broadcast %neg3A_310 : f32 to vector<16xf32>
        %neg3A_312 = arith.subf %neg3A_311, %add3A_223 : vector<16xf32>
        %exp3A_313 = math.exp %neg3A_312 : vector<16xf32>
        %neg3A_314 = arith.constant 0.000000e+00 : f32
        %neg3A_315 = vector.broadcast %neg3A_314 : f32 to vector<16xf32>
        %neg3A_316 = arith.subf %neg3A_315, %add3A_237 : vector<16xf32>
        %exp3A_317 = math.exp %neg3A_316 : vector<16xf32>
        %neg3A_318 = arith.constant 0.000000e+00 : f32
        %neg3A_319 = vector.broadcast %neg3A_318 : f32 to vector<16xf32>
        %neg3A_320 = arith.subf %neg3A_319, %add3A_251 : vector<16xf32>
        %exp3A_321 = math.exp %neg3A_320 : vector<16xf32>
        %neg3A_322 = arith.constant 0.000000e+00 : f32
        %neg3A_323 = vector.broadcast %neg3A_322 : f32 to vector<16xf32>
        %neg3A_324 = arith.subf %neg3A_323, %add3A_265 : vector<16xf32>
        %exp3A_325 = math.exp %neg3A_324 : vector<16xf32>
        %neg3A_326 = arith.constant 0.000000e+00 : f32
        %neg3A_327 = vector.broadcast %neg3A_326 : f32 to vector<16xf32>
        %neg3A_328 = arith.subf %neg3A_327, %add3A_279 : vector<16xf32>
        %exp3A_329 = math.exp %neg3A_328 : vector<16xf32>
        %neg3A_330 = arith.constant 0.000000e+00 : f32
        %neg3A_331 = vector.broadcast %neg3A_330 : f32 to vector<16xf32>
        %neg3A_332 = arith.subf %neg3A_331, %add3A_293 : vector<16xf32>
        %exp3A_333 = math.exp %neg3A_332 : vector<16xf32>
        %neg3A_334 = arith.constant 0.000000e+00 : f32
        %neg3A_335 = vector.broadcast %neg3A_334 : f32 to vector<16xf32>
        %neg3A_336 = arith.subf %neg3A_335, %add3A_307 : vector<16xf32>
        %exp3A_337 = math.exp %neg3A_336 : vector<16xf32>
        %add3A_338 = arith.constant 1.000000e+00 : f32
        %add3A_339 = vector.broadcast %add3A_338 : f32 to vector<16xf32>
        %add3A_340 = arith.addf %add3A_339, %exp3A : vector<16xf32>
        %add3A_341 = arith.constant 1.000000e+00 : f32
        %add3A_342 = vector.broadcast %add3A_341 : f32 to vector<16xf32>
        %add3A_343 = arith.addf %add3A_342, %exp3A_325 : vector<16xf32>
        %mul3A_344 = arith.mulf %add3A_340, %add3A_343 : vector<16xf32>
        %div3A = arith.divf %add3A_265, %mul3A_344 : vector<16xf32>
        %swap3A_345 = arith.index_cast %scan3A_194 : i32 to index
        %swap3A_346 = arith.constant 0 : index
        %swap3A_347 = tpu.vector_load %arg20[%swap3A_345, %swap3A_346] {strides = array<i32>} : memref<16x128xf32, #tpu.memory_space<vmem>>, vector<1x16xf32>,
        %swap3A_348 = vector.shape_cast %swap3A_347 : vector<1x16xf32> to vector<16xf32>
        %swap3A_349 = vector.shape_cast %div3A : vector<16xf32> to vector<1x16xf32>
        tpu.vector_store %arg20[%swap3A_345, %swap3A_346], %swap3A_349 {strides = array<i32>} : memref<16x128xf32, #tpu.memory_space<vmem>>, vector<1x16xf32>,
        %add3A_350 = arith.constant 1.000000e+00 : f32
        %add3A_351 = vector.broadcast %add3A_350 : f32 to vector<16xf32>
        %add3A_352 = arith.addf %add3A_351, %exp3A_313 : vector<16xf32>
        %add3A_353 = arith.constant 1.000000e+00 : f32
        %add3A_354 = vector.broadcast %add3A_353 : f32 to vector<16xf32>
        %add3A_355 = arith.addf %add3A_354, %exp3A_329 : vector<16xf32>
        %mul3A_356 = arith.mulf %add3A_352, %add3A_355 : vector<16xf32>
        %div3A_357 = arith.divf %add3A_279, %mul3A_356 : vector<16xf32>
        %swap3A_358 = arith.index_cast %scan3A_194 : i32 to index
        %swap3A_359 = arith.constant 16 : index
        %swap3A_360 = tpu.vector_load %arg20[%swap3A_358, %swap3A_359] {strides = array<i32>} : memref<16x128xf32, #tpu.memory_space<vmem>>, vector<1x16xf32>,
        %swap3A_361 = vector.shape_cast %swap3A_360 : vector<1x16xf32> to vector<16xf32>
        %swap3A_362 = vector.shape_cast %div3A_357 : vector<16xf32> to vector<1x16xf32>
        tpu.vector_store %arg20[%swap3A_358, %swap3A_359], %swap3A_362 {strides = array<i32>} : memref<16x128xf32, #tpu.memory_space<vmem>>, vector<1x16xf32>,
        %add3A_363 = arith.constant 1.000000e+00 : f32
        %add3A_364 = vector.broadcast %add3A_363 : f32 to vector<16xf32>
        %add3A_365 = arith.addf %add3A_364, %exp3A_317 : vector<16xf32>
        %add3A_366 = arith.constant 1.000000e+00 : f32
        %add3A_367 = vector.broadcast %add3A_366 : f32 to vector<16xf32>
        %add3A_368 = arith.addf %add3A_367, %exp3A_333 : vector<16xf32>
        %mul3A_369 = arith.mulf %add3A_365, %add3A_368 : vector<16xf32>
        %div3A_370 = arith.divf %add3A_293, %mul3A_369 : vector<16xf32>
        %swap3A_371 = arith.index_cast %scan3A_194 : i32 to index
        %swap3A_372 = arith.constant 32 : index
        %swap3A_373 = tpu.vector_load %arg20[%swap3A_371, %swap3A_372] {strides = array<i32>} : memref<16x128xf32, #tpu.memory_space<vmem>>, vector<1x16xf32>,
        %swap3A_374 = vector.shape_cast %swap3A_373 : vector<1x16xf32> to vector<16xf32>
        %swap3A_375 = vector.shape_cast %div3A_370 : vector<16xf32> to vector<1x16xf32>
        tpu.vector_store %arg20[%swap3A_371, %swap3A_372], %swap3A_375 {strides = array<i32>} : memref<16x128xf32, #tpu.memory_space<vmem>>, vector<1x16xf32>,
        %add3A_376 = arith.constant 1.000000e+00 : f32
        %add3A_377 = vector.broadcast %add3A_376 : f32 to vector<16xf32>
        %add3A_378 = arith.addf %add3A_377, %exp3A_321 : vector<16xf32>
        %add3A_379 = arith.constant 1.000000e+00 : f32
        %add3A_380 = vector.broadcast %add3A_379 : f32 to vector<16xf32>
        %add3A_381 = arith.addf %add3A_380, %exp3A_337 : vector<16xf32>
        %mul3A_382 = arith.mulf %add3A_378, %add3A_381 : vector<16xf32>
        %div3A_383 = arith.divf %add3A_307, %mul3A_382 : vector<16xf32>
        %swap3A_384 = arith.index_cast %scan3A_194 : i32 to index
        %swap3A_385 = arith.constant 48 : index
        %swap3A_386 = tpu.vector_load %arg20[%swap3A_384, %swap3A_385] {strides = array<i32>} : memref<16x128xf32, #tpu.memory_space<vmem>>, vector<1x16xf32>,
        %swap3A_387 = vector.shape_cast %swap3A_386 : vector<1x16xf32> to vector<16xf32>
        %swap3A_388 = vector.shape_cast %div3A_383 : vector<16xf32> to vector<1x16xf32>
        tpu.vector_store %arg20[%swap3A_384, %swap3A_385], %swap3A_388 {strides = array<i32>} : memref<16x128xf32, #tpu.memory_space<vmem>>, vector<1x16xf32>,
        %get3A_389 = arith.index_cast %scan3A_194 : i32 to index
        %get3A_390 = arith.constant 64 : index
        %get3A_391 = tpu.vector_load %arg14[%get3A_389, %get3A_390] {strides = array<i32>} : memref<16x256xf32, #tpu.memory_space<vmem>>, vector<1x16xf32>,
        %get3A_392 = vector.shape_cast %get3A_391 : vector<1x16xf32> to vector<16xf32>
        %get3A_393 = arith.index_cast %scan3A_194 : i32 to index
        %get3A_394 = arith.constant 64 : index
        %get3A_395 = tpu.vector_load %arg16[%get3A_393, %get3A_394] {strides = array<i32>} : memref<16x256xf32, #tpu.memory_space<vmem>>, vector<1x16xf32>,
        %get3A_396 = vector.shape_cast %get3A_395 : vector<1x16xf32> to vector<16xf32>
        %add3A_397 = arith.addf %get3A_392, %get3A_396 : vector<16xf32>
        %get3A_398 = arith.index_cast %scan3A_194 : i32 to index
        %get3A_399 = arith.constant 64 : index
        %get3A_400 = tpu.vector_load %arg18[%get3A_398, %get3A_399] {strides = array<i32>} : memref<16x256xf32, #tpu.memory_space<vmem>>, vector<1x16xf32>,
        %get3A_401 = vector.shape_cast %get3A_400 : vector<1x16xf32> to vector<16xf32>
        %add3A_402 = arith.addf %add3A_397, %get3A_401 : vector<16xf32>
        %get3A_403 = arith.index_cast %scan3A_194 : i32 to index
        %get3A_404 = arith.constant 80 : index
        %get3A_405 = tpu.vector_load %arg14[%get3A_403, %get3A_404] {strides = array<i32>} : memref<16x256xf32, #tpu.memory_space<vmem>>, vector<1x16xf32>,
        %get3A_406 = vector.shape_cast %get3A_405 : vector<1x16xf32> to vector<16xf32>
        %get3A_407 = arith.index_cast %scan3A_194 : i32 to index
        %get3A_408 = arith.constant 80 : index
        %get3A_409 = tpu.vector_load %arg16[%get3A_407, %get3A_408] {strides = array<i32>} : memref<16x256xf32, #tpu.memory_space<vmem>>, vector<1x16xf32>,
        %get3A_410 = vector.shape_cast %get3A_409 : vector<1x16xf32> to vector<16xf32>
        %add3A_411 = arith.addf %get3A_406, %get3A_410 : vector<16xf32>
        %get3A_412 = arith.index_cast %scan3A_194 : i32 to index
        %get3A_413 = arith.constant 80 : index
        %get3A_414 = tpu.vector_load %arg18[%get3A_412, %get3A_413] {strides = array<i32>} : memref<16x256xf32, #tpu.memory_space<vmem>>, vector<1x16xf32>,
        %get3A_415 = vector.shape_cast %get3A_414 : vector<1x16xf32> to vector<16xf32>
        %add3A_416 = arith.addf %add3A_411, %get3A_415 : vector<16xf32>
        %get3A_417 = arith.index_cast %scan3A_194 : i32 to index
        %get3A_418 = arith.constant 96 : index
        %get3A_419 = tpu.vector_load %arg14[%get3A_417, %get3A_418] {strides = array<i32>} : memref<16x256xf32, #tpu.memory_space<vmem>>, vector<1x16xf32>,
        %get3A_420 = vector.shape_cast %get3A_419 : vector<1x16xf32> to vector<16xf32>
        %get3A_421 = arith.index_cast %scan3A_194 : i32 to index
        %get3A_422 = arith.constant 96 : index
        %get3A_423 = tpu.vector_load %arg16[%get3A_421, %get3A_422] {strides = array<i32>} : memref<16x256xf32, #tpu.memory_space<vmem>>, vector<1x16xf32>,
        %get3A_424 = vector.shape_cast %get3A_423 : vector<1x16xf32> to vector<16xf32>
        %add3A_425 = arith.addf %get3A_420, %get3A_424 : vector<16xf32>
        %get3A_426 = arith.index_cast %scan3A_194 : i32 to index
        %get3A_427 = arith.constant 96 : index
        %get3A_428 = tpu.vector_load %arg18[%get3A_426, %get3A_427] {strides = array<i32>} : memref<16x256xf32, #tpu.memory_space<vmem>>, vector<1x16xf32>,
        %get3A_429 = vector.shape_cast %get3A_428 : vector<1x16xf32> to vector<16xf32>
        %add3A_430 = arith.addf %add3A_425, %get3A_429 : vector<16xf32>
        %get3A_431 = arith.index_cast %scan3A_194 : i32 to index
        %get3A_432 = arith.constant 112 : index
        %get3A_433 = tpu.vector_load %arg14[%get3A_431, %get3A_432] {strides = array<i32>} : memref<16x256xf32, #tpu.memory_space<vmem>>, vector<1x16xf32>,
        %get3A_434 = vector.shape_cast %get3A_433 : vector<1x16xf32> to vector<16xf32>
        %get3A_435 = arith.index_cast %scan3A_194 : i32 to index
        %get3A_436 = arith.constant 112 : index
        %get3A_437 = tpu.vector_load %arg16[%get3A_435, %get3A_436] {strides = array<i32>} : memref<16x256xf32, #tpu.memory_space<vmem>>, vector<1x16xf32>,
        %get3A_438 = vector.shape_cast %get3A_437 : vector<1x16xf32> to vector<16xf32>
        %add3A_439 = arith.addf %get3A_434, %get3A_438 : vector<16xf32>
        %get3A_440 = arith.index_cast %scan3A_194 : i32 to index
        %get3A_441 = arith.constant 112 : index
        %get3A_442 = tpu.vector_load %arg18[%get3A_440, %get3A_441] {strides = array<i32>} : memref<16x256xf32, #tpu.memory_space<vmem>>, vector<1x16xf32>,
        %get3A_443 = vector.shape_cast %get3A_442 : vector<1x16xf32> to vector<16xf32>
        %add3A_444 = arith.addf %add3A_439, %get3A_443 : vector<16xf32>
        %get3A_445 = arith.index_cast %scan3A_194 : i32 to index
        %get3A_446 = arith.constant 192 : index
        %get3A_447 = tpu.vector_load %arg14[%get3A_445, %get3A_446] {strides = array<i32>} : memref<16x256xf32, #tpu.memory_space<vmem>>, vector<1x16xf32>,
        %get3A_448 = vector.shape_cast %get3A_447 : vector<1x16xf32> to vector<16xf32>
        %get3A_449 = arith.index_cast %scan3A_194 : i32 to index
        %get3A_450 = arith.constant 192 : index
        %get3A_451 = tpu.vector_load %arg16[%get3A_449, %get3A_450] {strides = array<i32>} : memref<16x256xf32, #tpu.memory_space<vmem>>, vector<1x16xf32>,
        %get3A_452 = vector.shape_cast %get3A_451 : vector<1x16xf32> to vector<16xf32>
        %add3A_453 = arith.addf %get3A_448, %get3A_452 : vector<16xf32>
        %get3A_454 = arith.index_cast %scan3A_194 : i32 to index
        %get3A_455 = arith.constant 192 : index
        %get3A_456 = tpu.vector_load %arg18[%get3A_454, %get3A_455] {strides = array<i32>} : memref<16x256xf32, #tpu.memory_space<vmem>>, vector<1x16xf32>,
        %get3A_457 = vector.shape_cast %get3A_456 : vector<1x16xf32> to vector<16xf32>
        %add3A_458 = arith.addf %add3A_453, %get3A_457 : vector<16xf32>
        %get3A_459 = arith.index_cast %scan3A_194 : i32 to index
        %get3A_460 = arith.constant 208 : index
        %get3A_461 = tpu.vector_load %arg14[%get3A_459, %get3A_460] {strides = array<i32>} : memref<16x256xf32, #tpu.memory_space<vmem>>, vector<1x16xf32>,
        %get3A_462 = vector.shape_cast %get3A_461 : vector<1x16xf32> to vector<16xf32>
        %get3A_463 = arith.index_cast %scan3A_194 : i32 to index
        %get3A_464 = arith.constant 208 : index
        %get3A_465 = tpu.vector_load %arg16[%get3A_463, %get3A_464] {strides = array<i32>} : memref<16x256xf32, #tpu.memory_space<vmem>>, vector<1x16xf32>,
        %get3A_466 = vector.shape_cast %get3A_465 : vector<1x16xf32> to vector<16xf32>
        %add3A_467 = arith.addf %get3A_462, %get3A_466 : vector<16xf32>
        %get3A_468 = arith.index_cast %scan3A_194 : i32 to index
        %get3A_469 = arith.constant 208 : index
        %get3A_470 = tpu.vector_load %arg18[%get3A_468, %get3A_469] {strides = array<i32>} : memref<16x256xf32, #tpu.memory_space<vmem>>, vector<1x16xf32>,
        %get3A_471 = vector.shape_cast %get3A_470 : vector<1x16xf32> to vector<16xf32>
        %add3A_472 = arith.addf %add3A_467, %get3A_471 : vector<16xf32>
        %get3A_473 = arith.index_cast %scan3A_194 : i32 to index
        %get3A_474 = arith.constant 224 : index
        %get3A_475 = tpu.vector_load %arg14[%get3A_473, %get3A_474] {strides = array<i32>} : memref<16x256xf32, #tpu.memory_space<vmem>>, vector<1x16xf32>,
        %get3A_476 = vector.shape_cast %get3A_475 : vector<1x16xf32> to vector<16xf32>
        %get3A_477 = arith.index_cast %scan3A_194 : i32 to index
        %get3A_478 = arith.constant 224 : index
        %get3A_479 = tpu.vector_load %arg16[%get3A_477, %get3A_478] {strides = array<i32>} : memref<16x256xf32, #tpu.memory_space<vmem>>, vector<1x16xf32>,
        %get3A_480 = vector.shape_cast %get3A_479 : vector<1x16xf32> to vector<16xf32>
        %add3A_481 = arith.addf %get3A_476, %get3A_480 : vector<16xf32>
        %get3A_482 = arith.index_cast %scan3A_194 : i32 to index
        %get3A_483 = arith.constant 224 : index
        %get3A_484 = tpu.vector_load %arg18[%get3A_482, %get3A_483] {strides = array<i32>} : memref<16x256xf32, #tpu.memory_space<vmem>>, vector<1x16xf32>,
        %get3A_485 = vector.shape_cast %get3A_484 : vector<1x16xf32> to vector<16xf32>
        %add3A_486 = arith.addf %add3A_481, %get3A_485 : vector<16xf32>
        %get3A_487 = arith.index_cast %scan3A_194 : i32 to index
        %get3A_488 = arith.constant 240 : index
        %get3A_489 = tpu.vector_load %arg14[%get3A_487, %get3A_488] {strides = array<i32>} : memref<16x256xf32, #tpu.memory_space<vmem>>, vector<1x16xf32>,
        %get3A_490 = vector.shape_cast %get3A_489 : vector<1x16xf32> to vector<16xf32>
        %get3A_491 = arith.index_cast %scan3A_194 : i32 to index
        %get3A_492 = arith.constant 240 : index
        %get3A_493 = tpu.vector_load %arg16[%get3A_491, %get3A_492] {strides = array<i32>} : memref<16x256xf32, #tpu.memory_space<vmem>>, vector<1x16xf32>,
        %get3A_494 = vector.shape_cast %get3A_493 : vector<1x16xf32> to vector<16xf32>
        %add3A_495 = arith.addf %get3A_490, %get3A_494 : vector<16xf32>
        %get3A_496 = arith.index_cast %scan3A_194 : i32 to index
        %get3A_497 = arith.constant 240 : index
        %get3A_498 = tpu.vector_load %arg18[%get3A_496, %get3A_497] {strides = array<i32>} : memref<16x256xf32, #tpu.memory_space<vmem>>, vector<1x16xf32>,
        %get3A_499 = vector.shape_cast %get3A_498 : vector<1x16xf32> to vector<16xf32>
        %add3A_500 = arith.addf %add3A_495, %get3A_499 : vector<16xf32>
        %neg3A_501 = arith.constant 0.000000e+00 : f32
        %neg3A_502 = vector.broadcast %neg3A_501 : f32 to vector<16xf32>
        %neg3A_503 = arith.subf %neg3A_502, %add3A_402 : vector<16xf32>
        %exp3A_504 = math.exp %neg3A_503 : vector<16xf32>
        %neg3A_505 = arith.constant 0.000000e+00 : f32
        %neg3A_506 = vector.broadcast %neg3A_505 : f32 to vector<16xf32>
        %neg3A_507 = arith.subf %neg3A_506, %add3A_416 : vector<16xf32>
        %exp3A_508 = math.exp %neg3A_507 : vector<16xf32>
        %neg3A_509 = arith.constant 0.000000e+00 : f32
        %neg3A_510 = vector.broadcast %neg3A_509 : f32 to vector<16xf32>
        %neg3A_511 = arith.subf %neg3A_510, %add3A_430 : vector<16xf32>
        %exp3A_512 = math.exp %neg3A_511 : vector<16xf32>
        %neg3A_513 = arith.constant 0.000000e+00 : f32
        %neg3A_514 = vector.broadcast %neg3A_513 : f32 to vector<16xf32>
        %neg3A_515 = arith.subf %neg3A_514, %add3A_444 : vector<16xf32>
        %exp3A_516 = math.exp %neg3A_515 : vector<16xf32>
        %neg3A_517 = arith.constant 0.000000e+00 : f32
        %neg3A_518 = vector.broadcast %neg3A_517 : f32 to vector<16xf32>
        %neg3A_519 = arith.subf %neg3A_518, %add3A_458 : vector<16xf32>
        %exp3A_520 = math.exp %neg3A_519 : vector<16xf32>
        %neg3A_521 = arith.constant 0.000000e+00 : f32
        %neg3A_522 = vector.broadcast %neg3A_521 : f32 to vector<16xf32>
        %neg3A_523 = arith.subf %neg3A_522, %add3A_472 : vector<16xf32>
        %exp3A_524 = math.exp %neg3A_523 : vector<16xf32>
        %neg3A_525 = arith.constant 0.000000e+00 : f32
        %neg3A_526 = vector.broadcast %neg3A_525 : f32 to vector<16xf32>
        %neg3A_527 = arith.subf %neg3A_526, %add3A_486 : vector<16xf32>
        %exp3A_528 = math.exp %neg3A_527 : vector<16xf32>
        %neg3A_529 = arith.constant 0.000000e+00 : f32
        %neg3A_530 = vector.broadcast %neg3A_529 : f32 to vector<16xf32>
        %neg3A_531 = arith.subf %neg3A_530, %add3A_500 : vector<16xf32>
        %exp3A_532 = math.exp %neg3A_531 : vector<16xf32>
        %add3A_533 = arith.constant 1.000000e+00 : f32
        %add3A_534 = vector.broadcast %add3A_533 : f32 to vector<16xf32>
        %add3A_535 = arith.addf %add3A_534, %exp3A_504 : vector<16xf32>
        %add3A_536 = arith.constant 1.000000e+00 : f32
        %add3A_537 = vector.broadcast %add3A_536 : f32 to vector<16xf32>
        %add3A_538 = arith.addf %add3A_537, %exp3A_520 : vector<16xf32>
        %mul3A_539 = arith.mulf %add3A_535, %add3A_538 : vector<16xf32>
        %div3A_540 = arith.divf %add3A_458, %mul3A_539 : vector<16xf32>
        %swap3A_541 = arith.index_cast %scan3A_194 : i32 to index
        %swap3A_542 = arith.constant 64 : index
        %swap3A_543 = tpu.vector_load %arg20[%swap3A_541, %swap3A_542] {strides = array<i32>} : memref<16x128xf32, #tpu.memory_space<vmem>>, vector<1x16xf32>,
        %swap3A_544 = vector.shape_cast %swap3A_543 : vector<1x16xf32> to vector<16xf32>
        %swap3A_545 = vector.shape_cast %div3A_540 : vector<16xf32> to vector<1x16xf32>
        tpu.vector_store %arg20[%swap3A_541, %swap3A_542], %swap3A_545 {strides = array<i32>} : memref<16x128xf32, #tpu.memory_space<vmem>>, vector<1x16xf32>,
        %add3A_546 = arith.constant 1.000000e+00 : f32
        %add3A_547 = vector.broadcast %add3A_546 : f32 to vector<16xf32>
        %add3A_548 = arith.addf %add3A_547, %exp3A_508 : vector<16xf32>
        %add3A_549 = arith.constant 1.000000e+00 : f32
        %add3A_550 = vector.broadcast %add3A_549 : f32 to vector<16xf32>
        %add3A_551 = arith.addf %add3A_550, %exp3A_524 : vector<16xf32>
        %mul3A_552 = arith.mulf %add3A_548, %add3A_551 : vector<16xf32>
        %div3A_553 = arith.divf %add3A_472, %mul3A_552 : vector<16xf32>
        %swap3A_554 = arith.index_cast %scan3A_194 : i32 to index
        %swap3A_555 = arith.constant 80 : index
        %swap3A_556 = tpu.vector_load %arg20[%swap3A_554, %swap3A_555] {strides = array<i32>} : memref<16x128xf32, #tpu.memory_space<vmem>>, vector<1x16xf32>,
        %swap3A_557 = vector.shape_cast %swap3A_556 : vector<1x16xf32> to vector<16xf32>
        %swap3A_558 = vector.shape_cast %div3A_553 : vector<16xf32> to vector<1x16xf32>
        tpu.vector_store %arg20[%swap3A_554, %swap3A_555], %swap3A_558 {strides = array<i32>} : memref<16x128xf32, #tpu.memory_space<vmem>>, vector<1x16xf32>,
        %add3A_559 = arith.constant 1.000000e+00 : f32
        %add3A_560 = vector.broadcast %add3A_559 : f32 to vector<16xf32>
        %add3A_561 = arith.addf %add3A_560, %exp3A_512 : vector<16xf32>
        %add3A_562 = arith.constant 1.000000e+00 : f32
        %add3A_563 = vector.broadcast %add3A_562 : f32 to vector<16xf32>
        %add3A_564 = arith.addf %add3A_563, %exp3A_528 : vector<16xf32>
        %mul3A_565 = arith.mulf %add3A_561, %add3A_564 : vector<16xf32>
        %div3A_566 = arith.divf %add3A_486, %mul3A_565 : vector<16xf32>
        %swap3A_567 = arith.index_cast %scan3A_194 : i32 to index
        %swap3A_568 = arith.constant 96 : index
        %swap3A_569 = tpu.vector_load %arg20[%swap3A_567, %swap3A_568] {strides = array<i32>} : memref<16x128xf32, #tpu.memory_space<vmem>>, vector<1x16xf32>,
        %swap3A_570 = vector.shape_cast %swap3A_569 : vector<1x16xf32> to vector<16xf32>
        %swap3A_571 = vector.shape_cast %div3A_566 : vector<16xf32> to vector<1x16xf32>
        tpu.vector_store %arg20[%swap3A_567, %swap3A_568], %swap3A_571 {strides = array<i32>} : memref<16x128xf32, #tpu.memory_space<vmem>>, vector<1x16xf32>,
        %add3A_572 = arith.constant 1.000000e+00 : f32
        %add3A_573 = vector.broadcast %add3A_572 : f32 to vector<16xf32>
        %add3A_574 = arith.addf %add3A_573, %exp3A_516 : vector<16xf32>
        %add3A_575 = arith.constant 1.000000e+00 : f32
        %add3A_576 = vector.broadcast %add3A_575 : f32 to vector<16xf32>
        %add3A_577 = arith.addf %add3A_576, %exp3A_532 : vector<16xf32>
        %mul3A_578 = arith.mulf %add3A_574, %add3A_577 : vector<16xf32>
        %div3A_579 = arith.divf %add3A_500, %mul3A_578 : vector<16xf32>
        %swap3A_580 = arith.index_cast %scan3A_194 : i32 to index
        %swap3A_581 = arith.constant 112 : index
        %swap3A_582 = tpu.vector_load %arg20[%swap3A_580, %swap3A_581] {strides = array<i32>} : memref<16x128xf32, #tpu.memory_space<vmem>>, vector<1x16xf32>,
        %swap3A_583 = vector.shape_cast %swap3A_582 : vector<1x16xf32> to vector<16xf32>
        %swap3A_584 = vector.shape_cast %div3A_579 : vector<16xf32> to vector<1x16xf32>
        tpu.vector_store %arg20[%swap3A_580, %swap3A_581], %swap3A_584 {strides = array<i32>} : memref<16x128xf32, #tpu.memory_space<vmem>>, vector<1x16xf32>,
        %scan3A_585 = arith.constant 0 : i32
        scf.yield %scan3A_585 : i32
      }
      %scan3A_181 = arith.constant 16 : i32
      %dma_start3A_182 = arith.constant 0 : i32
      %dma_start3A_183 = arith.constant 0 : i32
      %dma_start3A_184 = tpu.memref_slice %arg23[%dma_start3A_182, %dma_start3A_183] : memref<10000x128xf32, #tpu.memory_space<vmem_shared>> -> memref<10000x128xf32, #tpu.memory_space<vmem_shared>>
      tpu.enqueue_indirect_dma source(%arg20 : memref<16x128xf32, #tpu.memory_space<vmem>>) target(%dma_start3A_184 : memref<10000x128xf32, #tpu.memory_space<vmem_shared>>) offsets(%arg12 : memref<16xi32, #tpu.memory_space<vmem>>) semaphore(%arg28 : memref<!tpu.dma_semaphore, #tpu.memory_space<semaphore_mem>>) {add = true}
      %lt3A = arith.constant 311 : i32
      %lt3A_185 = arith.cmpi slt, %scan3A_112, %lt3A : i32
      %convert_element_type3A_186 = arith.extui %lt3A_185 : i1 to i32
      %cond3A_187 = arith.constant 0 : i32
      %cond3A_188 = arith.cmpi ne, %convert_element_type3A_186, %cond3A_187 : i32
      scf.if %cond3A_188 {
        %mul3A_194 = arith.constant 2 : i32
        %mul3A_195 = arith.muli %mul3A_194, %scan3A_112 : i32
        %add3A_196 = arith.constant 1 : i32
        %add3A_197 = arith.addi %mul3A_195, %add3A_196 : i32
        %dma_wait3A_198 = arith.constant 0 : i32
        %dma_wait3A_199 = tpu.memref_slice %arg5[%dma_wait3A_198] : memref<320000xi32, #tpu.memory_space<hbm>> -> memref<16xi32, #tpu.memory_space<hbm>>
        %dma_wait3A_200 = arith.constant 0 : i32
        %dma_wait3A_201 = tpu.memref_slice %arg5[%dma_wait3A_200] : memref<320000xi32, #tpu.memory_space<hbm>> -> memref<16xi32, #tpu.memory_space<hbm>>
        tpu.wait_dma2 semaphore(%arg24 : memref<!tpu.dma_semaphore, #tpu.memory_space<semaphore_mem>>) src(%dma_wait3A_201 : memref<16xi32, #tpu.memory_space<hbm>>) dst(%arg8 : memref<16xi32, #tpu.memory_space<vmem>>)
        %dma_wait3A_202 = arith.constant 0 : i32
        %dma_wait3A_203 = tpu.memref_slice %arg6[%dma_wait3A_202] : memref<320000xi32, #tpu.memory_space<hbm>> -> memref<16xi32, #tpu.memory_space<hbm>>
        %dma_wait3A_204 = arith.constant 0 : i32
        %dma_wait3A_205 = tpu.memref_slice %arg6[%dma_wait3A_204] : memref<320000xi32, #tpu.memory_space<hbm>> -> memref<16xi32, #tpu.memory_space<hbm>>
        tpu.wait_dma2 semaphore(%arg24 : memref<!tpu.dma_semaphore, #tpu.memory_space<semaphore_mem>>) src(%dma_wait3A_205 : memref<16xi32, #tpu.memory_space<hbm>>) dst(%arg10 : memref<16xi32, #tpu.memory_space<vmem>>)
        %add3A_206 = arith.constant 1 : i32
        %add3A_207 = arith.addi %add3A_197, %add3A_206 : i32
        %dma_start3A_208 = arith.constant 0 : i32
        %dma_start3A_209 = arith.constant 0 : i32
        %dma_start3A_210 = tpu.memref_slice %arg2[%dma_start3A_208, %dma_start3A_209] : memref<10000x256xf32, #tpu.memory_space<hbm>> -> memref<10000x256xf32, #tpu.memory_space<hbm>>
        tpu.enqueue_indirect_dma source(%dma_start3A_210 : memref<10000x256xf32, #tpu.memory_space<hbm>>) target(%arg14 : memref<16x256xf32, #tpu.memory_space<vmem>>) offsets(%arg8 : memref<16xi32, #tpu.memory_space<vmem>>) semaphore(%arg26 : memref<!tpu.dma_semaphore, #tpu.memory_space<semaphore_mem>>)
        %dma_start3A_211 = arith.constant 0 : i32
        %dma_start3A_212 = arith.constant 0 : i32
        %dma_start3A_213 = tpu.memref_slice %arg3[%dma_start3A_211, %dma_start3A_212] : memref<10000x256xf32, #tpu.memory_space<hbm>> -> memref<10000x256xf32, #tpu.memory_space<hbm>>
        tpu.enqueue_indirect_dma source(%dma_start3A_213 : memref<10000x256xf32, #tpu.memory_space<hbm>>) target(%arg16 : memref<16x256xf32, #tpu.memory_space<vmem>>) offsets(%arg10 : memref<16xi32, #tpu.memory_space<vmem>>) semaphore(%arg26 : memref<!tpu.dma_semaphore, #tpu.memory_space<semaphore_mem>>)
        %mul3A_214 = arith.constant 16 : i32
        %mul3A_215 = arith.muli %add3A_207, %mul3A_214 : i32
        %add3A_216 = arith.addi %mul3A_2, %mul3A_215 : i32
        %dma_start3A_217 = arith.constant 0 : i32
        %dma_start3A_218 = tpu.memref_slice %arg4[%add3A_216, %dma_start3A_217] : memref<320000x256xf32, #tpu.memory_space<hbm>> -> memref<16x256xf32, #tpu.memory_space<hbm>>
        %dma_start3A_219 = arith.constant 0 : i32
        %dma_start3A_220 = tpu.memref_slice %arg4[%add3A_216, %dma_start3A_219] : memref<320000x256xf32, #tpu.memory_space<hbm>> -> memref<16x256xf32, #tpu.memory_space<hbm>>
        tpu.enqueue_dma source(%dma_start3A_220 : memref<16x256xf32, #tpu.memory_space<hbm>>) target(%arg18 : memref<16x256xf32, #tpu.memory_space<vmem>>) target_semaphore(%arg26 : memref<!tpu.dma_semaphore, #tpu.memory_space<semaphore_mem>>)
        %ge3A_221 = arith.constant 1 : i32
        %ge3A_222 = arith.cmpi sge, %scan3A_112, %ge3A_221 : i32
        %convert_element_type3A_223 = arith.extui %ge3A_222 : i1 to i32
        %cond3A_224 = arith.constant 0 : i32
        %cond3A_225 = arith.cmpi ne, %convert_element_type3A_223, %cond3A_224 : i32
        scf.if %cond3A_225 {
          %dma_wait3A_270 = arith.constant 0 : i32
          %dma_wait3A_271 = arith.constant 0 : i32
          %dma_wait3A_272 = tpu.memref_slice %arg23[%dma_wait3A_270, %dma_wait3A_271] : memref<10000x128xf32, #tpu.memory_space<vmem_shared>> -> memref<16x128xf32, #tpu.memory_space<vmem_shared>>
          %dma_wait3A_273 = arith.constant 0 : i32
          %dma_wait3A_274 = arith.constant 0 : i32
          %dma_wait3A_275 = tpu.memref_slice %arg23[%dma_wait3A_273, %dma_wait3A_274] : memref<10000x128xf32, #tpu.memory_space<vmem_shared>> -> memref<16x128xf32, #tpu.memory_space<vmem_shared>>
          tpu.wait_dma2 semaphore(%arg29 : memref<!tpu.dma_semaphore, #tpu.memory_space<semaphore_mem>>) src(%arg21 : memref<16x128xf32, #tpu.memory_space<vmem>>) dst(%dma_wait3A_275 : memref<16x128xf32, #tpu.memory_space<vmem_shared>>)
        } else {
        }
        %dma_wait3A_226 = arith.constant 0 : i32
        %dma_wait3A_227 = arith.constant 0 : i32
        %dma_wait3A_228 = tpu.memref_slice %arg2[%dma_wait3A_226, %dma_wait3A_227] : memref<10000x256xf32, #tpu.memory_space<hbm>> -> memref<16x256xf32, #tpu.memory_space<hbm>>
        %dma_wait3A_229 = arith.constant 0 : i32
        %dma_wait3A_230 = arith.constant 0 : i32
        %dma_wait3A_231 = tpu.memref_slice %arg2[%dma_wait3A_229, %dma_wait3A_230] : memref<10000x256xf32, #tpu.memory_space<hbm>> -> memref<16x256xf32, #tpu.memory_space<hbm>>
        tpu.wait_dma2 semaphore(%arg27 : memref<!tpu.dma_semaphore, #tpu.memory_space<semaphore_mem>>) src(%dma_wait3A_231 : memref<16x256xf32, #tpu.memory_space<hbm>>) dst(%arg15 : memref<16x256xf32, #tpu.memory_space<vmem>>)
        %dma_wait3A_232 = arith.constant 0 : i32
        %dma_wait3A_233 = arith.constant 0 : i32
        %dma_wait3A_234 = tpu.memref_slice %arg3[%dma_wait3A_232, %dma_wait3A_233] : memref<10000x256xf32, #tpu.memory_space<hbm>> -> memref<16x256xf32, #tpu.memory_space<hbm>>
        %dma_wait3A_235 = arith.constant 0 : i32
        %dma_wait3A_236 = arith.constant 0 : i32
        %dma_wait3A_237 = tpu.memref_slice %arg3[%dma_wait3A_235, %dma_wait3A_236] : memref<10000x256xf32, #tpu.memory_space<hbm>> -> memref<16x256xf32, #tpu.memory_space<hbm>>
        tpu.wait_dma2 semaphore(%arg27 : memref<!tpu.dma_semaphore, #tpu.memory_space<semaphore_mem>>) src(%dma_wait3A_237 : memref<16x256xf32, #tpu.memory_space<hbm>>) dst(%arg17 : memref<16x256xf32, #tpu.memory_space<vmem>>)
        %dma_wait3A_238 = arith.constant 0 : i32
        %dma_wait3A_239 = arith.constant 0 : i32
        %dma_wait3A_240 = tpu.memref_slice %arg4[%dma_wait3A_238, %dma_wait3A_239] : memref<320000x256xf32, #tpu.memory_space<hbm>> -> memref<16x256xf32, #tpu.memory_space<hbm>>
        %dma_wait3A_241 = arith.constant 0 : i32
        %dma_wait3A_242 = arith.constant 0 : i32
        %dma_wait3A_243 = tpu.memref_slice %arg4[%dma_wait3A_241, %dma_wait3A_242] : memref<320000x256xf32, #tpu.memory_space<hbm>> -> memref<16x256xf32, #tpu.memory_space<hbm>>
        tpu.wait_dma2 semaphore(%arg27 : memref<!tpu.dma_semaphore, #tpu.memory_space<semaphore_mem>>) src(%dma_wait3A_243 : memref<16x256xf32, #tpu.memory_space<hbm>>) dst(%arg19 : memref<16x256xf32, #tpu.memory_space<vmem>>)
        %get3A_244 = arith.constant 0 : index
        %get3A_245 = tpu.vector_load %arg11[%get3A_244] {strides = array<i32>} : memref<16xi32, #tpu.memory_space<vmem>>, vector<16xi32>,
        %get3A_246 = vector.shape_cast %get3A_245 : vector<16xi32> to vector<16xi32>
        %swap3A_247 = arith.constant 0 : index
        %swap3A_248 = tpu.vector_load %arg13[%swap3A_247] {strides = array<i32>} : memref<16xi32, #tpu.memory_space<vmem>>, vector<16xi32>,
        %swap3A_249 = vector.shape_cast %swap3A_248 : vector<16xi32> to vector<16xi32>
        %swap3A_250 = vector.shape_cast %get3A_246 : vector<16xi32> to vector<16xi32>
        tpu.vector_store %arg13[%swap3A_247], %swap3A_250 {strides = array<i32>} : memref<16xi32, #tpu.memory_space<vmem>>, vector<16xi32>,
        %add3A_251 = arith.constant 2 : i32
        %add3A_252 = arith.addi %add3A_197, %add3A_251 : i32
        %mul3A_253 = arith.constant 16 : i32
        %mul3A_254 = arith.muli %add3A_252, %mul3A_253 : i32
        %add3A_255 = arith.addi %mul3A_2, %mul3A_254 : i32
        %dma_start3A_256 = tpu.memref_slice %arg5[%add3A_255] : memref<320000xi32, #tpu.memory_space<hbm>> -> memref<16xi32, #tpu.memory_space<hbm>>
        %dma_start3A_257 = tpu.memref_slice %arg5[%add3A_255] : memref<320000xi32, #tpu.memory_space<hbm>> -> memref<16xi32, #tpu.memory_space<hbm>>
        tpu.enqueue_dma source(%dma_start3A_257 : memref<16xi32, #tpu.memory_space<hbm>>) target(%arg9 : memref<16xi32, #tpu.memory_space<vmem>>) target_semaphore(%arg25 : memref<!tpu.dma_semaphore, #tpu.memory_space<semaphore_mem>>)
        %dma_start3A_258 = tpu.memref_slice %arg6[%add3A_255] : memref<320000xi32, #tpu.memory_space<hbm>> -> memref<16xi32, #tpu.memory_space<hbm>>
        %dma_start3A_259 = tpu.memref_slice %arg6[%add3A_255] : memref<320000xi32, #tpu.memory_space<hbm>> -> memref<16xi32, #tpu.memory_space<hbm>>
        tpu.enqueue_dma source(%dma_start3A_259 : memref<16xi32, #tpu.memory_space<hbm>>) target(%arg11 : memref<16xi32, #tpu.memory_space<vmem>>) target_semaphore(%arg25 : memref<!tpu.dma_semaphore, #tpu.memory_space<semaphore_mem>>)
        %scan3A_260 = arith.constant 0 : i32
        %scan3A_261 = arith.constant 0 : i32
        %scan3A_262 = arith.constant 16 : i32
        %scan3A_263 = arith.addi %scan3A_261, %scan3A_262 : i32
        %scan3A_264 = arith.constant 1 : i32
        %scan3A_265 = scf.for %scan3A_270 = %scan3A_261 to %scan3A_263 step %scan3A_264 iter_args(%scan3A_271 = %scan3A_260) -> (i32)  : i32 {
          %get3A_272 = arith.index_cast %scan3A_270 : i32 to index
          %get3A_273 = arith.constant 0 : index
          %get3A_274 = tpu.vector_load %arg15[%get3A_272, %get3A_273] {strides = array<i32>} : memref<16x256xf32, #tpu.memory_space<vmem>>, vector<1x16xf32>,
          %get3A_275 = vector.shape_cast %get3A_274 : vector<1x16xf32> to vector<16xf32>
          %get3A_276 = arith.index_cast %scan3A_270 : i32 to index
          %get3A_277 = arith.constant 0 : index
          %get3A_278 = tpu.vector_load %arg17[%get3A_276, %get3A_277] {strides = array<i32>} : memref<16x256xf32, #tpu.memory_space<vmem>>, vector<1x16xf32>,
          %get3A_279 = vector.shape_cast %get3A_278 : vector<1x16xf32> to vector<16xf32>
          %add3A_280 = arith.addf %get3A_275, %get3A_279 : vector<16xf32>
          %get3A_281 = arith.index_cast %scan3A_270 : i32 to index
          %get3A_282 = arith.constant 0 : index
          %get3A_283 = tpu.vector_load %arg19[%get3A_281, %get3A_282] {strides = array<i32>} : memref<16x256xf32, #tpu.memory_space<vmem>>, vector<1x16xf32>,
          %get3A_284 = vector.shape_cast %get3A_283 : vector<1x16xf32> to vector<16xf32>
          %add3A_285 = arith.addf %add3A_280, %get3A_284 : vector<16xf32>
          %get3A_286 = arith.index_cast %scan3A_270 : i32 to index
          %get3A_287 = arith.constant 16 : index
          %get3A_288 = tpu.vector_load %arg15[%get3A_286, %get3A_287] {strides = array<i32>} : memref<16x256xf32, #tpu.memory_space<vmem>>, vector<1x16xf32>,
          %get3A_289 = vector.shape_cast %get3A_288 : vector<1x16xf32> to vector<16xf32>
          %get3A_290 = arith.index_cast %scan3A_270 : i32 to index
          %get3A_291 = arith.constant 16 : index
          %get3A_292 = tpu.vector_load %arg17[%get3A_290, %get3A_291] {strides = array<i32>} : memref<16x256xf32, #tpu.memory_space<vmem>>, vector<1x16xf32>,
          %get3A_293 = vector.shape_cast %get3A_292 : vector<1x16xf32> to vector<16xf32>
          %add3A_294 = arith.addf %get3A_289, %get3A_293 : vector<16xf32>
          %get3A_295 = arith.index_cast %scan3A_270 : i32 to index
          %get3A_296 = arith.constant 16 : index
          %get3A_297 = tpu.vector_load %arg19[%get3A_295, %get3A_296] {strides = array<i32>} : memref<16x256xf32, #tpu.memory_space<vmem>>, vector<1x16xf32>,
          %get3A_298 = vector.shape_cast %get3A_297 : vector<1x16xf32> to vector<16xf32>
          %add3A_299 = arith.addf %add3A_294, %get3A_298 : vector<16xf32>
          %get3A_300 = arith.index_cast %scan3A_270 : i32 to index
          %get3A_301 = arith.constant 32 : index
          %get3A_302 = tpu.vector_load %arg15[%get3A_300, %get3A_301] {strides = array<i32>} : memref<16x256xf32, #tpu.memory_space<vmem>>, vector<1x16xf32>,
          %get3A_303 = vector.shape_cast %get3A_302 : vector<1x16xf32> to vector<16xf32>
          %get3A_304 = arith.index_cast %scan3A_270 : i32 to index
          %get3A_305 = arith.constant 32 : index
          %get3A_306 = tpu.vector_load %arg17[%get3A_304, %get3A_305] {strides = array<i32>} : memref<16x256xf32, #tpu.memory_space<vmem>>, vector<1x16xf32>,
          %get3A_307 = vector.shape_cast %get3A_306 : vector<1x16xf32> to vector<16xf32>
          %add3A_308 = arith.addf %get3A_303, %get3A_307 : vector<16xf32>
          %get3A_309 = arith.index_cast %scan3A_270 : i32 to index
          %get3A_310 = arith.constant 32 : index
          %get3A_311 = tpu.vector_load %arg19[%get3A_309, %get3A_310] {strides = array<i32>} : memref<16x256xf32, #tpu.memory_space<vmem>>, vector<1x16xf32>,
          %get3A_312 = vector.shape_cast %get3A_311 : vector<1x16xf32> to vector<16xf32>
          %add3A_313 = arith.addf %add3A_308, %get3A_312 : vector<16xf32>
          %get3A_314 = arith.index_cast %scan3A_270 : i32 to index
          %get3A_315 = arith.constant 48 : index
          %get3A_316 = tpu.vector_load %arg15[%get3A_314, %get3A_315] {strides = array<i32>} : memref<16x256xf32, #tpu.memory_space<vmem>>, vector<1x16xf32>,
          %get3A_317 = vector.shape_cast %get3A_316 : vector<1x16xf32> to vector<16xf32>
          %get3A_318 = arith.index_cast %scan3A_270 : i32 to index
          %get3A_319 = arith.constant 48 : index
          %get3A_320 = tpu.vector_load %arg17[%get3A_318, %get3A_319] {strides = array<i32>} : memref<16x256xf32, #tpu.memory_space<vmem>>, vector<1x16xf32>,
          %get3A_321 = vector.shape_cast %get3A_320 : vector<1x16xf32> to vector<16xf32>
          %add3A_322 = arith.addf %get3A_317, %get3A_321 : vector<16xf32>
          %get3A_323 = arith.index_cast %scan3A_270 : i32 to index
          %get3A_324 = arith.constant 48 : index
          %get3A_325 = tpu.vector_load %arg19[%get3A_323, %get3A_324] {strides = array<i32>} : memref<16x256xf32, #tpu.memory_space<vmem>>, vector<1x16xf32>,
          %get3A_326 = vector.shape_cast %get3A_325 : vector<1x16xf32> to vector<16xf32>
          %add3A_327 = arith.addf %add3A_322, %get3A_326 : vector<16xf32>
          %get3A_328 = arith.index_cast %scan3A_270 : i32 to index
          %get3A_329 = arith.constant 128 : index
          %get3A_330 = tpu.vector_load %arg15[%get3A_328, %get3A_329] {strides = array<i32>} : memref<16x256xf32, #tpu.memory_space<vmem>>, vector<1x16xf32>,
          %get3A_331 = vector.shape_cast %get3A_330 : vector<1x16xf32> to vector<16xf32>
          %get3A_332 = arith.index_cast %scan3A_270 : i32 to index
          %get3A_333 = arith.constant 128 : index
          %get3A_334 = tpu.vector_load %arg17[%get3A_332, %get3A_333] {strides = array<i32>} : memref<16x256xf32, #tpu.memory_space<vmem>>, vector<1x16xf32>,
          %get3A_335 = vector.shape_cast %get3A_334 : vector<1x16xf32> to vector<16xf32>
          %add3A_336 = arith.addf %get3A_331, %get3A_335 : vector<16xf32>
          %get3A_337 = arith.index_cast %scan3A_270 : i32 to index
          %get3A_338 = arith.constant 128 : index
          %get3A_339 = tpu.vector_load %arg19[%get3A_337, %get3A_338] {strides = array<i32>} : memref<16x256xf32, #tpu.memory_space<vmem>>, vector<1x16xf32>,
          %get3A_340 = vector.shape_cast %get3A_339 : vector<1x16xf32> to vector<16xf32>
          %add3A_341 = arith.addf %add3A_336, %get3A_340 : vector<16xf32>
          %get3A_342 = arith.index_cast %scan3A_270 : i32 to index
          %get3A_343 = arith.constant 144 : index
          %get3A_344 = tpu.vector_load %arg15[%get3A_342, %get3A_343] {strides = array<i32>} : memref<16x256xf32, #tpu.memory_space<vmem>>, vector<1x16xf32>,
          %get3A_345 = vector.shape_cast %get3A_344 : vector<1x16xf32> to vector<16xf32>
          %get3A_346 = arith.index_cast %scan3A_270 : i32 to index
          %get3A_347 = arith.constant 144 : index
          %get3A_348 = tpu.vector_load %arg17[%get3A_346, %get3A_347] {strides = array<i32>} : memref<16x256xf32, #tpu.memory_space<vmem>>, vector<1x16xf32>,
          %get3A_349 = vector.shape_cast %get3A_348 : vector<1x16xf32> to vector<16xf32>
          %add3A_350 = arith.addf %get3A_345, %get3A_349 : vector<16xf32>
          %get3A_351 = arith.index_cast %scan3A_270 : i32 to index
          %get3A_352 = arith.constant 144 : index
          %get3A_353 = tpu.vector_load %arg19[%get3A_351, %get3A_352] {strides = array<i32>} : memref<16x256xf32, #tpu.memory_space<vmem>>, vector<1x16xf32>,
          %get3A_354 = vector.shape_cast %get3A_353 : vector<1x16xf32> to vector<16xf32>
          %add3A_355 = arith.addf %add3A_350, %get3A_354 : vector<16xf32>
          %get3A_356 = arith.index_cast %scan3A_270 : i32 to index
          %get3A_357 = arith.constant 160 : index
          %get3A_358 = tpu.vector_load %arg15[%get3A_356, %get3A_357] {strides = array<i32>} : memref<16x256xf32, #tpu.memory_space<vmem>>, vector<1x16xf32>,
          %get3A_359 = vector.shape_cast %get3A_358 : vector<1x16xf32> to vector<16xf32>
          %get3A_360 = arith.index_cast %scan3A_270 : i32 to index
          %get3A_361 = arith.constant 160 : index
          %get3A_362 = tpu.vector_load %arg17[%get3A_360, %get3A_361] {strides = array<i32>} : memref<16x256xf32, #tpu.memory_space<vmem>>, vector<1x16xf32>,
          %get3A_363 = vector.shape_cast %get3A_362 : vector<1x16xf32> to vector<16xf32>
          %add3A_364 = arith.addf %get3A_359, %get3A_363 : vector<16xf32>
          %get3A_365 = arith.index_cast %scan3A_270 : i32 to index
          %get3A_366 = arith.constant 160 : index
          %get3A_367 = tpu.vector_load %arg19[%get3A_365, %get3A_366] {strides = array<i32>} : memref<16x256xf32, #tpu.memory_space<vmem>>, vector<1x16xf32>,
          %get3A_368 = vector.shape_cast %get3A_367 : vector<1x16xf32> to vector<16xf32>
          %add3A_369 = arith.addf %add3A_364, %get3A_368 : vector<16xf32>
          %get3A_370 = arith.index_cast %scan3A_270 : i32 to index
          %get3A_371 = arith.constant 176 : index
          %get3A_372 = tpu.vector_load %arg15[%get3A_370, %get3A_371] {strides = array<i32>} : memref<16x256xf32, #tpu.memory_space<vmem>>, vector<1x16xf32>,
          %get3A_373 = vector.shape_cast %get3A_372 : vector<1x16xf32> to vector<16xf32>
          %get3A_374 = arith.index_cast %scan3A_270 : i32 to index
          %get3A_375 = arith.constant 176 : index
          %get3A_376 = tpu.vector_load %arg17[%get3A_374, %get3A_375] {strides = array<i32>} : memref<16x256xf32, #tpu.memory_space<vmem>>, vector<1x16xf32>,
          %get3A_377 = vector.shape_cast %get3A_376 : vector<1x16xf32> to vector<16xf32>
          %add3A_378 = arith.addf %get3A_373, %get3A_377 : vector<16xf32>
          %get3A_379 = arith.index_cast %scan3A_270 : i32 to index
          %get3A_380 = arith.constant 176 : index
          %get3A_381 = tpu.vector_load %arg19[%get3A_379, %get3A_380] {strides = array<i32>} : memref<16x256xf32, #tpu.memory_space<vmem>>, vector<1x16xf32>,
          %get3A_382 = vector.shape_cast %get3A_381 : vector<1x16xf32> to vector<16xf32>
          %add3A_383 = arith.addf %add3A_378, %get3A_382 : vector<16xf32>
          %neg3A = arith.constant 0.000000e+00 : f32
          %neg3A_384 = vector.broadcast %neg3A : f32 to vector<16xf32>
          %neg3A_385 = arith.subf %neg3A_384, %add3A_285 : vector<16xf32>
          %exp3A = math.exp %neg3A_385 : vector<16xf32>
          %neg3A_386 = arith.constant 0.000000e+00 : f32
          %neg3A_387 = vector.broadcast %neg3A_386 : f32 to vector<16xf32>
          %neg3A_388 = arith.subf %neg3A_387, %add3A_299 : vector<16xf32>
          %exp3A_389 = math.exp %neg3A_388 : vector<16xf32>
          %neg3A_390 = arith.constant 0.000000e+00 : f32
          %neg3A_391 = vector.broadcast %neg3A_390 : f32 to vector<16xf32>
          %neg3A_392 = arith.subf %neg3A_391, %add3A_313 : vector<16xf32>
          %exp3A_393 = math.exp %neg3A_392 : vector<16xf32>
          %neg3A_394 = arith.constant 0.000000e+00 : f32
          %neg3A_395 = vector.broadcast %neg3A_394 : f32 to vector<16xf32>
          %neg3A_396 = arith.subf %neg3A_395, %add3A_327 : vector<16xf32>
          %exp3A_397 = math.exp %neg3A_396 : vector<16xf32>
          %neg3A_398 = arith.constant 0.000000e+00 : f32
          %neg3A_399 = vector.broadcast %neg3A_398 : f32 to vector<16xf32>
          %neg3A_400 = arith.subf %neg3A_399, %add3A_341 : vector<16xf32>
          %exp3A_401 = math.exp %neg3A_400 : vector<16xf32>
          %neg3A_402 = arith.constant 0.000000e+00 : f32
          %neg3A_403 = vector.broadcast %neg3A_402 : f32 to vector<16xf32>
          %neg3A_404 = arith.subf %neg3A_403, %add3A_355 : vector<16xf32>
          %exp3A_405 = math.exp %neg3A_404 : vector<16xf32>
          %neg3A_406 = arith.constant 0.000000e+00 : f32
          %neg3A_407 = vector.broadcast %neg3A_406 : f32 to vector<16xf32>
          %neg3A_408 = arith.subf %neg3A_407, %add3A_369 : vector<16xf32>
          %exp3A_409 = math.exp %neg3A_408 : vector<16xf32>
          %neg3A_410 = arith.constant 0.000000e+00 : f32
          %neg3A_411 = vector.broadcast %neg3A_410 : f32 to vector<16xf32>
          %neg3A_412 = arith.subf %neg3A_411, %add3A_383 : vector<16xf32>
          %exp3A_413 = math.exp %neg3A_412 : vector<16xf32>
          %add3A_414 = arith.constant 1.000000e+00 : f32
          %add3A_415 = vector.broadcast %add3A_414 : f32 to vector<16xf32>
          %add3A_416 = arith.addf %add3A_415, %exp3A : vector<16xf32>
          %add3A_417 = arith.constant 1.000000e+00 : f32
          %add3A_418 = vector.broadcast %add3A_417 : f32 to vector<16xf32>
          %add3A_419 = arith.addf %add3A_418, %exp3A_401 : vector<16xf32>
          %mul3A_420 = arith.mulf %add3A_416, %add3A_419 : vector<16xf32>
          %div3A = arith.divf %add3A_341, %mul3A_420 : vector<16xf32>
          %swap3A_421 = arith.index_cast %scan3A_270 : i32 to index
          %swap3A_422 = arith.constant 0 : index
          %swap3A_423 = tpu.vector_load %arg21[%swap3A_421, %swap3A_422] {strides = array<i32>} : memref<16x128xf32, #tpu.memory_space<vmem>>, vector<1x16xf32>,
          %swap3A_424 = vector.shape_cast %swap3A_423 : vector<1x16xf32> to vector<16xf32>
          %swap3A_425 = vector.shape_cast %div3A : vector<16xf32> to vector<1x16xf32>
          tpu.vector_store %arg21[%swap3A_421, %swap3A_422], %swap3A_425 {strides = array<i32>} : memref<16x128xf32, #tpu.memory_space<vmem>>, vector<1x16xf32>,
          %add3A_426 = arith.constant 1.000000e+00 : f32
          %add3A_427 = vector.broadcast %add3A_426 : f32 to vector<16xf32>
          %add3A_428 = arith.addf %add3A_427, %exp3A_389 : vector<16xf32>
          %add3A_429 = arith.constant 1.000000e+00 : f32
          %add3A_430 = vector.broadcast %add3A_429 : f32 to vector<16xf32>
          %add3A_431 = arith.addf %add3A_430, %exp3A_405 : vector<16xf32>
          %mul3A_432 = arith.mulf %add3A_428, %add3A_431 : vector<16xf32>
          %div3A_433 = arith.divf %add3A_355, %mul3A_432 : vector<16xf32>
          %swap3A_434 = arith.index_cast %scan3A_270 : i32 to index
          %swap3A_435 = arith.constant 16 : index
          %swap3A_436 = tpu.vector_load %arg21[%swap3A_434, %swap3A_435] {strides = array<i32>} : memref<16x128xf32, #tpu.memory_space<vmem>>, vector<1x16xf32>,
          %swap3A_437 = vector.shape_cast %swap3A_436 : vector<1x16xf32> to vector<16xf32>
          %swap3A_438 = vector.shape_cast %div3A_433 : vector<16xf32> to vector<1x16xf32>
          tpu.vector_store %arg21[%swap3A_434, %swap3A_435], %swap3A_438 {strides = array<i32>} : memref<16x128xf32, #tpu.memory_space<vmem>>, vector<1x16xf32>,
          %add3A_439 = arith.constant 1.000000e+00 : f32
          %add3A_440 = vector.broadcast %add3A_439 : f32 to vector<16xf32>
          %add3A_441 = arith.addf %add3A_440, %exp3A_393 : vector<16xf32>
          %add3A_442 = arith.constant 1.000000e+00 : f32
          %add3A_443 = vector.broadcast %add3A_442 : f32 to vector<16xf32>
          %add3A_444 = arith.addf %add3A_443, %exp3A_409 : vector<16xf32>
          %mul3A_445 = arith.mulf %add3A_441, %add3A_444 : vector<16xf32>
          %div3A_446 = arith.divf %add3A_369, %mul3A_445 : vector<16xf32>
          %swap3A_447 = arith.index_cast %scan3A_270 : i32 to index
          %swap3A_448 = arith.constant 32 : index
          %swap3A_449 = tpu.vector_load %arg21[%swap3A_447, %swap3A_448] {strides = array<i32>} : memref<16x128xf32, #tpu.memory_space<vmem>>, vector<1x16xf32>,
          %swap3A_450 = vector.shape_cast %swap3A_449 : vector<1x16xf32> to vector<16xf32>
          %swap3A_451 = vector.shape_cast %div3A_446 : vector<16xf32> to vector<1x16xf32>
          tpu.vector_store %arg21[%swap3A_447, %swap3A_448], %swap3A_451 {strides = array<i32>} : memref<16x128xf32, #tpu.memory_space<vmem>>, vector<1x16xf32>,
          %add3A_452 = arith.constant 1.000000e+00 : f32
          %add3A_453 = vector.broadcast %add3A_452 : f32 to vector<16xf32>
          %add3A_454 = arith.addf %add3A_453, %exp3A_397 : vector<16xf32>
          %add3A_455 = arith.constant 1.000000e+00 : f32
          %add3A_456 = vector.broadcast %add3A_455 : f32 to vector<16xf32>
          %add3A_457 = arith.addf %add3A_456, %exp3A_413 : vector<16xf32>
          %mul3A_458 = arith.mulf %add3A_454, %add3A_457 : vector<16xf32>
          %div3A_459 = arith.divf %add3A_383, %mul3A_458 : vector<16xf32>
          %swap3A_460 = arith.index_cast %scan3A_270 : i32 to index
          %swap3A_461 = arith.constant 48 : index
          %swap3A_462 = tpu.vector_load %arg21[%swap3A_460, %swap3A_461] {strides = array<i32>} : memref<16x128xf32, #tpu.memory_space<vmem>>, vector<1x16xf32>,
          %swap3A_463 = vector.shape_cast %swap3A_462 : vector<1x16xf32> to vector<16xf32>
          %swap3A_464 = vector.shape_cast %div3A_459 : vector<16xf32> to vector<1x16xf32>
          tpu.vector_store %arg21[%swap3A_460, %swap3A_461], %swap3A_464 {strides = array<i32>} : memref<16x128xf32, #tpu.memory_space<vmem>>, vector<1x16xf32>,
          %get3A_465 = arith.index_cast %scan3A_270 : i32 to index
          %get3A_466 = arith.constant 64 : index
          %get3A_467 = tpu.vector_load %arg15[%get3A_465, %get3A_466] {strides = array<i32>} : memref<16x256xf32, #tpu.memory_space<vmem>>, vector<1x16xf32>,
          %get3A_468 = vector.shape_cast %get3A_467 : vector<1x16xf32> to vector<16xf32>
          %get3A_469 = arith.index_cast %scan3A_270 : i32 to index
          %get3A_470 = arith.constant 64 : index
          %get3A_471 = tpu.vector_load %arg17[%get3A_469, %get3A_470] {strides = array<i32>} : memref<16x256xf32, #tpu.memory_space<vmem>>, vector<1x16xf32>,
          %get3A_472 = vector.shape_cast %get3A_471 : vector<1x16xf32> to vector<16xf32>
          %add3A_473 = arith.addf %get3A_468, %get3A_472 : vector<16xf32>
          %get3A_474 = arith.index_cast %scan3A_270 : i32 to index
          %get3A_475 = arith.constant 64 : index
          %get3A_476 = tpu.vector_load %arg19[%get3A_474, %get3A_475] {strides = array<i32>} : memref<16x256xf32, #tpu.memory_space<vmem>>, vector<1x16xf32>,
          %get3A_477 = vector.shape_cast %get3A_476 : vector<1x16xf32> to vector<16xf32>
          %add3A_478 = arith.addf %add3A_473, %get3A_477 : vector<16xf32>
          %get3A_479 = arith.index_cast %scan3A_270 : i32 to index
          %get3A_480 = arith.constant 80 : index
          %get3A_481 = tpu.vector_load %arg15[%get3A_479, %get3A_480] {strides = array<i32>} : memref<16x256xf32, #tpu.memory_space<vmem>>, vector<1x16xf32>,
          %get3A_482 = vector.shape_cast %get3A_481 : vector<1x16xf32> to vector<16xf32>
          %get3A_483 = arith.index_cast %scan3A_270 : i32 to index
          %get3A_484 = arith.constant 80 : index
          %get3A_485 = tpu.vector_load %arg17[%get3A_483, %get3A_484] {strides = array<i32>} : memref<16x256xf32, #tpu.memory_space<vmem>>, vector<1x16xf32>,
          %get3A_486 = vector.shape_cast %get3A_485 : vector<1x16xf32> to vector<16xf32>
          %add3A_487 = arith.addf %get3A_482, %get3A_486 : vector<16xf32>
          %get3A_488 = arith.index_cast %scan3A_270 : i32 to index
          %get3A_489 = arith.constant 80 : index
          %get3A_490 = tpu.vector_load %arg19[%get3A_488, %get3A_489] {strides = array<i32>} : memref<16x256xf32, #tpu.memory_space<vmem>>, vector<1x16xf32>,
          %get3A_491 = vector.shape_cast %get3A_490 : vector<1x16xf32> to vector<16xf32>
          %add3A_492 = arith.addf %add3A_487, %get3A_491 : vector<16xf32>
          %get3A_493 = arith.index_cast %scan3A_270 : i32 to index
          %get3A_494 = arith.constant 96 : index
          %get3A_495 = tpu.vector_load %arg15[%get3A_493, %get3A_494] {strides = array<i32>} : memref<16x256xf32, #tpu.memory_space<vmem>>, vector<1x16xf32>,
          %get3A_496 = vector.shape_cast %get3A_495 : vector<1x16xf32> to vector<16xf32>
          %get3A_497 = arith.index_cast %scan3A_270 : i32 to index
          %get3A_498 = arith.constant 96 : index
          %get3A_499 = tpu.vector_load %arg17[%get3A_497, %get3A_498] {strides = array<i32>} : memref<16x256xf32, #tpu.memory_space<vmem>>, vector<1x16xf32>,
          %get3A_500 = vector.shape_cast %get3A_499 : vector<1x16xf32> to vector<16xf32>
          %add3A_501 = arith.addf %get3A_496, %get3A_500 : vector<16xf32>
          %get3A_502 = arith.index_cast %scan3A_270 : i32 to index
          %get3A_503 = arith.constant 96 : index
          %get3A_504 = tpu.vector_load %arg19[%get3A_502, %get3A_503] {strides = array<i32>} : memref<16x256xf32, #tpu.memory_space<vmem>>, vector<1x16xf32>,
          %get3A_505 = vector.shape_cast %get3A_504 : vector<1x16xf32> to vector<16xf32>
          %add3A_506 = arith.addf %add3A_501, %get3A_505 : vector<16xf32>
          %get3A_507 = arith.index_cast %scan3A_270 : i32 to index
          %get3A_508 = arith.constant 112 : index
          %get3A_509 = tpu.vector_load %arg15[%get3A_507, %get3A_508] {strides = array<i32>} : memref<16x256xf32, #tpu.memory_space<vmem>>, vector<1x16xf32>,
          %get3A_510 = vector.shape_cast %get3A_509 : vector<1x16xf32> to vector<16xf32>
          %get3A_511 = arith.index_cast %scan3A_270 : i32 to index
          %get3A_512 = arith.constant 112 : index
          %get3A_513 = tpu.vector_load %arg17[%get3A_511, %get3A_512] {strides = array<i32>} : memref<16x256xf32, #tpu.memory_space<vmem>>, vector<1x16xf32>,
          %get3A_514 = vector.shape_cast %get3A_513 : vector<1x16xf32> to vector<16xf32>
          %add3A_515 = arith.addf %get3A_510, %get3A_514 : vector<16xf32>
          %get3A_516 = arith.index_cast %scan3A_270 : i32 to index
          %get3A_517 = arith.constant 112 : index
          %get3A_518 = tpu.vector_load %arg19[%get3A_516, %get3A_517] {strides = array<i32>} : memref<16x256xf32, #tpu.memory_space<vmem>>, vector<1x16xf32>,
          %get3A_519 = vector.shape_cast %get3A_518 : vector<1x16xf32> to vector<16xf32>
          %add3A_520 = arith.addf %add3A_515, %get3A_519 : vector<16xf32>
          %get3A_521 = arith.index_cast %scan3A_270 : i32 to index
          %get3A_522 = arith.constant 192 : index
          %get3A_523 = tpu.vector_load %arg15[%get3A_521, %get3A_522] {strides = array<i32>} : memref<16x256xf32, #tpu.memory_space<vmem>>, vector<1x16xf32>,
          %get3A_524 = vector.shape_cast %get3A_523 : vector<1x16xf32> to vector<16xf32>
          %get3A_525 = arith.index_cast %scan3A_270 : i32 to index
          %get3A_526 = arith.constant 192 : index
          %get3A_527 = tpu.vector_load %arg17[%get3A_525, %get3A_526] {strides = array<i32>} : memref<16x256xf32, #tpu.memory_space<vmem>>, vector<1x16xf32>,
          %get3A_528 = vector.shape_cast %get3A_527 : vector<1x16xf32> to vector<16xf32>
          %add3A_529 = arith.addf %get3A_524, %get3A_528 : vector<16xf32>
          %get3A_530 = arith.index_cast %scan3A_270 : i32 to index
          %get3A_531 = arith.constant 192 : index
          %get3A_532 = tpu.vector_load %arg19[%get3A_530, %get3A_531] {strides = array<i32>} : memref<16x256xf32, #tpu.memory_space<vmem>>, vector<1x16xf32>,
          %get3A_533 = vector.shape_cast %get3A_532 : vector<1x16xf32> to vector<16xf32>
          %add3A_534 = arith.addf %add3A_529, %get3A_533 : vector<16xf32>
          %get3A_535 = arith.index_cast %scan3A_270 : i32 to index
          %get3A_536 = arith.constant 208 : index
          %get3A_537 = tpu.vector_load %arg15[%get3A_535, %get3A_536] {strides = array<i32>} : memref<16x256xf32, #tpu.memory_space<vmem>>, vector<1x16xf32>,
          %get3A_538 = vector.shape_cast %get3A_537 : vector<1x16xf32> to vector<16xf32>
          %get3A_539 = arith.index_cast %scan3A_270 : i32 to index
          %get3A_540 = arith.constant 208 : index
          %get3A_541 = tpu.vector_load %arg17[%get3A_539, %get3A_540] {strides = array<i32>} : memref<16x256xf32, #tpu.memory_space<vmem>>, vector<1x16xf32>,
          %get3A_542 = vector.shape_cast %get3A_541 : vector<1x16xf32> to vector<16xf32>
          %add3A_543 = arith.addf %get3A_538, %get3A_542 : vector<16xf32>
          %get3A_544 = arith.index_cast %scan3A_270 : i32 to index
          %get3A_545 = arith.constant 208 : index
          %get3A_546 = tpu.vector_load %arg19[%get3A_544, %get3A_545] {strides = array<i32>} : memref<16x256xf32, #tpu.memory_space<vmem>>, vector<1x16xf32>,
          %get3A_547 = vector.shape_cast %get3A_546 : vector<1x16xf32> to vector<16xf32>
          %add3A_548 = arith.addf %add3A_543, %get3A_547 : vector<16xf32>
          %get3A_549 = arith.index_cast %scan3A_270 : i32 to index
          %get3A_550 = arith.constant 224 : index
          %get3A_551 = tpu.vector_load %arg15[%get3A_549, %get3A_550] {strides = array<i32>} : memref<16x256xf32, #tpu.memory_space<vmem>>, vector<1x16xf32>,
          %get3A_552 = vector.shape_cast %get3A_551 : vector<1x16xf32> to vector<16xf32>
          %get3A_553 = arith.index_cast %scan3A_270 : i32 to index
          %get3A_554 = arith.constant 224 : index
          %get3A_555 = tpu.vector_load %arg17[%get3A_553, %get3A_554] {strides = array<i32>} : memref<16x256xf32, #tpu.memory_space<vmem>>, vector<1x16xf32>,
          %get3A_556 = vector.shape_cast %get3A_555 : vector<1x16xf32> to vector<16xf32>
          %add3A_557 = arith.addf %get3A_552, %get3A_556 : vector<16xf32>
          %get3A_558 = arith.index_cast %scan3A_270 : i32 to index
          %get3A_559 = arith.constant 224 : index
          %get3A_560 = tpu.vector_load %arg19[%get3A_558, %get3A_559] {strides = array<i32>} : memref<16x256xf32, #tpu.memory_space<vmem>>, vector<1x16xf32>,
          %get3A_561 = vector.shape_cast %get3A_560 : vector<1x16xf32> to vector<16xf32>
          %add3A_562 = arith.addf %add3A_557, %get3A_561 : vector<16xf32>
          %get3A_563 = arith.index_cast %scan3A_270 : i32 to index
          %get3A_564 = arith.constant 240 : index
          %get3A_565 = tpu.vector_load %arg15[%get3A_563, %get3A_564] {strides = array<i32>} : memref<16x256xf32, #tpu.memory_space<vmem>>, vector<1x16xf32>,
          %get3A_566 = vector.shape_cast %get3A_565 : vector<1x16xf32> to vector<16xf32>
          %get3A_567 = arith.index_cast %scan3A_270 : i32 to index
          %get3A_568 = arith.constant 240 : index
          %get3A_569 = tpu.vector_load %arg17[%get3A_567, %get3A_568] {strides = array<i32>} : memref<16x256xf32, #tpu.memory_space<vmem>>, vector<1x16xf32>,
          %get3A_570 = vector.shape_cast %get3A_569 : vector<1x16xf32> to vector<16xf32>
          %add3A_571 = arith.addf %get3A_566, %get3A_570 : vector<16xf32>
          %get3A_572 = arith.index_cast %scan3A_270 : i32 to index
          %get3A_573 = arith.constant 240 : index
          %get3A_574 = tpu.vector_load %arg19[%get3A_572, %get3A_573] {strides = array<i32>} : memref<16x256xf32, #tpu.memory_space<vmem>>, vector<1x16xf32>,
          %get3A_575 = vector.shape_cast %get3A_574 : vector<1x16xf32> to vector<16xf32>
          %add3A_576 = arith.addf %add3A_571, %get3A_575 : vector<16xf32>
          %neg3A_577 = arith.constant 0.000000e+00 : f32
          %neg3A_578 = vector.broadcast %neg3A_577 : f32 to vector<16xf32>
          %neg3A_579 = arith.subf %neg3A_578, %add3A_478 : vector<16xf32>
          %exp3A_580 = math.exp %neg3A_579 : vector<16xf32>
          %neg3A_581 = arith.constant 0.000000e+00 : f32
          %neg3A_582 = vector.broadcast %neg3A_581 : f32 to vector<16xf32>
          %neg3A_583 = arith.subf %neg3A_582, %add3A_492 : vector<16xf32>
          %exp3A_584 = math.exp %neg3A_583 : vector<16xf32>
          %neg3A_585 = arith.constant 0.000000e+00 : f32
          %neg3A_586 = vector.broadcast %neg3A_585 : f32 to vector<16xf32>
          %neg3A_587 = arith.subf %neg3A_586, %add3A_506 : vector<16xf32>
          %exp3A_588 = math.exp %neg3A_587 : vector<16xf32>
          %neg3A_589 = arith.constant 0.000000e+00 : f32
          %neg3A_590 = vector.broadcast %neg3A_589 : f32 to vector<16xf32>
          %neg3A_591 = arith.subf %neg3A_590, %add3A_520 : vector<16xf32>
          %exp3A_592 = math.exp %neg3A_591 : vector<16xf32>
          %neg3A_593 = arith.constant 0.000000e+00 : f32
          %neg3A_594 = vector.broadcast %neg3A_593 : f32 to vector<16xf32>
          %neg3A_595 = arith.subf %neg3A_594, %add3A_534 : vector<16xf32>
          %exp3A_596 = math.exp %neg3A_595 : vector<16xf32>
          %neg3A_597 = arith.constant 0.000000e+00 : f32
          %neg3A_598 = vector.broadcast %neg3A_597 : f32 to vector<16xf32>
          %neg3A_599 = arith.subf %neg3A_598, %add3A_548 : vector<16xf32>
          %exp3A_600 = math.exp %neg3A_599 : vector<16xf32>
          %neg3A_601 = arith.constant 0.000000e+00 : f32
          %neg3A_602 = vector.broadcast %neg3A_601 : f32 to vector<16xf32>
          %neg3A_603 = arith.subf %neg3A_602, %add3A_562 : vector<16xf32>
          %exp3A_604 = math.exp %neg3A_603 : vector<16xf32>
          %neg3A_605 = arith.constant 0.000000e+00 : f32
          %neg3A_606 = vector.broadcast %neg3A_605 : f32 to vector<16xf32>
          %neg3A_607 = arith.subf %neg3A_606, %add3A_576 : vector<16xf32>
          %exp3A_608 = math.exp %neg3A_607 : vector<16xf32>
          %add3A_609 = arith.constant 1.000000e+00 : f32
          %add3A_610 = vector.broadcast %add3A_609 : f32 to vector<16xf32>
          %add3A_611 = arith.addf %add3A_610, %exp3A_580 : vector<16xf32>
          %add3A_612 = arith.constant 1.000000e+00 : f32
          %add3A_613 = vector.broadcast %add3A_612 : f32 to vector<16xf32>
          %add3A_614 = arith.addf %add3A_613, %exp3A_596 : vector<16xf32>
          %mul3A_615 = arith.mulf %add3A_611, %add3A_614 : vector<16xf32>
          %div3A_616 = arith.divf %add3A_534, %mul3A_615 : vector<16xf32>
          %swap3A_617 = arith.index_cast %scan3A_270 : i32 to index
          %swap3A_618 = arith.constant 64 : index
          %swap3A_619 = tpu.vector_load %arg21[%swap3A_617, %swap3A_618] {strides = array<i32>} : memref<16x128xf32, #tpu.memory_space<vmem>>, vector<1x16xf32>,
          %swap3A_620 = vector.shape_cast %swap3A_619 : vector<1x16xf32> to vector<16xf32>
          %swap3A_621 = vector.shape_cast %div3A_616 : vector<16xf32> to vector<1x16xf32>
          tpu.vector_store %arg21[%swap3A_617, %swap3A_618], %swap3A_621 {strides = array<i32>} : memref<16x128xf32, #tpu.memory_space<vmem>>, vector<1x16xf32>,
          %add3A_622 = arith.constant 1.000000e+00 : f32
          %add3A_623 = vector.broadcast %add3A_622 : f32 to vector<16xf32>
          %add3A_624 = arith.addf %add3A_623, %exp3A_584 : vector<16xf32>
          %add3A_625 = arith.constant 1.000000e+00 : f32
          %add3A_626 = vector.broadcast %add3A_625 : f32 to vector<16xf32>
          %add3A_627 = arith.addf %add3A_626, %exp3A_600 : vector<16xf32>
          %mul3A_628 = arith.mulf %add3A_624, %add3A_627 : vector<16xf32>
          %div3A_629 = arith.divf %add3A_548, %mul3A_628 : vector<16xf32>
          %swap3A_630 = arith.index_cast %scan3A_270 : i32 to index
          %swap3A_631 = arith.constant 80 : index
          %swap3A_632 = tpu.vector_load %arg21[%swap3A_630, %swap3A_631] {strides = array<i32>} : memref<16x128xf32, #tpu.memory_space<vmem>>, vector<1x16xf32>,
          %swap3A_633 = vector.shape_cast %swap3A_632 : vector<1x16xf32> to vector<16xf32>
          %swap3A_634 = vector.shape_cast %div3A_629 : vector<16xf32> to vector<1x16xf32>
          tpu.vector_store %arg21[%swap3A_630, %swap3A_631], %swap3A_634 {strides = array<i32>} : memref<16x128xf32, #tpu.memory_space<vmem>>, vector<1x16xf32>,
          %add3A_635 = arith.constant 1.000000e+00 : f32
          %add3A_636 = vector.broadcast %add3A_635 : f32 to vector<16xf32>
          %add3A_637 = arith.addf %add3A_636, %exp3A_588 : vector<16xf32>
          %add3A_638 = arith.constant 1.000000e+00 : f32
          %add3A_639 = vector.broadcast %add3A_638 : f32 to vector<16xf32>
          %add3A_640 = arith.addf %add3A_639, %exp3A_604 : vector<16xf32>
          %mul3A_641 = arith.mulf %add3A_637, %add3A_640 : vector<16xf32>
          %div3A_642 = arith.divf %add3A_562, %mul3A_641 : vector<16xf32>
          %swap3A_643 = arith.index_cast %scan3A_270 : i32 to index
          %swap3A_644 = arith.constant 96 : index
          %swap3A_645 = tpu.vector_load %arg21[%swap3A_643, %swap3A_644] {strides = array<i32>} : memref<16x128xf32, #tpu.memory_space<vmem>>, vector<1x16xf32>,
          %swap3A_646 = vector.shape_cast %swap3A_645 : vector<1x16xf32> to vector<16xf32>
          %swap3A_647 = vector.shape_cast %div3A_642 : vector<16xf32> to vector<1x16xf32>
          tpu.vector_store %arg21[%swap3A_643, %swap3A_644], %swap3A_647 {strides = array<i32>} : memref<16x128xf32, #tpu.memory_space<vmem>>, vector<1x16xf32>,
          %add3A_648 = arith.constant 1.000000e+00 : f32
          %add3A_649 = vector.broadcast %add3A_648 : f32 to vector<16xf32>
          %add3A_650 = arith.addf %add3A_649, %exp3A_592 : vector<16xf32>
          %add3A_651 = arith.constant 1.000000e+00 : f32
          %add3A_652 = vector.broadcast %add3A_651 : f32 to vector<16xf32>
          %add3A_653 = arith.addf %add3A_652, %exp3A_608 : vector<16xf32>
          %mul3A_654 = arith.mulf %add3A_650, %add3A_653 : vector<16xf32>
          %div3A_655 = arith.divf %add3A_576, %mul3A_654 : vector<16xf32>
          %swap3A_656 = arith.index_cast %scan3A_270 : i32 to index
          %swap3A_657 = arith.constant 112 : index
          %swap3A_658 = tpu.vector_load %arg21[%swap3A_656, %swap3A_657] {strides = array<i32>} : memref<16x128xf32, #tpu.memory_space<vmem>>, vector<1x16xf32>,
          %swap3A_659 = vector.shape_cast %swap3A_658 : vector<1x16xf32> to vector<16xf32>
          %swap3A_660 = vector.shape_cast %div3A_655 : vector<16xf32> to vector<1x16xf32>
          tpu.vector_store %arg21[%swap3A_656, %swap3A_657], %swap3A_660 {strides = array<i32>} : memref<16x128xf32, #tpu.memory_space<vmem>>, vector<1x16xf32>,
          %scan3A_661 = arith.constant 0 : i32
          scf.yield %scan3A_661 : i32
        }
        %scan3A_266 = arith.constant 16 : i32
        %dma_start3A_267 = arith.constant 0 : i32
        %dma_start3A_268 = arith.constant 0 : i32
        %dma_start3A_269 = tpu.memref_slice %arg23[%dma_start3A_267, %dma_start3A_268] : memref<10000x128xf32, #tpu.memory_space<vmem_shared>> -> memref<10000x128xf32, #tpu.memory_space<vmem_shared>>
        tpu.enqueue_indirect_dma source(%arg21 : memref<16x128xf32, #tpu.memory_space<vmem>>) target(%dma_start3A_269 : memref<10000x128xf32, #tpu.memory_space<vmem_shared>>) offsets(%arg13 : memref<16xi32, #tpu.memory_space<vmem>>) semaphore(%arg29 : memref<!tpu.dma_semaphore, #tpu.memory_space<semaphore_mem>>) {add = true}
      } else {
      }
      %eq3A = arith.constant 311 : i32
      %eq3A_189 = arith.cmpi eq, %scan3A_112, %eq3A : i32
      %convert_element_type3A_190 = arith.extui %eq3A_189 : i1 to i32
      %cond3A_191 = arith.constant 0 : i32
      %cond3A_192 = arith.cmpi ne, %convert_element_type3A_190, %cond3A_191 : i32
      scf.if %cond3A_192 {
        %mul3A_194 = arith.constant 2 : i32
        %mul3A_195 = arith.muli %mul3A_194, %scan3A_112 : i32
        %add3A_196 = arith.constant 1 : i32
        %add3A_197 = arith.addi %mul3A_195, %add3A_196 : i32
        %dma_wait3A_198 = arith.constant 0 : i32
        %dma_wait3A_199 = tpu.memref_slice %arg5[%dma_wait3A_198] : memref<320000xi32, #tpu.memory_space<hbm>> -> memref<16xi32, #tpu.memory_space<hbm>>
        %dma_wait3A_200 = arith.constant 0 : i32
        %dma_wait3A_201 = tpu.memref_slice %arg5[%dma_wait3A_200] : memref<320000xi32, #tpu.memory_space<hbm>> -> memref<16xi32, #tpu.memory_space<hbm>>
        tpu.wait_dma2 semaphore(%arg24 : memref<!tpu.dma_semaphore, #tpu.memory_space<semaphore_mem>>) src(%dma_wait3A_201 : memref<16xi32, #tpu.memory_space<hbm>>) dst(%arg8 : memref<16xi32, #tpu.memory_space<vmem>>)
        %dma_wait3A_202 = arith.constant 0 : i32
        %dma_wait3A_203 = tpu.memref_slice %arg6[%dma_wait3A_202] : memref<320000xi32, #tpu.memory_space<hbm>> -> memref<16xi32, #tpu.memory_space<hbm>>
        %dma_wait3A_204 = arith.constant 0 : i32
        %dma_wait3A_205 = tpu.memref_slice %arg6[%dma_wait3A_204] : memref<320000xi32, #tpu.memory_space<hbm>> -> memref<16xi32, #tpu.memory_space<hbm>>
        tpu.wait_dma2 semaphore(%arg24 : memref<!tpu.dma_semaphore, #tpu.memory_space<semaphore_mem>>) src(%dma_wait3A_205 : memref<16xi32, #tpu.memory_space<hbm>>) dst(%arg10 : memref<16xi32, #tpu.memory_space<vmem>>)
        %add3A_206 = arith.constant 1 : i32
        %add3A_207 = arith.addi %add3A_197, %add3A_206 : i32
        %dma_start3A_208 = arith.constant 0 : i32
        %dma_start3A_209 = arith.constant 0 : i32
        %dma_start3A_210 = tpu.memref_slice %arg2[%dma_start3A_208, %dma_start3A_209] : memref<10000x256xf32, #tpu.memory_space<hbm>> -> memref<10000x256xf32, #tpu.memory_space<hbm>>
        tpu.enqueue_indirect_dma source(%dma_start3A_210 : memref<10000x256xf32, #tpu.memory_space<hbm>>) target(%arg14 : memref<16x256xf32, #tpu.memory_space<vmem>>) offsets(%arg8 : memref<16xi32, #tpu.memory_space<vmem>>) semaphore(%arg26 : memref<!tpu.dma_semaphore, #tpu.memory_space<semaphore_mem>>)
        %dma_start3A_211 = arith.constant 0 : i32
        %dma_start3A_212 = arith.constant 0 : i32
        %dma_start3A_213 = tpu.memref_slice %arg3[%dma_start3A_211, %dma_start3A_212] : memref<10000x256xf32, #tpu.memory_space<hbm>> -> memref<10000x256xf32, #tpu.memory_space<hbm>>
        tpu.enqueue_indirect_dma source(%dma_start3A_213 : memref<10000x256xf32, #tpu.memory_space<hbm>>) target(%arg16 : memref<16x256xf32, #tpu.memory_space<vmem>>) offsets(%arg10 : memref<16xi32, #tpu.memory_space<vmem>>) semaphore(%arg26 : memref<!tpu.dma_semaphore, #tpu.memory_space<semaphore_mem>>)
        %mul3A_214 = arith.constant 16 : i32
        %mul3A_215 = arith.muli %add3A_207, %mul3A_214 : i32
        %add3A_216 = arith.addi %mul3A_2, %mul3A_215 : i32
        %dma_start3A_217 = arith.constant 0 : i32
        %dma_start3A_218 = tpu.memref_slice %arg4[%add3A_216, %dma_start3A_217] : memref<320000x256xf32, #tpu.memory_space<hbm>> -> memref<16x256xf32, #tpu.memory_space<hbm>>
        %dma_start3A_219 = arith.constant 0 : i32
        %dma_start3A_220 = tpu.memref_slice %arg4[%add3A_216, %dma_start3A_219] : memref<320000x256xf32, #tpu.memory_space<hbm>> -> memref<16x256xf32, #tpu.memory_space<hbm>>
        tpu.enqueue_dma source(%dma_start3A_220 : memref<16x256xf32, #tpu.memory_space<hbm>>) target(%arg18 : memref<16x256xf32, #tpu.memory_space<vmem>>) target_semaphore(%arg26 : memref<!tpu.dma_semaphore, #tpu.memory_space<semaphore_mem>>)
        %ge3A_221 = arith.constant 1 : i32
        %ge3A_222 = arith.cmpi sge, %scan3A_112, %ge3A_221 : i32
        %convert_element_type3A_223 = arith.extui %ge3A_222 : i1 to i32
        %cond3A_224 = arith.constant 0 : i32
        %cond3A_225 = arith.cmpi ne, %convert_element_type3A_223, %cond3A_224 : i32
        scf.if %cond3A_225 {
          %dma_wait3A_261 = arith.constant 0 : i32
          %dma_wait3A_262 = arith.constant 0 : i32
          %dma_wait3A_263 = tpu.memref_slice %arg23[%dma_wait3A_261, %dma_wait3A_262] : memref<10000x128xf32, #tpu.memory_space<vmem_shared>> -> memref<16x128xf32, #tpu.memory_space<vmem_shared>>
          %dma_wait3A_264 = arith.constant 0 : i32
          %dma_wait3A_265 = arith.constant 0 : i32
          %dma_wait3A_266 = tpu.memref_slice %arg23[%dma_wait3A_264, %dma_wait3A_265] : memref<10000x128xf32, #tpu.memory_space<vmem_shared>> -> memref<16x128xf32, #tpu.memory_space<vmem_shared>>
          tpu.wait_dma2 semaphore(%arg29 : memref<!tpu.dma_semaphore, #tpu.memory_space<semaphore_mem>>) src(%arg21 : memref<16x128xf32, #tpu.memory_space<vmem>>) dst(%dma_wait3A_266 : memref<16x128xf32, #tpu.memory_space<vmem_shared>>)
        } else {
        }
        %dma_wait3A_226 = arith.constant 0 : i32
        %dma_wait3A_227 = arith.constant 0 : i32
        %dma_wait3A_228 = tpu.memref_slice %arg2[%dma_wait3A_226, %dma_wait3A_227] : memref<10000x256xf32, #tpu.memory_space<hbm>> -> memref<16x256xf32, #tpu.memory_space<hbm>>
        %dma_wait3A_229 = arith.constant 0 : i32
        %dma_wait3A_230 = arith.constant 0 : i32
        %dma_wait3A_231 = tpu.memref_slice %arg2[%dma_wait3A_229, %dma_wait3A_230] : memref<10000x256xf32, #tpu.memory_space<hbm>> -> memref<16x256xf32, #tpu.memory_space<hbm>>
        tpu.wait_dma2 semaphore(%arg27 : memref<!tpu.dma_semaphore, #tpu.memory_space<semaphore_mem>>) src(%dma_wait3A_231 : memref<16x256xf32, #tpu.memory_space<hbm>>) dst(%arg15 : memref<16x256xf32, #tpu.memory_space<vmem>>)
        %dma_wait3A_232 = arith.constant 0 : i32
        %dma_wait3A_233 = arith.constant 0 : i32
        %dma_wait3A_234 = tpu.memref_slice %arg3[%dma_wait3A_232, %dma_wait3A_233] : memref<10000x256xf32, #tpu.memory_space<hbm>> -> memref<16x256xf32, #tpu.memory_space<hbm>>
        %dma_wait3A_235 = arith.constant 0 : i32
        %dma_wait3A_236 = arith.constant 0 : i32
        %dma_wait3A_237 = tpu.memref_slice %arg3[%dma_wait3A_235, %dma_wait3A_236] : memref<10000x256xf32, #tpu.memory_space<hbm>> -> memref<16x256xf32, #tpu.memory_space<hbm>>
        tpu.wait_dma2 semaphore(%arg27 : memref<!tpu.dma_semaphore, #tpu.memory_space<semaphore_mem>>) src(%dma_wait3A_237 : memref<16x256xf32, #tpu.memory_space<hbm>>) dst(%arg17 : memref<16x256xf32, #tpu.memory_space<vmem>>)
        %dma_wait3A_238 = arith.constant 0 : i32
        %dma_wait3A_239 = arith.constant 0 : i32
        %dma_wait3A_240 = tpu.memref_slice %arg4[%dma_wait3A_238, %dma_wait3A_239] : memref<320000x256xf32, #tpu.memory_space<hbm>> -> memref<16x256xf32, #tpu.memory_space<hbm>>
        %dma_wait3A_241 = arith.constant 0 : i32
        %dma_wait3A_242 = arith.constant 0 : i32
        %dma_wait3A_243 = tpu.memref_slice %arg4[%dma_wait3A_241, %dma_wait3A_242] : memref<320000x256xf32, #tpu.memory_space<hbm>> -> memref<16x256xf32, #tpu.memory_space<hbm>>
        tpu.wait_dma2 semaphore(%arg27 : memref<!tpu.dma_semaphore, #tpu.memory_space<semaphore_mem>>) src(%dma_wait3A_243 : memref<16x256xf32, #tpu.memory_space<hbm>>) dst(%arg19 : memref<16x256xf32, #tpu.memory_space<vmem>>)
        %get3A_244 = arith.constant 0 : index
        %get3A_245 = tpu.vector_load %arg11[%get3A_244] {strides = array<i32>} : memref<16xi32, #tpu.memory_space<vmem>>, vector<16xi32>,
        %get3A_246 = vector.shape_cast %get3A_245 : vector<16xi32> to vector<16xi32>
        %swap3A_247 = arith.constant 0 : index
        %swap3A_248 = tpu.vector_load %arg13[%swap3A_247] {strides = array<i32>} : memref<16xi32, #tpu.memory_space<vmem>>, vector<16xi32>,
        %swap3A_249 = vector.shape_cast %swap3A_248 : vector<16xi32> to vector<16xi32>
        %swap3A_250 = vector.shape_cast %get3A_246 : vector<16xi32> to vector<16xi32>
        tpu.vector_store %arg13[%swap3A_247], %swap3A_250 {strides = array<i32>} : memref<16xi32, #tpu.memory_space<vmem>>, vector<16xi32>,
        %scan3A_251 = arith.constant 0 : i32
        %scan3A_252 = arith.constant 0 : i32
        %scan3A_253 = arith.constant 16 : i32
        %scan3A_254 = arith.addi %scan3A_252, %scan3A_253 : i32
        %scan3A_255 = arith.constant 1 : i32
        %scan3A_256 = scf.for %scan3A_261 = %scan3A_252 to %scan3A_254 step %scan3A_255 iter_args(%scan3A_262 = %scan3A_251) -> (i32)  : i32 {
          %get3A_263 = arith.index_cast %scan3A_261 : i32 to index
          %get3A_264 = arith.constant 0 : index
          %get3A_265 = tpu.vector_load %arg15[%get3A_263, %get3A_264] {strides = array<i32>} : memref<16x256xf32, #tpu.memory_space<vmem>>, vector<1x16xf32>,
          %get3A_266 = vector.shape_cast %get3A_265 : vector<1x16xf32> to vector<16xf32>
          %get3A_267 = arith.index_cast %scan3A_261 : i32 to index
          %get3A_268 = arith.constant 0 : index
          %get3A_269 = tpu.vector_load %arg17[%get3A_267, %get3A_268] {strides = array<i32>} : memref<16x256xf32, #tpu.memory_space<vmem>>, vector<1x16xf32>,
          %get3A_270 = vector.shape_cast %get3A_269 : vector<1x16xf32> to vector<16xf32>
          %add3A_271 = arith.addf %get3A_266, %get3A_270 : vector<16xf32>
          %get3A_272 = arith.index_cast %scan3A_261 : i32 to index
          %get3A_273 = arith.constant 0 : index
          %get3A_274 = tpu.vector_load %arg19[%get3A_272, %get3A_273] {strides = array<i32>} : memref<16x256xf32, #tpu.memory_space<vmem>>, vector<1x16xf32>,
          %get3A_275 = vector.shape_cast %get3A_274 : vector<1x16xf32> to vector<16xf32>
          %add3A_276 = arith.addf %add3A_271, %get3A_275 : vector<16xf32>
          %get3A_277 = arith.index_cast %scan3A_261 : i32 to index
          %get3A_278 = arith.constant 16 : index
          %get3A_279 = tpu.vector_load %arg15[%get3A_277, %get3A_278] {strides = array<i32>} : memref<16x256xf32, #tpu.memory_space<vmem>>, vector<1x16xf32>,
          %get3A_280 = vector.shape_cast %get3A_279 : vector<1x16xf32> to vector<16xf32>
          %get3A_281 = arith.index_cast %scan3A_261 : i32 to index
          %get3A_282 = arith.constant 16 : index
          %get3A_283 = tpu.vector_load %arg17[%get3A_281, %get3A_282] {strides = array<i32>} : memref<16x256xf32, #tpu.memory_space<vmem>>, vector<1x16xf32>,
          %get3A_284 = vector.shape_cast %get3A_283 : vector<1x16xf32> to vector<16xf32>
          %add3A_285 = arith.addf %get3A_280, %get3A_284 : vector<16xf32>
          %get3A_286 = arith.index_cast %scan3A_261 : i32 to index
          %get3A_287 = arith.constant 16 : index
          %get3A_288 = tpu.vector_load %arg19[%get3A_286, %get3A_287] {strides = array<i32>} : memref<16x256xf32, #tpu.memory_space<vmem>>, vector<1x16xf32>,
          %get3A_289 = vector.shape_cast %get3A_288 : vector<1x16xf32> to vector<16xf32>
          %add3A_290 = arith.addf %add3A_285, %get3A_289 : vector<16xf32>
          %get3A_291 = arith.index_cast %scan3A_261 : i32 to index
          %get3A_292 = arith.constant 32 : index
          %get3A_293 = tpu.vector_load %arg15[%get3A_291, %get3A_292] {strides = array<i32>} : memref<16x256xf32, #tpu.memory_space<vmem>>, vector<1x16xf32>,
          %get3A_294 = vector.shape_cast %get3A_293 : vector<1x16xf32> to vector<16xf32>
          %get3A_295 = arith.index_cast %scan3A_261 : i32 to index
          %get3A_296 = arith.constant 32 : index
          %get3A_297 = tpu.vector_load %arg17[%get3A_295, %get3A_296] {strides = array<i32>} : memref<16x256xf32, #tpu.memory_space<vmem>>, vector<1x16xf32>,
          %get3A_298 = vector.shape_cast %get3A_297 : vector<1x16xf32> to vector<16xf32>
          %add3A_299 = arith.addf %get3A_294, %get3A_298 : vector<16xf32>
          %get3A_300 = arith.index_cast %scan3A_261 : i32 to index
          %get3A_301 = arith.constant 32 : index
          %get3A_302 = tpu.vector_load %arg19[%get3A_300, %get3A_301] {strides = array<i32>} : memref<16x256xf32, #tpu.memory_space<vmem>>, vector<1x16xf32>,
          %get3A_303 = vector.shape_cast %get3A_302 : vector<1x16xf32> to vector<16xf32>
          %add3A_304 = arith.addf %add3A_299, %get3A_303 : vector<16xf32>
          %get3A_305 = arith.index_cast %scan3A_261 : i32 to index
          %get3A_306 = arith.constant 48 : index
          %get3A_307 = tpu.vector_load %arg15[%get3A_305, %get3A_306] {strides = array<i32>} : memref<16x256xf32, #tpu.memory_space<vmem>>, vector<1x16xf32>,
          %get3A_308 = vector.shape_cast %get3A_307 : vector<1x16xf32> to vector<16xf32>
          %get3A_309 = arith.index_cast %scan3A_261 : i32 to index
          %get3A_310 = arith.constant 48 : index
          %get3A_311 = tpu.vector_load %arg17[%get3A_309, %get3A_310] {strides = array<i32>} : memref<16x256xf32, #tpu.memory_space<vmem>>, vector<1x16xf32>,
          %get3A_312 = vector.shape_cast %get3A_311 : vector<1x16xf32> to vector<16xf32>
          %add3A_313 = arith.addf %get3A_308, %get3A_312 : vector<16xf32>
          %get3A_314 = arith.index_cast %scan3A_261 : i32 to index
          %get3A_315 = arith.constant 48 : index
          %get3A_316 = tpu.vector_load %arg19[%get3A_314, %get3A_315] {strides = array<i32>} : memref<16x256xf32, #tpu.memory_space<vmem>>, vector<1x16xf32>,
          %get3A_317 = vector.shape_cast %get3A_316 : vector<1x16xf32> to vector<16xf32>
          %add3A_318 = arith.addf %add3A_313, %get3A_317 : vector<16xf32>
          %get3A_319 = arith.index_cast %scan3A_261 : i32 to index
          %get3A_320 = arith.constant 128 : index
          %get3A_321 = tpu.vector_load %arg15[%get3A_319, %get3A_320] {strides = array<i32>} : memref<16x256xf32, #tpu.memory_space<vmem>>, vector<1x16xf32>,
          %get3A_322 = vector.shape_cast %get3A_321 : vector<1x16xf32> to vector<16xf32>
          %get3A_323 = arith.index_cast %scan3A_261 : i32 to index
          %get3A_324 = arith.constant 128 : index
          %get3A_325 = tpu.vector_load %arg17[%get3A_323, %get3A_324] {strides = array<i32>} : memref<16x256xf32, #tpu.memory_space<vmem>>, vector<1x16xf32>,
          %get3A_326 = vector.shape_cast %get3A_325 : vector<1x16xf32> to vector<16xf32>
          %add3A_327 = arith.addf %get3A_322, %get3A_326 : vector<16xf32>
          %get3A_328 = arith.index_cast %scan3A_261 : i32 to index
          %get3A_329 = arith.constant 128 : index
          %get3A_330 = tpu.vector_load %arg19[%get3A_328, %get3A_329] {strides = array<i32>} : memref<16x256xf32, #tpu.memory_space<vmem>>, vector<1x16xf32>,
          %get3A_331 = vector.shape_cast %get3A_330 : vector<1x16xf32> to vector<16xf32>
          %add3A_332 = arith.addf %add3A_327, %get3A_331 : vector<16xf32>
          %get3A_333 = arith.index_cast %scan3A_261 : i32 to index
          %get3A_334 = arith.constant 144 : index
          %get3A_335 = tpu.vector_load %arg15[%get3A_333, %get3A_334] {strides = array<i32>} : memref<16x256xf32, #tpu.memory_space<vmem>>, vector<1x16xf32>,
          %get3A_336 = vector.shape_cast %get3A_335 : vector<1x16xf32> to vector<16xf32>
          %get3A_337 = arith.index_cast %scan3A_261 : i32 to index
          %get3A_338 = arith.constant 144 : index
          %get3A_339 = tpu.vector_load %arg17[%get3A_337, %get3A_338] {strides = array<i32>} : memref<16x256xf32, #tpu.memory_space<vmem>>, vector<1x16xf32>,
          %get3A_340 = vector.shape_cast %get3A_339 : vector<1x16xf32> to vector<16xf32>
          %add3A_341 = arith.addf %get3A_336, %get3A_340 : vector<16xf32>
          %get3A_342 = arith.index_cast %scan3A_261 : i32 to index
          %get3A_343 = arith.constant 144 : index
          %get3A_344 = tpu.vector_load %arg19[%get3A_342, %get3A_343] {strides = array<i32>} : memref<16x256xf32, #tpu.memory_space<vmem>>, vector<1x16xf32>,
          %get3A_345 = vector.shape_cast %get3A_344 : vector<1x16xf32> to vector<16xf32>
          %add3A_346 = arith.addf %add3A_341, %get3A_345 : vector<16xf32>
          %get3A_347 = arith.index_cast %scan3A_261 : i32 to index
          %get3A_348 = arith.constant 160 : index
          %get3A_349 = tpu.vector_load %arg15[%get3A_347, %get3A_348] {strides = array<i32>} : memref<16x256xf32, #tpu.memory_space<vmem>>, vector<1x16xf32>,
          %get3A_350 = vector.shape_cast %get3A_349 : vector<1x16xf32> to vector<16xf32>
          %get3A_351 = arith.index_cast %scan3A_261 : i32 to index
          %get3A_352 = arith.constant 160 : index
          %get3A_353 = tpu.vector_load %arg17[%get3A_351, %get3A_352] {strides = array<i32>} : memref<16x256xf32, #tpu.memory_space<vmem>>, vector<1x16xf32>,
          %get3A_354 = vector.shape_cast %get3A_353 : vector<1x16xf32> to vector<16xf32>
          %add3A_355 = arith.addf %get3A_350, %get3A_354 : vector<16xf32>
          %get3A_356 = arith.index_cast %scan3A_261 : i32 to index
          %get3A_357 = arith.constant 160 : index
          %get3A_358 = tpu.vector_load %arg19[%get3A_356, %get3A_357] {strides = array<i32>} : memref<16x256xf32, #tpu.memory_space<vmem>>, vector<1x16xf32>,
          %get3A_359 = vector.shape_cast %get3A_358 : vector<1x16xf32> to vector<16xf32>
          %add3A_360 = arith.addf %add3A_355, %get3A_359 : vector<16xf32>
          %get3A_361 = arith.index_cast %scan3A_261 : i32 to index
          %get3A_362 = arith.constant 176 : index
          %get3A_363 = tpu.vector_load %arg15[%get3A_361, %get3A_362] {strides = array<i32>} : memref<16x256xf32, #tpu.memory_space<vmem>>, vector<1x16xf32>,
          %get3A_364 = vector.shape_cast %get3A_363 : vector<1x16xf32> to vector<16xf32>
          %get3A_365 = arith.index_cast %scan3A_261 : i32 to index
          %get3A_366 = arith.constant 176 : index
          %get3A_367 = tpu.vector_load %arg17[%get3A_365, %get3A_366] {strides = array<i32>} : memref<16x256xf32, #tpu.memory_space<vmem>>, vector<1x16xf32>,
          %get3A_368 = vector.shape_cast %get3A_367 : vector<1x16xf32> to vector<16xf32>
          %add3A_369 = arith.addf %get3A_364, %get3A_368 : vector<16xf32>
          %get3A_370 = arith.index_cast %scan3A_261 : i32 to index
          %get3A_371 = arith.constant 176 : index
          %get3A_372 = tpu.vector_load %arg19[%get3A_370, %get3A_371] {strides = array<i32>} : memref<16x256xf32, #tpu.memory_space<vmem>>, vector<1x16xf32>,
          %get3A_373 = vector.shape_cast %get3A_372 : vector<1x16xf32> to vector<16xf32>
          %add3A_374 = arith.addf %add3A_369, %get3A_373 : vector<16xf32>
          %neg3A = arith.constant 0.000000e+00 : f32
          %neg3A_375 = vector.broadcast %neg3A : f32 to vector<16xf32>
          %neg3A_376 = arith.subf %neg3A_375, %add3A_276 : vector<16xf32>
          %exp3A = math.exp %neg3A_376 : vector<16xf32>
          %neg3A_377 = arith.constant 0.000000e+00 : f32
          %neg3A_378 = vector.broadcast %neg3A_377 : f32 to vector<16xf32>
          %neg3A_379 = arith.subf %neg3A_378, %add3A_290 : vector<16xf32>
          %exp3A_380 = math.exp %neg3A_379 : vector<16xf32>
          %neg3A_381 = arith.constant 0.000000e+00 : f32
          %neg3A_382 = vector.broadcast %neg3A_381 : f32 to vector<16xf32>
          %neg3A_383 = arith.subf %neg3A_382, %add3A_304 : vector<16xf32>
          %exp3A_384 = math.exp %neg3A_383 : vector<16xf32>
          %neg3A_385 = arith.constant 0.000000e+00 : f32
          %neg3A_386 = vector.broadcast %neg3A_385 : f32 to vector<16xf32>
          %neg3A_387 = arith.subf %neg3A_386, %add3A_318 : vector<16xf32>
          %exp3A_388 = math.exp %neg3A_387 : vector<16xf32>
          %neg3A_389 = arith.constant 0.000000e+00 : f32
          %neg3A_390 = vector.broadcast %neg3A_389 : f32 to vector<16xf32>
          %neg3A_391 = arith.subf %neg3A_390, %add3A_332 : vector<16xf32>
          %exp3A_392 = math.exp %neg3A_391 : vector<16xf32>
          %neg3A_393 = arith.constant 0.000000e+00 : f32
          %neg3A_394 = vector.broadcast %neg3A_393 : f32 to vector<16xf32>
          %neg3A_395 = arith.subf %neg3A_394, %add3A_346 : vector<16xf32>
          %exp3A_396 = math.exp %neg3A_395 : vector<16xf32>
          %neg3A_397 = arith.constant 0.000000e+00 : f32
          %neg3A_398 = vector.broadcast %neg3A_397 : f32 to vector<16xf32>
          %neg3A_399 = arith.subf %neg3A_398, %add3A_360 : vector<16xf32>
          %exp3A_400 = math.exp %neg3A_399 : vector<16xf32>
          %neg3A_401 = arith.constant 0.000000e+00 : f32
          %neg3A_402 = vector.broadcast %neg3A_401 : f32 to vector<16xf32>
          %neg3A_403 = arith.subf %neg3A_402, %add3A_374 : vector<16xf32>
          %exp3A_404 = math.exp %neg3A_403 : vector<16xf32>
          %add3A_405 = arith.constant 1.000000e+00 : f32
          %add3A_406 = vector.broadcast %add3A_405 : f32 to vector<16xf32>
          %add3A_407 = arith.addf %add3A_406, %exp3A : vector<16xf32>
          %add3A_408 = arith.constant 1.000000e+00 : f32
          %add3A_409 = vector.broadcast %add3A_408 : f32 to vector<16xf32>
          %add3A_410 = arith.addf %add3A_409, %exp3A_392 : vector<16xf32>
          %mul3A_411 = arith.mulf %add3A_407, %add3A_410 : vector<16xf32>
          %div3A = arith.divf %add3A_332, %mul3A_411 : vector<16xf32>
          %swap3A_412 = arith.index_cast %scan3A_261 : i32 to index
          %swap3A_413 = arith.constant 0 : index
          %swap3A_414 = tpu.vector_load %arg21[%swap3A_412, %swap3A_413] {strides = array<i32>} : memref<16x128xf32, #tpu.memory_space<vmem>>, vector<1x16xf32>,
          %swap3A_415 = vector.shape_cast %swap3A_414 : vector<1x16xf32> to vector<16xf32>
          %swap3A_416 = vector.shape_cast %div3A : vector<16xf32> to vector<1x16xf32>
          tpu.vector_store %arg21[%swap3A_412, %swap3A_413], %swap3A_416 {strides = array<i32>} : memref<16x128xf32, #tpu.memory_space<vmem>>, vector<1x16xf32>,
          %add3A_417 = arith.constant 1.000000e+00 : f32
          %add3A_418 = vector.broadcast %add3A_417 : f32 to vector<16xf32>
          %add3A_419 = arith.addf %add3A_418, %exp3A_380 : vector<16xf32>
          %add3A_420 = arith.constant 1.000000e+00 : f32
          %add3A_421 = vector.broadcast %add3A_420 : f32 to vector<16xf32>
          %add3A_422 = arith.addf %add3A_421, %exp3A_396 : vector<16xf32>
          %mul3A_423 = arith.mulf %add3A_419, %add3A_422 : vector<16xf32>
          %div3A_424 = arith.divf %add3A_346, %mul3A_423 : vector<16xf32>
          %swap3A_425 = arith.index_cast %scan3A_261 : i32 to index
          %swap3A_426 = arith.constant 16 : index
          %swap3A_427 = tpu.vector_load %arg21[%swap3A_425, %swap3A_426] {strides = array<i32>} : memref<16x128xf32, #tpu.memory_space<vmem>>, vector<1x16xf32>,
          %swap3A_428 = vector.shape_cast %swap3A_427 : vector<1x16xf32> to vector<16xf32>
          %swap3A_429 = vector.shape_cast %div3A_424 : vector<16xf32> to vector<1x16xf32>
          tpu.vector_store %arg21[%swap3A_425, %swap3A_426], %swap3A_429 {strides = array<i32>} : memref<16x128xf32, #tpu.memory_space<vmem>>, vector<1x16xf32>,
          %add3A_430 = arith.constant 1.000000e+00 : f32
          %add3A_431 = vector.broadcast %add3A_430 : f32 to vector<16xf32>
          %add3A_432 = arith.addf %add3A_431, %exp3A_384 : vector<16xf32>
          %add3A_433 = arith.constant 1.000000e+00 : f32
          %add3A_434 = vector.broadcast %add3A_433 : f32 to vector<16xf32>
          %add3A_435 = arith.addf %add3A_434, %exp3A_400 : vector<16xf32>
          %mul3A_436 = arith.mulf %add3A_432, %add3A_435 : vector<16xf32>
          %div3A_437 = arith.divf %add3A_360, %mul3A_436 : vector<16xf32>
          %swap3A_438 = arith.index_cast %scan3A_261 : i32 to index
          %swap3A_439 = arith.constant 32 : index
          %swap3A_440 = tpu.vector_load %arg21[%swap3A_438, %swap3A_439] {strides = array<i32>} : memref<16x128xf32, #tpu.memory_space<vmem>>, vector<1x16xf32>,
          %swap3A_441 = vector.shape_cast %swap3A_440 : vector<1x16xf32> to vector<16xf32>
          %swap3A_442 = vector.shape_cast %div3A_437 : vector<16xf32> to vector<1x16xf32>
          tpu.vector_store %arg21[%swap3A_438, %swap3A_439], %swap3A_442 {strides = array<i32>} : memref<16x128xf32, #tpu.memory_space<vmem>>, vector<1x16xf32>,
          %add3A_443 = arith.constant 1.000000e+00 : f32
          %add3A_444 = vector.broadcast %add3A_443 : f32 to vector<16xf32>
          %add3A_445 = arith.addf %add3A_444, %exp3A_388 : vector<16xf32>
          %add3A_446 = arith.constant 1.000000e+00 : f32
          %add3A_447 = vector.broadcast %add3A_446 : f32 to vector<16xf32>
          %add3A_448 = arith.addf %add3A_447, %exp3A_404 : vector<16xf32>
          %mul3A_449 = arith.mulf %add3A_445, %add3A_448 : vector<16xf32>
          %div3A_450 = arith.divf %add3A_374, %mul3A_449 : vector<16xf32>
          %swap3A_451 = arith.index_cast %scan3A_261 : i32 to index
          %swap3A_452 = arith.constant 48 : index
          %swap3A_453 = tpu.vector_load %arg21[%swap3A_451, %swap3A_452] {strides = array<i32>} : memref<16x128xf32, #tpu.memory_space<vmem>>, vector<1x16xf32>,
          %swap3A_454 = vector.shape_cast %swap3A_453 : vector<1x16xf32> to vector<16xf32>
          %swap3A_455 = vector.shape_cast %div3A_450 : vector<16xf32> to vector<1x16xf32>
          tpu.vector_store %arg21[%swap3A_451, %swap3A_452], %swap3A_455 {strides = array<i32>} : memref<16x128xf32, #tpu.memory_space<vmem>>, vector<1x16xf32>,
          %get3A_456 = arith.index_cast %scan3A_261 : i32 to index
          %get3A_457 = arith.constant 64 : index
          %get3A_458 = tpu.vector_load %arg15[%get3A_456, %get3A_457] {strides = array<i32>} : memref<16x256xf32, #tpu.memory_space<vmem>>, vector<1x16xf32>,
          %get3A_459 = vector.shape_cast %get3A_458 : vector<1x16xf32> to vector<16xf32>
          %get3A_460 = arith.index_cast %scan3A_261 : i32 to index
          %get3A_461 = arith.constant 64 : index
          %get3A_462 = tpu.vector_load %arg17[%get3A_460, %get3A_461] {strides = array<i32>} : memref<16x256xf32, #tpu.memory_space<vmem>>, vector<1x16xf32>,
          %get3A_463 = vector.shape_cast %get3A_462 : vector<1x16xf32> to vector<16xf32>
          %add3A_464 = arith.addf %get3A_459, %get3A_463 : vector<16xf32>
          %get3A_465 = arith.index_cast %scan3A_261 : i32 to index
          %get3A_466 = arith.constant 64 : index
          %get3A_467 = tpu.vector_load %arg19[%get3A_465, %get3A_466] {strides = array<i32>} : memref<16x256xf32, #tpu.memory_space<vmem>>, vector<1x16xf32>,
          %get3A_468 = vector.shape_cast %get3A_467 : vector<1x16xf32> to vector<16xf32>
          %add3A_469 = arith.addf %add3A_464, %get3A_468 : vector<16xf32>
          %get3A_470 = arith.index_cast %scan3A_261 : i32 to index
          %get3A_471 = arith.constant 80 : index
          %get3A_472 = tpu.vector_load %arg15[%get3A_470, %get3A_471] {strides = array<i32>} : memref<16x256xf32, #tpu.memory_space<vmem>>, vector<1x16xf32>,
          %get3A_473 = vector.shape_cast %get3A_472 : vector<1x16xf32> to vector<16xf32>
          %get3A_474 = arith.index_cast %scan3A_261 : i32 to index
          %get3A_475 = arith.constant 80 : index
          %get3A_476 = tpu.vector_load %arg17[%get3A_474, %get3A_475] {strides = array<i32>} : memref<16x256xf32, #tpu.memory_space<vmem>>, vector<1x16xf32>,
          %get3A_477 = vector.shape_cast %get3A_476 : vector<1x16xf32> to vector<16xf32>
          %add3A_478 = arith.addf %get3A_473, %get3A_477 : vector<16xf32>
          %get3A_479 = arith.index_cast %scan3A_261 : i32 to index
          %get3A_480 = arith.constant 80 : index
          %get3A_481 = tpu.vector_load %arg19[%get3A_479, %get3A_480] {strides = array<i32>} : memref<16x256xf32, #tpu.memory_space<vmem>>, vector<1x16xf32>,
          %get3A_482 = vector.shape_cast %get3A_481 : vector<1x16xf32> to vector<16xf32>
          %add3A_483 = arith.addf %add3A_478, %get3A_482 : vector<16xf32>
          %get3A_484 = arith.index_cast %scan3A_261 : i32 to index
          %get3A_485 = arith.constant 96 : index
          %get3A_486 = tpu.vector_load %arg15[%get3A_484, %get3A_485] {strides = array<i32>} : memref<16x256xf32, #tpu.memory_space<vmem>>, vector<1x16xf32>,
          %get3A_487 = vector.shape_cast %get3A_486 : vector<1x16xf32> to vector<16xf32>
          %get3A_488 = arith.index_cast %scan3A_261 : i32 to index
          %get3A_489 = arith.constant 96 : index
          %get3A_490 = tpu.vector_load %arg17[%get3A_488, %get3A_489] {strides = array<i32>} : memref<16x256xf32, #tpu.memory_space<vmem>>, vector<1x16xf32>,
          %get3A_491 = vector.shape_cast %get3A_490 : vector<1x16xf32> to vector<16xf32>
          %add3A_492 = arith.addf %get3A_487, %get3A_491 : vector<16xf32>
          %get3A_493 = arith.index_cast %scan3A_261 : i32 to index
          %get3A_494 = arith.constant 96 : index
          %get3A_495 = tpu.vector_load %arg19[%get3A_493, %get3A_494] {strides = array<i32>} : memref<16x256xf32, #tpu.memory_space<vmem>>, vector<1x16xf32>,
          %get3A_496 = vector.shape_cast %get3A_495 : vector<1x16xf32> to vector<16xf32>
          %add3A_497 = arith.addf %add3A_492, %get3A_496 : vector<16xf32>
          %get3A_498 = arith.index_cast %scan3A_261 : i32 to index
          %get3A_499 = arith.constant 112 : index
          %get3A_500 = tpu.vector_load %arg15[%get3A_498, %get3A_499] {strides = array<i32>} : memref<16x256xf32, #tpu.memory_space<vmem>>, vector<1x16xf32>,
          %get3A_501 = vector.shape_cast %get3A_500 : vector<1x16xf32> to vector<16xf32>
          %get3A_502 = arith.index_cast %scan3A_261 : i32 to index
          %get3A_503 = arith.constant 112 : index
          %get3A_504 = tpu.vector_load %arg17[%get3A_502, %get3A_503] {strides = array<i32>} : memref<16x256xf32, #tpu.memory_space<vmem>>, vector<1x16xf32>,
          %get3A_505 = vector.shape_cast %get3A_504 : vector<1x16xf32> to vector<16xf32>
          %add3A_506 = arith.addf %get3A_501, %get3A_505 : vector<16xf32>
          %get3A_507 = arith.index_cast %scan3A_261 : i32 to index
          %get3A_508 = arith.constant 112 : index
          %get3A_509 = tpu.vector_load %arg19[%get3A_507, %get3A_508] {strides = array<i32>} : memref<16x256xf32, #tpu.memory_space<vmem>>, vector<1x16xf32>,
          %get3A_510 = vector.shape_cast %get3A_509 : vector<1x16xf32> to vector<16xf32>
          %add3A_511 = arith.addf %add3A_506, %get3A_510 : vector<16xf32>
          %get3A_512 = arith.index_cast %scan3A_261 : i32 to index
          %get3A_513 = arith.constant 192 : index
          %get3A_514 = tpu.vector_load %arg15[%get3A_512, %get3A_513] {strides = array<i32>} : memref<16x256xf32, #tpu.memory_space<vmem>>, vector<1x16xf32>,
          %get3A_515 = vector.shape_cast %get3A_514 : vector<1x16xf32> to vector<16xf32>
          %get3A_516 = arith.index_cast %scan3A_261 : i32 to index
          %get3A_517 = arith.constant 192 : index
          %get3A_518 = tpu.vector_load %arg17[%get3A_516, %get3A_517] {strides = array<i32>} : memref<16x256xf32, #tpu.memory_space<vmem>>, vector<1x16xf32>,
          %get3A_519 = vector.shape_cast %get3A_518 : vector<1x16xf32> to vector<16xf32>
          %add3A_520 = arith.addf %get3A_515, %get3A_519 : vector<16xf32>
          %get3A_521 = arith.index_cast %scan3A_261 : i32 to index
          %get3A_522 = arith.constant 192 : index
          %get3A_523 = tpu.vector_load %arg19[%get3A_521, %get3A_522] {strides = array<i32>} : memref<16x256xf32, #tpu.memory_space<vmem>>, vector<1x16xf32>,
          %get3A_524 = vector.shape_cast %get3A_523 : vector<1x16xf32> to vector<16xf32>
          %add3A_525 = arith.addf %add3A_520, %get3A_524 : vector<16xf32>
          %get3A_526 = arith.index_cast %scan3A_261 : i32 to index
          %get3A_527 = arith.constant 208 : index
          %get3A_528 = tpu.vector_load %arg15[%get3A_526, %get3A_527] {strides = array<i32>} : memref<16x256xf32, #tpu.memory_space<vmem>>, vector<1x16xf32>,
          %get3A_529 = vector.shape_cast %get3A_528 : vector<1x16xf32> to vector<16xf32>
          %get3A_530 = arith.index_cast %scan3A_261 : i32 to index
          %get3A_531 = arith.constant 208 : index
          %get3A_532 = tpu.vector_load %arg17[%get3A_530, %get3A_531] {strides = array<i32>} : memref<16x256xf32, #tpu.memory_space<vmem>>, vector<1x16xf32>,
          %get3A_533 = vector.shape_cast %get3A_532 : vector<1x16xf32> to vector<16xf32>
          %add3A_534 = arith.addf %get3A_529, %get3A_533 : vector<16xf32>
          %get3A_535 = arith.index_cast %scan3A_261 : i32 to index
          %get3A_536 = arith.constant 208 : index
          %get3A_537 = tpu.vector_load %arg19[%get3A_535, %get3A_536] {strides = array<i32>} : memref<16x256xf32, #tpu.memory_space<vmem>>, vector<1x16xf32>,
          %get3A_538 = vector.shape_cast %get3A_537 : vector<1x16xf32> to vector<16xf32>
          %add3A_539 = arith.addf %add3A_534, %get3A_538 : vector<16xf32>
          %get3A_540 = arith.index_cast %scan3A_261 : i32 to index
          %get3A_541 = arith.constant 224 : index
          %get3A_542 = tpu.vector_load %arg15[%get3A_540, %get3A_541] {strides = array<i32>} : memref<16x256xf32, #tpu.memory_space<vmem>>, vector<1x16xf32>,
          %get3A_543 = vector.shape_cast %get3A_542 : vector<1x16xf32> to vector<16xf32>
          %get3A_544 = arith.index_cast %scan3A_261 : i32 to index
          %get3A_545 = arith.constant 224 : index
          %get3A_546 = tpu.vector_load %arg17[%get3A_544, %get3A_545] {strides = array<i32>} : memref<16x256xf32, #tpu.memory_space<vmem>>, vector<1x16xf32>,
          %get3A_547 = vector.shape_cast %get3A_546 : vector<1x16xf32> to vector<16xf32>
          %add3A_548 = arith.addf %get3A_543, %get3A_547 : vector<16xf32>
          %get3A_549 = arith.index_cast %scan3A_261 : i32 to index
          %get3A_550 = arith.constant 224 : index
          %get3A_551 = tpu.vector_load %arg19[%get3A_549, %get3A_550] {strides = array<i32>} : memref<16x256xf32, #tpu.memory_space<vmem>>, vector<1x16xf32>,
          %get3A_552 = vector.shape_cast %get3A_551 : vector<1x16xf32> to vector<16xf32>
          %add3A_553 = arith.addf %add3A_548, %get3A_552 : vector<16xf32>
          %get3A_554 = arith.index_cast %scan3A_261 : i32 to index
          %get3A_555 = arith.constant 240 : index
          %get3A_556 = tpu.vector_load %arg15[%get3A_554, %get3A_555] {strides = array<i32>} : memref<16x256xf32, #tpu.memory_space<vmem>>, vector<1x16xf32>,
          %get3A_557 = vector.shape_cast %get3A_556 : vector<1x16xf32> to vector<16xf32>
          %get3A_558 = arith.index_cast %scan3A_261 : i32 to index
          %get3A_559 = arith.constant 240 : index
          %get3A_560 = tpu.vector_load %arg17[%get3A_558, %get3A_559] {strides = array<i32>} : memref<16x256xf32, #tpu.memory_space<vmem>>, vector<1x16xf32>,
          %get3A_561 = vector.shape_cast %get3A_560 : vector<1x16xf32> to vector<16xf32>
          %add3A_562 = arith.addf %get3A_557, %get3A_561 : vector<16xf32>
          %get3A_563 = arith.index_cast %scan3A_261 : i32 to index
          %get3A_564 = arith.constant 240 : index
          %get3A_565 = tpu.vector_load %arg19[%get3A_563, %get3A_564] {strides = array<i32>} : memref<16x256xf32, #tpu.memory_space<vmem>>, vector<1x16xf32>,
          %get3A_566 = vector.shape_cast %get3A_565 : vector<1x16xf32> to vector<16xf32>
          %add3A_567 = arith.addf %add3A_562, %get3A_566 : vector<16xf32>
          %neg3A_568 = arith.constant 0.000000e+00 : f32
          %neg3A_569 = vector.broadcast %neg3A_568 : f32 to vector<16xf32>
          %neg3A_570 = arith.subf %neg3A_569, %add3A_469 : vector<16xf32>
          %exp3A_571 = math.exp %neg3A_570 : vector<16xf32>
          %neg3A_572 = arith.constant 0.000000e+00 : f32
          %neg3A_573 = vector.broadcast %neg3A_572 : f32 to vector<16xf32>
          %neg3A_574 = arith.subf %neg3A_573, %add3A_483 : vector<16xf32>
          %exp3A_575 = math.exp %neg3A_574 : vector<16xf32>
          %neg3A_576 = arith.constant 0.000000e+00 : f32
          %neg3A_577 = vector.broadcast %neg3A_576 : f32 to vector<16xf32>
          %neg3A_578 = arith.subf %neg3A_577, %add3A_497 : vector<16xf32>
          %exp3A_579 = math.exp %neg3A_578 : vector<16xf32>
          %neg3A_580 = arith.constant 0.000000e+00 : f32
          %neg3A_581 = vector.broadcast %neg3A_580 : f32 to vector<16xf32>
          %neg3A_582 = arith.subf %neg3A_581, %add3A_511 : vector<16xf32>
          %exp3A_583 = math.exp %neg3A_582 : vector<16xf32>
          %neg3A_584 = arith.constant 0.000000e+00 : f32
          %neg3A_585 = vector.broadcast %neg3A_584 : f32 to vector<16xf32>
          %neg3A_586 = arith.subf %neg3A_585, %add3A_525 : vector<16xf32>
          %exp3A_587 = math.exp %neg3A_586 : vector<16xf32>
          %neg3A_588 = arith.constant 0.000000e+00 : f32
          %neg3A_589 = vector.broadcast %neg3A_588 : f32 to vector<16xf32>
          %neg3A_590 = arith.subf %neg3A_589, %add3A_539 : vector<16xf32>
          %exp3A_591 = math.exp %neg3A_590 : vector<16xf32>
          %neg3A_592 = arith.constant 0.000000e+00 : f32
          %neg3A_593 = vector.broadcast %neg3A_592 : f32 to vector<16xf32>
          %neg3A_594 = arith.subf %neg3A_593, %add3A_553 : vector<16xf32>
          %exp3A_595 = math.exp %neg3A_594 : vector<16xf32>
          %neg3A_596 = arith.constant 0.000000e+00 : f32
          %neg3A_597 = vector.broadcast %neg3A_596 : f32 to vector<16xf32>
          %neg3A_598 = arith.subf %neg3A_597, %add3A_567 : vector<16xf32>
          %exp3A_599 = math.exp %neg3A_598 : vector<16xf32>
          %add3A_600 = arith.constant 1.000000e+00 : f32
          %add3A_601 = vector.broadcast %add3A_600 : f32 to vector<16xf32>
          %add3A_602 = arith.addf %add3A_601, %exp3A_571 : vector<16xf32>
          %add3A_603 = arith.constant 1.000000e+00 : f32
          %add3A_604 = vector.broadcast %add3A_603 : f32 to vector<16xf32>
          %add3A_605 = arith.addf %add3A_604, %exp3A_587 : vector<16xf32>
          %mul3A_606 = arith.mulf %add3A_602, %add3A_605 : vector<16xf32>
          %div3A_607 = arith.divf %add3A_525, %mul3A_606 : vector<16xf32>
          %swap3A_608 = arith.index_cast %scan3A_261 : i32 to index
          %swap3A_609 = arith.constant 64 : index
          %swap3A_610 = tpu.vector_load %arg21[%swap3A_608, %swap3A_609] {strides = array<i32>} : memref<16x128xf32, #tpu.memory_space<vmem>>, vector<1x16xf32>,
          %swap3A_611 = vector.shape_cast %swap3A_610 : vector<1x16xf32> to vector<16xf32>
          %swap3A_612 = vector.shape_cast %div3A_607 : vector<16xf32> to vector<1x16xf32>
          tpu.vector_store %arg21[%swap3A_608, %swap3A_609], %swap3A_612 {strides = array<i32>} : memref<16x128xf32, #tpu.memory_space<vmem>>, vector<1x16xf32>,
          %add3A_613 = arith.constant 1.000000e+00 : f32
          %add3A_614 = vector.broadcast %add3A_613 : f32 to vector<16xf32>
          %add3A_615 = arith.addf %add3A_614, %exp3A_575 : vector<16xf32>
          %add3A_616 = arith.constant 1.000000e+00 : f32
          %add3A_617 = vector.broadcast %add3A_616 : f32 to vector<16xf32>
          %add3A_618 = arith.addf %add3A_617, %exp3A_591 : vector<16xf32>
          %mul3A_619 = arith.mulf %add3A_615, %add3A_618 : vector<16xf32>
          %div3A_620 = arith.divf %add3A_539, %mul3A_619 : vector<16xf32>
          %swap3A_621 = arith.index_cast %scan3A_261 : i32 to index
          %swap3A_622 = arith.constant 80 : index
          %swap3A_623 = tpu.vector_load %arg21[%swap3A_621, %swap3A_622] {strides = array<i32>} : memref<16x128xf32, #tpu.memory_space<vmem>>, vector<1x16xf32>,
          %swap3A_624 = vector.shape_cast %swap3A_623 : vector<1x16xf32> to vector<16xf32>
          %swap3A_625 = vector.shape_cast %div3A_620 : vector<16xf32> to vector<1x16xf32>
          tpu.vector_store %arg21[%swap3A_621, %swap3A_622], %swap3A_625 {strides = array<i32>} : memref<16x128xf32, #tpu.memory_space<vmem>>, vector<1x16xf32>,
          %add3A_626 = arith.constant 1.000000e+00 : f32
          %add3A_627 = vector.broadcast %add3A_626 : f32 to vector<16xf32>
          %add3A_628 = arith.addf %add3A_627, %exp3A_579 : vector<16xf32>
          %add3A_629 = arith.constant 1.000000e+00 : f32
          %add3A_630 = vector.broadcast %add3A_629 : f32 to vector<16xf32>
          %add3A_631 = arith.addf %add3A_630, %exp3A_595 : vector<16xf32>
          %mul3A_632 = arith.mulf %add3A_628, %add3A_631 : vector<16xf32>
          %div3A_633 = arith.divf %add3A_553, %mul3A_632 : vector<16xf32>
          %swap3A_634 = arith.index_cast %scan3A_261 : i32 to index
          %swap3A_635 = arith.constant 96 : index
          %swap3A_636 = tpu.vector_load %arg21[%swap3A_634, %swap3A_635] {strides = array<i32>} : memref<16x128xf32, #tpu.memory_space<vmem>>, vector<1x16xf32>,
          %swap3A_637 = vector.shape_cast %swap3A_636 : vector<1x16xf32> to vector<16xf32>
          %swap3A_638 = vector.shape_cast %div3A_633 : vector<16xf32> to vector<1x16xf32>
          tpu.vector_store %arg21[%swap3A_634, %swap3A_635], %swap3A_638 {strides = array<i32>} : memref<16x128xf32, #tpu.memory_space<vmem>>, vector<1x16xf32>,
          %add3A_639 = arith.constant 1.000000e+00 : f32
          %add3A_640 = vector.broadcast %add3A_639 : f32 to vector<16xf32>
          %add3A_641 = arith.addf %add3A_640, %exp3A_583 : vector<16xf32>
          %add3A_642 = arith.constant 1.000000e+00 : f32
          %add3A_643 = vector.broadcast %add3A_642 : f32 to vector<16xf32>
          %add3A_644 = arith.addf %add3A_643, %exp3A_599 : vector<16xf32>
          %mul3A_645 = arith.mulf %add3A_641, %add3A_644 : vector<16xf32>
          %div3A_646 = arith.divf %add3A_567, %mul3A_645 : vector<16xf32>
          %swap3A_647 = arith.index_cast %scan3A_261 : i32 to index
          %swap3A_648 = arith.constant 112 : index
          %swap3A_649 = tpu.vector_load %arg21[%swap3A_647, %swap3A_648] {strides = array<i32>} : memref<16x128xf32, #tpu.memory_space<vmem>>, vector<1x16xf32>,
          %swap3A_650 = vector.shape_cast %swap3A_649 : vector<1x16xf32> to vector<16xf32>
          %swap3A_651 = vector.shape_cast %div3A_646 : vector<16xf32> to vector<1x16xf32>
          tpu.vector_store %arg21[%swap3A_647, %swap3A_648], %swap3A_651 {strides = array<i32>} : memref<16x128xf32, #tpu.memory_space<vmem>>, vector<1x16xf32>,
          %scan3A_652 = arith.constant 0 : i32
          scf.yield %scan3A_652 : i32
        }
        %scan3A_257 = arith.constant 16 : i32
        %dma_start3A_258 = arith.constant 0 : i32
        %dma_start3A_259 = arith.constant 0 : i32
        %dma_start3A_260 = tpu.memref_slice %arg23[%dma_start3A_258, %dma_start3A_259] : memref<10000x128xf32, #tpu.memory_space<vmem_shared>> -> memref<10000x128xf32, #tpu.memory_space<vmem_shared>>
        tpu.enqueue_indirect_dma source(%arg21 : memref<16x128xf32, #tpu.memory_space<vmem>>) target(%dma_start3A_260 : memref<10000x128xf32, #tpu.memory_space<vmem_shared>>) offsets(%arg13 : memref<16xi32, #tpu.memory_space<vmem>>) semaphore(%arg29 : memref<!tpu.dma_semaphore, #tpu.memory_space<semaphore_mem>>) {add = true}
      } else {
      }
      %scan3A_193 = arith.constant 0 : i32
      scf.yield %scan3A_193 : i32
    }
    %scan3A_52 = arith.constant 312 : i32
    %dma_wait3A_53 = arith.constant 0 : i32
    %dma_wait3A_54 = arith.constant 0 : i32
    %dma_wait3A_55 = tpu.memref_slice %arg23[%dma_wait3A_53, %dma_wait3A_54] : memref<10000x128xf32, #tpu.memory_space<vmem_shared>> -> memref<16x128xf32, #tpu.memory_space<vmem_shared>>
    %dma_wait3A_56 = arith.constant 0 : i32
    %dma_wait3A_57 = arith.constant 0 : i32
    %dma_wait3A_58 = tpu.memref_slice %arg23[%dma_wait3A_56, %dma_wait3A_57] : memref<10000x128xf32, #tpu.memory_space<vmem_shared>> -> memref<16x128xf32, #tpu.memory_space<vmem_shared>>
    tpu.wait_dma2 semaphore(%arg28 : memref<!tpu.dma_semaphore, #tpu.memory_space<semaphore_mem>>) src(%arg20 : memref<16x128xf32, #tpu.memory_space<vmem>>) dst(%dma_wait3A_58 : memref<16x128xf32, #tpu.memory_space<vmem_shared>>)
    %dma_wait3A_59 = arith.constant 0 : i32
    %dma_wait3A_60 = arith.constant 0 : i32
    %dma_wait3A_61 = tpu.memref_slice %arg2[%dma_wait3A_59, %dma_wait3A_60] : memref<10000x256xf32, #tpu.memory_space<hbm>> -> memref<16x256xf32, #tpu.memory_space<hbm>>
    %dma_wait3A_62 = arith.constant 0 : i32
    %dma_wait3A_63 = arith.constant 0 : i32
    %dma_wait3A_64 = tpu.memref_slice %arg2[%dma_wait3A_62, %dma_wait3A_63] : memref<10000x256xf32, #tpu.memory_space<hbm>> -> memref<16x256xf32, #tpu.memory_space<hbm>>
    tpu.wait_dma2 semaphore(%arg26 : memref<!tpu.dma_semaphore, #tpu.memory_space<semaphore_mem>>) src(%dma_wait3A_64 : memref<16x256xf32, #tpu.memory_space<hbm>>) dst(%arg14 : memref<16x256xf32, #tpu.memory_space<vmem>>)
    %dma_wait3A_65 = arith.constant 0 : i32
    %dma_wait3A_66 = arith.constant 0 : i32
    %dma_wait3A_67 = tpu.memref_slice %arg3[%dma_wait3A_65, %dma_wait3A_66] : memref<10000x256xf32, #tpu.memory_space<hbm>> -> memref<16x256xf32, #tpu.memory_space<hbm>>
    %dma_wait3A_68 = arith.constant 0 : i32
    %dma_wait3A_69 = arith.constant 0 : i32
    %dma_wait3A_70 = tpu.memref_slice %arg3[%dma_wait3A_68, %dma_wait3A_69] : memref<10000x256xf32, #tpu.memory_space<hbm>> -> memref<16x256xf32, #tpu.memory_space<hbm>>
    tpu.wait_dma2 semaphore(%arg26 : memref<!tpu.dma_semaphore, #tpu.memory_space<semaphore_mem>>) src(%dma_wait3A_70 : memref<16x256xf32, #tpu.memory_space<hbm>>) dst(%arg16 : memref<16x256xf32, #tpu.memory_space<vmem>>)
    %dma_wait3A_71 = arith.constant 0 : i32
    %dma_wait3A_72 = arith.constant 0 : i32
    %dma_wait3A_73 = tpu.memref_slice %arg4[%dma_wait3A_71, %dma_wait3A_72] : memref<320000x256xf32, #tpu.memory_space<hbm>> -> memref<16x256xf32, #tpu.memory_space<hbm>>
    %dma_wait3A_74 = arith.constant 0 : i32
    %dma_wait3A_75 = arith.constant 0 : i32
    %dma_wait3A_76 = tpu.memref_slice %arg4[%dma_wait3A_74, %dma_wait3A_75] : memref<320000x256xf32, #tpu.memory_space<hbm>> -> memref<16x256xf32, #tpu.memory_space<hbm>>
    tpu.wait_dma2 semaphore(%arg26 : memref<!tpu.dma_semaphore, #tpu.memory_space<semaphore_mem>>) src(%dma_wait3A_76 : memref<16x256xf32, #tpu.memory_space<hbm>>) dst(%arg18 : memref<16x256xf32, #tpu.memory_space<vmem>>)
    %get3A = arith.constant 0 : index
    %get3A_77 = tpu.vector_load %arg10[%get3A] {strides = array<i32>} : memref<16xi32, #tpu.memory_space<vmem>>, vector<16xi32>,
    %get3A_78 = vector.shape_cast %get3A_77 : vector<16xi32> to vector<16xi32>
    %swap3A = arith.constant 0 : index
    %swap3A_79 = tpu.vector_load %arg12[%swap3A] {strides = array<i32>} : memref<16xi32, #tpu.memory_space<vmem>>, vector<16xi32>,
    %swap3A_80 = vector.shape_cast %swap3A_79 : vector<16xi32> to vector<16xi32>
    %swap3A_81 = vector.shape_cast %get3A_78 : vector<16xi32> to vector<16xi32>
    tpu.vector_store %arg12[%swap3A], %swap3A_81 {strides = array<i32>} : memref<16xi32, #tpu.memory_space<vmem>>, vector<16xi32>,
    %scan3A_82 = arith.constant 0 : i32
    %scan3A_83 = arith.constant 0 : i32
    %scan3A_84 = arith.constant 16 : i32
    %scan3A_85 = arith.addi %scan3A_83, %scan3A_84 : i32
    %scan3A_86 = arith.constant 1 : i32
    %scan3A_87 = scf.for %scan3A_112 = %scan3A_83 to %scan3A_85 step %scan3A_86 iter_args(%scan3A_113 = %scan3A_82) -> (i32)  : i32 {
      %get3A_114 = arith.index_cast %scan3A_112 : i32 to index
      %get3A_115 = arith.constant 0 : index
      %get3A_116 = tpu.vector_load %arg14[%get3A_114, %get3A_115] {strides = array<i32>} : memref<16x256xf32, #tpu.memory_space<vmem>>, vector<1x16xf32>,
      %get3A_117 = vector.shape_cast %get3A_116 : vector<1x16xf32> to vector<16xf32>
      %get3A_118 = arith.index_cast %scan3A_112 : i32 to index
      %get3A_119 = arith.constant 0 : index
      %get3A_120 = tpu.vector_load %arg16[%get3A_118, %get3A_119] {strides = array<i32>} : memref<16x256xf32, #tpu.memory_space<vmem>>, vector<1x16xf32>,
      %get3A_121 = vector.shape_cast %get3A_120 : vector<1x16xf32> to vector<16xf32>
      %add3A_122 = arith.addf %get3A_117, %get3A_121 : vector<16xf32>
      %get3A_123 = arith.index_cast %scan3A_112 : i32 to index
      %get3A_124 = arith.constant 0 : index
      %get3A_125 = tpu.vector_load %arg18[%get3A_123, %get3A_124] {strides = array<i32>} : memref<16x256xf32, #tpu.memory_space<vmem>>, vector<1x16xf32>,
      %get3A_126 = vector.shape_cast %get3A_125 : vector<1x16xf32> to vector<16xf32>
      %add3A_127 = arith.addf %add3A_122, %get3A_126 : vector<16xf32>
      %get3A_128 = arith.index_cast %scan3A_112 : i32 to index
      %get3A_129 = arith.constant 16 : index
      %get3A_130 = tpu.vector_load %arg14[%get3A_128, %get3A_129] {strides = array<i32>} : memref<16x256xf32, #tpu.memory_space<vmem>>, vector<1x16xf32>,
      %get3A_131 = vector.shape_cast %get3A_130 : vector<1x16xf32> to vector<16xf32>
      %get3A_132 = arith.index_cast %scan3A_112 : i32 to index
      %get3A_133 = arith.constant 16 : index
      %get3A_134 = tpu.vector_load %arg16[%get3A_132, %get3A_133] {strides = array<i32>} : memref<16x256xf32, #tpu.memory_space<vmem>>, vector<1x16xf32>,
      %get3A_135 = vector.shape_cast %get3A_134 : vector<1x16xf32> to vector<16xf32>
      %add3A_136 = arith.addf %get3A_131, %get3A_135 : vector<16xf32>
      %get3A_137 = arith.index_cast %scan3A_112 : i32 to index
      %get3A_138 = arith.constant 16 : index
      %get3A_139 = tpu.vector_load %arg18[%get3A_137, %get3A_138] {strides = array<i32>} : memref<16x256xf32, #tpu.memory_space<vmem>>, vector<1x16xf32>,
      %get3A_140 = vector.shape_cast %get3A_139 : vector<1x16xf32> to vector<16xf32>
      %add3A_141 = arith.addf %add3A_136, %get3A_140 : vector<16xf32>
      %get3A_142 = arith.index_cast %scan3A_112 : i32 to index
      %get3A_143 = arith.constant 32 : index
      %get3A_144 = tpu.vector_load %arg14[%get3A_142, %get3A_143] {strides = array<i32>} : memref<16x256xf32, #tpu.memory_space<vmem>>, vector<1x16xf32>,
      %get3A_145 = vector.shape_cast %get3A_144 : vector<1x16xf32> to vector<16xf32>
      %get3A_146 = arith.index_cast %scan3A_112 : i32 to index
      %get3A_147 = arith.constant 32 : index
      %get3A_148 = tpu.vector_load %arg16[%get3A_146, %get3A_147] {strides = array<i32>} : memref<16x256xf32, #tpu.memory_space<vmem>>, vector<1x16xf32>,
      %get3A_149 = vector.shape_cast %get3A_148 : vector<1x16xf32> to vector<16xf32>
      %add3A_150 = arith.addf %get3A_145, %get3A_149 : vector<16xf32>
      %get3A_151 = arith.index_cast %scan3A_112 : i32 to index
      %get3A_152 = arith.constant 32 : index
      %get3A_153 = tpu.vector_load %arg18[%get3A_151, %get3A_152] {strides = array<i32>} : memref<16x256xf32, #tpu.memory_space<vmem>>, vector<1x16xf32>,
      %get3A_154 = vector.shape_cast %get3A_153 : vector<1x16xf32> to vector<16xf32>
      %add3A_155 = arith.addf %add3A_150, %get3A_154 : vector<16xf32>
      %get3A_156 = arith.index_cast %scan3A_112 : i32 to index
      %get3A_157 = arith.constant 48 : index
      %get3A_158 = tpu.vector_load %arg14[%get3A_156, %get3A_157] {strides = array<i32>} : memref<16x256xf32, #tpu.memory_space<vmem>>, vector<1x16xf32>,
      %get3A_159 = vector.shape_cast %get3A_158 : vector<1x16xf32> to vector<16xf32>
      %get3A_160 = arith.index_cast %scan3A_112 : i32 to index
      %get3A_161 = arith.constant 48 : index
      %get3A_162 = tpu.vector_load %arg16[%get3A_160, %get3A_161] {strides = array<i32>} : memref<16x256xf32, #tpu.memory_space<vmem>>, vector<1x16xf32>,
      %get3A_163 = vector.shape_cast %get3A_162 : vector<1x16xf32> to vector<16xf32>
      %add3A_164 = arith.addf %get3A_159, %get3A_163 : vector<16xf32>
      %get3A_165 = arith.index_cast %scan3A_112 : i32 to index
      %get3A_166 = arith.constant 48 : index
      %get3A_167 = tpu.vector_load %arg18[%get3A_165, %get3A_166] {strides = array<i32>} : memref<16x256xf32, #tpu.memory_space<vmem>>, vector<1x16xf32>,
      %get3A_168 = vector.shape_cast %get3A_167 : vector<1x16xf32> to vector<16xf32>
      %add3A_169 = arith.addf %add3A_164, %get3A_168 : vector<16xf32>
      %get3A_170 = arith.index_cast %scan3A_112 : i32 to index
      %get3A_171 = arith.constant 128 : index
      %get3A_172 = tpu.vector_load %arg14[%get3A_170, %get3A_171] {strides = array<i32>} : memref<16x256xf32, #tpu.memory_space<vmem>>, vector<1x16xf32>,
      %get3A_173 = vector.shape_cast %get3A_172 : vector<1x16xf32> to vector<16xf32>
      %get3A_174 = arith.index_cast %scan3A_112 : i32 to index
      %get3A_175 = arith.constant 128 : index
      %get3A_176 = tpu.vector_load %arg16[%get3A_174, %get3A_175] {strides = array<i32>} : memref<16x256xf32, #tpu.memory_space<vmem>>, vector<1x16xf32>,
      %get3A_177 = vector.shape_cast %get3A_176 : vector<1x16xf32> to vector<16xf32>
      %add3A_178 = arith.addf %get3A_173, %get3A_177 : vector<16xf32>
      %get3A_179 = arith.index_cast %scan3A_112 : i32 to index
      %get3A_180 = arith.constant 128 : index
      %get3A_181 = tpu.vector_load %arg18[%get3A_179, %get3A_180] {strides = array<i32>} : memref<16x256xf32, #tpu.memory_space<vmem>>, vector<1x16xf32>,
      %get3A_182 = vector.shape_cast %get3A_181 : vector<1x16xf32> to vector<16xf32>
      %add3A_183 = arith.addf %add3A_178, %get3A_182 : vector<16xf32>
      %get3A_184 = arith.index_cast %scan3A_112 : i32 to index
      %get3A_185 = arith.constant 144 : index
      %get3A_186 = tpu.vector_load %arg14[%get3A_184, %get3A_185] {strides = array<i32>} : memref<16x256xf32, #tpu.memory_space<vmem>>, vector<1x16xf32>,
      %get3A_187 = vector.shape_cast %get3A_186 : vector<1x16xf32> to vector<16xf32>
      %get3A_188 = arith.index_cast %scan3A_112 : i32 to index
      %get3A_189 = arith.constant 144 : index
      %get3A_190 = tpu.vector_load %arg16[%get3A_188, %get3A_189] {strides = array<i32>} : memref<16x256xf32, #tpu.memory_space<vmem>>, vector<1x16xf32>,
      %get3A_191 = vector.shape_cast %get3A_190 : vector<1x16xf32> to vector<16xf32>
      %add3A_192 = arith.addf %get3A_187, %get3A_191 : vector<16xf32>
      %get3A_193 = arith.index_cast %scan3A_112 : i32 to index
      %get3A_194 = arith.constant 144 : index
      %get3A_195 = tpu.vector_load %arg18[%get3A_193, %get3A_194] {strides = array<i32>} : memref<16x256xf32, #tpu.memory_space<vmem>>, vector<1x16xf32>,
      %get3A_196 = vector.shape_cast %get3A_195 : vector<1x16xf32> to vector<16xf32>
      %add3A_197 = arith.addf %add3A_192, %get3A_196 : vector<16xf32>
      %get3A_198 = arith.index_cast %scan3A_112 : i32 to index
      %get3A_199 = arith.constant 160 : index
      %get3A_200 = tpu.vector_load %arg14[%get3A_198, %get3A_199] {strides = array<i32>} : memref<16x256xf32, #tpu.memory_space<vmem>>, vector<1x16xf32>,
      %get3A_201 = vector.shape_cast %get3A_200 : vector<1x16xf32> to vector<16xf32>
      %get3A_202 = arith.index_cast %scan3A_112 : i32 to index
      %get3A_203 = arith.constant 160 : index
      %get3A_204 = tpu.vector_load %arg16[%get3A_202, %get3A_203] {strides = array<i32>} : memref<16x256xf32, #tpu.memory_space<vmem>>, vector<1x16xf32>,
      %get3A_205 = vector.shape_cast %get3A_204 : vector<1x16xf32> to vector<16xf32>
      %add3A_206 = arith.addf %get3A_201, %get3A_205 : vector<16xf32>
      %get3A_207 = arith.index_cast %scan3A_112 : i32 to index
      %get3A_208 = arith.constant 160 : index
      %get3A_209 = tpu.vector_load %arg18[%get3A_207, %get3A_208] {strides = array<i32>} : memref<16x256xf32, #tpu.memory_space<vmem>>, vector<1x16xf32>,
      %get3A_210 = vector.shape_cast %get3A_209 : vector<1x16xf32> to vector<16xf32>
      %add3A_211 = arith.addf %add3A_206, %get3A_210 : vector<16xf32>
      %get3A_212 = arith.index_cast %scan3A_112 : i32 to index
      %get3A_213 = arith.constant 176 : index
      %get3A_214 = tpu.vector_load %arg14[%get3A_212, %get3A_213] {strides = array<i32>} : memref<16x256xf32, #tpu.memory_space<vmem>>, vector<1x16xf32>,
      %get3A_215 = vector.shape_cast %get3A_214 : vector<1x16xf32> to vector<16xf32>
      %get3A_216 = arith.index_cast %scan3A_112 : i32 to index
      %get3A_217 = arith.constant 176 : index
      %get3A_218 = tpu.vector_load %arg16[%get3A_216, %get3A_217] {strides = array<i32>} : memref<16x256xf32, #tpu.memory_space<vmem>>, vector<1x16xf32>,
      %get3A_219 = vector.shape_cast %get3A_218 : vector<1x16xf32> to vector<16xf32>
      %add3A_220 = arith.addf %get3A_215, %get3A_219 : vector<16xf32>
      %get3A_221 = arith.index_cast %scan3A_112 : i32 to index
      %get3A_222 = arith.constant 176 : index
      %get3A_223 = tpu.vector_load %arg18[%get3A_221, %get3A_222] {strides = array<i32>} : memref<16x256xf32, #tpu.memory_space<vmem>>, vector<1x16xf32>,
      %get3A_224 = vector.shape_cast %get3A_223 : vector<1x16xf32> to vector<16xf32>
      %add3A_225 = arith.addf %add3A_220, %get3A_224 : vector<16xf32>
      %neg3A = arith.constant 0.000000e+00 : f32
      %neg3A_226 = vector.broadcast %neg3A : f32 to vector<16xf32>
      %neg3A_227 = arith.subf %neg3A_226, %add3A_127 : vector<16xf32>
      %exp3A = math.exp %neg3A_227 : vector<16xf32>
      %neg3A_228 = arith.constant 0.000000e+00 : f32
      %neg3A_229 = vector.broadcast %neg3A_228 : f32 to vector<16xf32>
      %neg3A_230 = arith.subf %neg3A_229, %add3A_141 : vector<16xf32>
      %exp3A_231 = math.exp %neg3A_230 : vector<16xf32>
      %neg3A_232 = arith.constant 0.000000e+00 : f32
      %neg3A_233 = vector.broadcast %neg3A_232 : f32 to vector<16xf32>
      %neg3A_234 = arith.subf %neg3A_233, %add3A_155 : vector<16xf32>
      %exp3A_235 = math.exp %neg3A_234 : vector<16xf32>
      %neg3A_236 = arith.constant 0.000000e+00 : f32
      %neg3A_237 = vector.broadcast %neg3A_236 : f32 to vector<16xf32>
      %neg3A_238 = arith.subf %neg3A_237, %add3A_169 : vector<16xf32>
      %exp3A_239 = math.exp %neg3A_238 : vector<16xf32>
      %neg3A_240 = arith.constant 0.000000e+00 : f32
      %neg3A_241 = vector.broadcast %neg3A_240 : f32 to vector<16xf32>
      %neg3A_242 = arith.subf %neg3A_241, %add3A_183 : vector<16xf32>
      %exp3A_243 = math.exp %neg3A_242 : vector<16xf32>
      %neg3A_244 = arith.constant 0.000000e+00 : f32
      %neg3A_245 = vector.broadcast %neg3A_244 : f32 to vector<16xf32>
      %neg3A_246 = arith.subf %neg3A_245, %add3A_197 : vector<16xf32>
      %exp3A_247 = math.exp %neg3A_246 : vector<16xf32>
      %neg3A_248 = arith.constant 0.000000e+00 : f32
      %neg3A_249 = vector.broadcast %neg3A_248 : f32 to vector<16xf32>
      %neg3A_250 = arith.subf %neg3A_249, %add3A_211 : vector<16xf32>
      %exp3A_251 = math.exp %neg3A_250 : vector<16xf32>
      %neg3A_252 = arith.constant 0.000000e+00 : f32
      %neg3A_253 = vector.broadcast %neg3A_252 : f32 to vector<16xf32>
      %neg3A_254 = arith.subf %neg3A_253, %add3A_225 : vector<16xf32>
      %exp3A_255 = math.exp %neg3A_254 : vector<16xf32>
      %add3A_256 = arith.constant 1.000000e+00 : f32
      %add3A_257 = vector.broadcast %add3A_256 : f32 to vector<16xf32>
      %add3A_258 = arith.addf %add3A_257, %exp3A : vector<16xf32>
      %add3A_259 = arith.constant 1.000000e+00 : f32
      %add3A_260 = vector.broadcast %add3A_259 : f32 to vector<16xf32>
      %add3A_261 = arith.addf %add3A_260, %exp3A_243 : vector<16xf32>
      %mul3A_262 = arith.mulf %add3A_258, %add3A_261 : vector<16xf32>
      %div3A = arith.divf %add3A_183, %mul3A_262 : vector<16xf32>
      %swap3A_263 = arith.index_cast %scan3A_112 : i32 to index
      %swap3A_264 = arith.constant 0 : index
      %swap3A_265 = tpu.vector_load %arg20[%swap3A_263, %swap3A_264] {strides = array<i32>} : memref<16x128xf32, #tpu.memory_space<vmem>>, vector<1x16xf32>,
      %swap3A_266 = vector.shape_cast %swap3A_265 : vector<1x16xf32> to vector<16xf32>
      %swap3A_267 = vector.shape_cast %div3A : vector<16xf32> to vector<1x16xf32>
      tpu.vector_store %arg20[%swap3A_263, %swap3A_264], %swap3A_267 {strides = array<i32>} : memref<16x128xf32, #tpu.memory_space<vmem>>, vector<1x16xf32>,
      %add3A_268 = arith.constant 1.000000e+00 : f32
      %add3A_269 = vector.broadcast %add3A_268 : f32 to vector<16xf32>
      %add3A_270 = arith.addf %add3A_269, %exp3A_231 : vector<16xf32>
      %add3A_271 = arith.constant 1.000000e+00 : f32
      %add3A_272 = vector.broadcast %add3A_271 : f32 to vector<16xf32>
      %add3A_273 = arith.addf %add3A_272, %exp3A_247 : vector<16xf32>
      %mul3A_274 = arith.mulf %add3A_270, %add3A_273 : vector<16xf32>
      %div3A_275 = arith.divf %add3A_197, %mul3A_274 : vector<16xf32>
      %swap3A_276 = arith.index_cast %scan3A_112 : i32 to index
      %swap3A_277 = arith.constant 16 : index
      %swap3A_278 = tpu.vector_load %arg20[%swap3A_276, %swap3A_277] {strides = array<i32>} : memref<16x128xf32, #tpu.memory_space<vmem>>, vector<1x16xf32>,
      %swap3A_279 = vector.shape_cast %swap3A_278 : vector<1x16xf32> to vector<16xf32>
      %swap3A_280 = vector.shape_cast %div3A_275 : vector<16xf32> to vector<1x16xf32>
      tpu.vector_store %arg20[%swap3A_276, %swap3A_277], %swap3A_280 {strides = array<i32>} : memref<16x128xf32, #tpu.memory_space<vmem>>, vector<1x16xf32>,
      %add3A_281 = arith.constant 1.000000e+00 : f32
      %add3A_282 = vector.broadcast %add3A_281 : f32 to vector<16xf32>
      %add3A_283 = arith.addf %add3A_282, %exp3A_235 : vector<16xf32>
      %add3A_284 = arith.constant 1.000000e+00 : f32
      %add3A_285 = vector.broadcast %add3A_284 : f32 to vector<16xf32>
      %add3A_286 = arith.addf %add3A_285, %exp3A_251 : vector<16xf32>
      %mul3A_287 = arith.mulf %add3A_283, %add3A_286 : vector<16xf32>
      %div3A_288 = arith.divf %add3A_211, %mul3A_287 : vector<16xf32>
      %swap3A_289 = arith.index_cast %scan3A_112 : i32 to index
      %swap3A_290 = arith.constant 32 : index
      %swap3A_291 = tpu.vector_load %arg20[%swap3A_289, %swap3A_290] {strides = array<i32>} : memref<16x128xf32, #tpu.memory_space<vmem>>, vector<1x16xf32>,
      %swap3A_292 = vector.shape_cast %swap3A_291 : vector<1x16xf32> to vector<16xf32>
      %swap3A_293 = vector.shape_cast %div3A_288 : vector<16xf32> to vector<1x16xf32>
      tpu.vector_store %arg20[%swap3A_289, %swap3A_290], %swap3A_293 {strides = array<i32>} : memref<16x128xf32, #tpu.memory_space<vmem>>, vector<1x16xf32>,
      %add3A_294 = arith.constant 1.000000e+00 : f32
      %add3A_295 = vector.broadcast %add3A_294 : f32 to vector<16xf32>
      %add3A_296 = arith.addf %add3A_295, %exp3A_239 : vector<16xf32>
      %add3A_297 = arith.constant 1.000000e+00 : f32
      %add3A_298 = vector.broadcast %add3A_297 : f32 to vector<16xf32>
      %add3A_299 = arith.addf %add3A_298, %exp3A_255 : vector<16xf32>
      %mul3A_300 = arith.mulf %add3A_296, %add3A_299 : vector<16xf32>
      %div3A_301 = arith.divf %add3A_225, %mul3A_300 : vector<16xf32>
      %swap3A_302 = arith.index_cast %scan3A_112 : i32 to index
      %swap3A_303 = arith.constant 48 : index
      %swap3A_304 = tpu.vector_load %arg20[%swap3A_302, %swap3A_303] {strides = array<i32>} : memref<16x128xf32, #tpu.memory_space<vmem>>, vector<1x16xf32>,
      %swap3A_305 = vector.shape_cast %swap3A_304 : vector<1x16xf32> to vector<16xf32>
      %swap3A_306 = vector.shape_cast %div3A_301 : vector<16xf32> to vector<1x16xf32>
      tpu.vector_store %arg20[%swap3A_302, %swap3A_303], %swap3A_306 {strides = array<i32>} : memref<16x128xf32, #tpu.memory_space<vmem>>, vector<1x16xf32>,
      %get3A_307 = arith.index_cast %scan3A_112 : i32 to index
      %get3A_308 = arith.constant 64 : index
      %get3A_309 = tpu.vector_load %arg14[%get3A_307, %get3A_308] {strides = array<i32>} : memref<16x256xf32, #tpu.memory_space<vmem>>, vector<1x16xf32>,
      %get3A_310 = vector.shape_cast %get3A_309 : vector<1x16xf32> to vector<16xf32>
      %get3A_311 = arith.index_cast %scan3A_112 : i32 to index
      %get3A_312 = arith.constant 64 : index
      %get3A_313 = tpu.vector_load %arg16[%get3A_311, %get3A_312] {strides = array<i32>} : memref<16x256xf32, #tpu.memory_space<vmem>>, vector<1x16xf32>,
      %get3A_314 = vector.shape_cast %get3A_313 : vector<1x16xf32> to vector<16xf32>
      %add3A_315 = arith.addf %get3A_310, %get3A_314 : vector<16xf32>
      %get3A_316 = arith.index_cast %scan3A_112 : i32 to index
      %get3A_317 = arith.constant 64 : index
      %get3A_318 = tpu.vector_load %arg18[%get3A_316, %get3A_317] {strides = array<i32>} : memref<16x256xf32, #tpu.memory_space<vmem>>, vector<1x16xf32>,
      %get3A_319 = vector.shape_cast %get3A_318 : vector<1x16xf32> to vector<16xf32>
      %add3A_320 = arith.addf %add3A_315, %get3A_319 : vector<16xf32>
      %get3A_321 = arith.index_cast %scan3A_112 : i32 to index
      %get3A_322 = arith.constant 80 : index
      %get3A_323 = tpu.vector_load %arg14[%get3A_321, %get3A_322] {strides = array<i32>} : memref<16x256xf32, #tpu.memory_space<vmem>>, vector<1x16xf32>,
      %get3A_324 = vector.shape_cast %get3A_323 : vector<1x16xf32> to vector<16xf32>
      %get3A_325 = arith.index_cast %scan3A_112 : i32 to index
      %get3A_326 = arith.constant 80 : index
      %get3A_327 = tpu.vector_load %arg16[%get3A_325, %get3A_326] {strides = array<i32>} : memref<16x256xf32, #tpu.memory_space<vmem>>, vector<1x16xf32>,
      %get3A_328 = vector.shape_cast %get3A_327 : vector<1x16xf32> to vector<16xf32>
      %add3A_329 = arith.addf %get3A_324, %get3A_328 : vector<16xf32>
      %get3A_330 = arith.index_cast %scan3A_112 : i32 to index
      %get3A_331 = arith.constant 80 : index
      %get3A_332 = tpu.vector_load %arg18[%get3A_330, %get3A_331] {strides = array<i32>} : memref<16x256xf32, #tpu.memory_space<vmem>>, vector<1x16xf32>,
      %get3A_333 = vector.shape_cast %get3A_332 : vector<1x16xf32> to vector<16xf32>
      %add3A_334 = arith.addf %add3A_329, %get3A_333 : vector<16xf32>
      %get3A_335 = arith.index_cast %scan3A_112 : i32 to index
      %get3A_336 = arith.constant 96 : index
      %get3A_337 = tpu.vector_load %arg14[%get3A_335, %get3A_336] {strides = array<i32>} : memref<16x256xf32, #tpu.memory_space<vmem>>, vector<1x16xf32>,
      %get3A_338 = vector.shape_cast %get3A_337 : vector<1x16xf32> to vector<16xf32>
      %get3A_339 = arith.index_cast %scan3A_112 : i32 to index
      %get3A_340 = arith.constant 96 : index
      %get3A_341 = tpu.vector_load %arg16[%get3A_339, %get3A_340] {strides = array<i32>} : memref<16x256xf32, #tpu.memory_space<vmem>>, vector<1x16xf32>,
      %get3A_342 = vector.shape_cast %get3A_341 : vector<1x16xf32> to vector<16xf32>
      %add3A_343 = arith.addf %get3A_338, %get3A_342 : vector<16xf32>
      %get3A_344 = arith.index_cast %scan3A_112 : i32 to index
      %get3A_345 = arith.constant 96 : index
      %get3A_346 = tpu.vector_load %arg18[%get3A_344, %get3A_345] {strides = array<i32>} : memref<16x256xf32, #tpu.memory_space<vmem>>, vector<1x16xf32>,
      %get3A_347 = vector.shape_cast %get3A_346 : vector<1x16xf32> to vector<16xf32>
      %add3A_348 = arith.addf %add3A_343, %get3A_347 : vector<16xf32>
      %get3A_349 = arith.index_cast %scan3A_112 : i32 to index
      %get3A_350 = arith.constant 112 : index
      %get3A_351 = tpu.vector_load %arg14[%get3A_349, %get3A_350] {strides = array<i32>} : memref<16x256xf32, #tpu.memory_space<vmem>>, vector<1x16xf32>,
      %get3A_352 = vector.shape_cast %get3A_351 : vector<1x16xf32> to vector<16xf32>
      %get3A_353 = arith.index_cast %scan3A_112 : i32 to index
      %get3A_354 = arith.constant 112 : index
      %get3A_355 = tpu.vector_load %arg16[%get3A_353, %get3A_354] {strides = array<i32>} : memref<16x256xf32, #tpu.memory_space<vmem>>, vector<1x16xf32>,
      %get3A_356 = vector.shape_cast %get3A_355 : vector<1x16xf32> to vector<16xf32>
      %add3A_357 = arith.addf %get3A_352, %get3A_356 : vector<16xf32>
      %get3A_358 = arith.index_cast %scan3A_112 : i32 to index
      %get3A_359 = arith.constant 112 : index
      %get3A_360 = tpu.vector_load %arg18[%get3A_358, %get3A_359] {strides = array<i32>} : memref<16x256xf32, #tpu.memory_space<vmem>>, vector<1x16xf32>,
      %get3A_361 = vector.shape_cast %get3A_360 : vector<1x16xf32> to vector<16xf32>
      %add3A_362 = arith.addf %add3A_357, %get3A_361 : vector<16xf32>
      %get3A_363 = arith.index_cast %scan3A_112 : i32 to index
      %get3A_364 = arith.constant 192 : index
      %get3A_365 = tpu.vector_load %arg14[%get3A_363, %get3A_364] {strides = array<i32>} : memref<16x256xf32, #tpu.memory_space<vmem>>, vector<1x16xf32>,
      %get3A_366 = vector.shape_cast %get3A_365 : vector<1x16xf32> to vector<16xf32>
      %get3A_367 = arith.index_cast %scan3A_112 : i32 to index
      %get3A_368 = arith.constant 192 : index
      %get3A_369 = tpu.vector_load %arg16[%get3A_367, %get3A_368] {strides = array<i32>} : memref<16x256xf32, #tpu.memory_space<vmem>>, vector<1x16xf32>,
      %get3A_370 = vector.shape_cast %get3A_369 : vector<1x16xf32> to vector<16xf32>
      %add3A_371 = arith.addf %get3A_366, %get3A_370 : vector<16xf32>
      %get3A_372 = arith.index_cast %scan3A_112 : i32 to index
      %get3A_373 = arith.constant 192 : index
      %get3A_374 = tpu.vector_load %arg18[%get3A_372, %get3A_373] {strides = array<i32>} : memref<16x256xf32, #tpu.memory_space<vmem>>, vector<1x16xf32>,
      %get3A_375 = vector.shape_cast %get3A_374 : vector<1x16xf32> to vector<16xf32>
      %add3A_376 = arith.addf %add3A_371, %get3A_375 : vector<16xf32>
      %get3A_377 = arith.index_cast %scan3A_112 : i32 to index
      %get3A_378 = arith.constant 208 : index
      %get3A_379 = tpu.vector_load %arg14[%get3A_377, %get3A_378] {strides = array<i32>} : memref<16x256xf32, #tpu.memory_space<vmem>>, vector<1x16xf32>,
      %get3A_380 = vector.shape_cast %get3A_379 : vector<1x16xf32> to vector<16xf32>
      %get3A_381 = arith.index_cast %scan3A_112 : i32 to index
      %get3A_382 = arith.constant 208 : index
      %get3A_383 = tpu.vector_load %arg16[%get3A_381, %get3A_382] {strides = array<i32>} : memref<16x256xf32, #tpu.memory_space<vmem>>, vector<1x16xf32>,
      %get3A_384 = vector.shape_cast %get3A_383 : vector<1x16xf32> to vector<16xf32>
      %add3A_385 = arith.addf %get3A_380, %get3A_384 : vector<16xf32>
      %get3A_386 = arith.index_cast %scan3A_112 : i32 to index
      %get3A_387 = arith.constant 208 : index
      %get3A_388 = tpu.vector_load %arg18[%get3A_386, %get3A_387] {strides = array<i32>} : memref<16x256xf32, #tpu.memory_space<vmem>>, vector<1x16xf32>,
      %get3A_389 = vector.shape_cast %get3A_388 : vector<1x16xf32> to vector<16xf32>
      %add3A_390 = arith.addf %add3A_385, %get3A_389 : vector<16xf32>
      %get3A_391 = arith.index_cast %scan3A_112 : i32 to index
      %get3A_392 = arith.constant 224 : index
      %get3A_393 = tpu.vector_load %arg14[%get3A_391, %get3A_392] {strides = array<i32>} : memref<16x256xf32, #tpu.memory_space<vmem>>, vector<1x16xf32>,
      %get3A_394 = vector.shape_cast %get3A_393 : vector<1x16xf32> to vector<16xf32>
      %get3A_395 = arith.index_cast %scan3A_112 : i32 to index
      %get3A_396 = arith.constant 224 : index
      %get3A_397 = tpu.vector_load %arg16[%get3A_395, %get3A_396] {strides = array<i32>} : memref<16x256xf32, #tpu.memory_space<vmem>>, vector<1x16xf32>,
      %get3A_398 = vector.shape_cast %get3A_397 : vector<1x16xf32> to vector<16xf32>
      %add3A_399 = arith.addf %get3A_394, %get3A_398 : vector<16xf32>
      %get3A_400 = arith.index_cast %scan3A_112 : i32 to index
      %get3A_401 = arith.constant 224 : index
      %get3A_402 = tpu.vector_load %arg18[%get3A_400, %get3A_401] {strides = array<i32>} : memref<16x256xf32, #tpu.memory_space<vmem>>, vector<1x16xf32>,
      %get3A_403 = vector.shape_cast %get3A_402 : vector<1x16xf32> to vector<16xf32>
      %add3A_404 = arith.addf %add3A_399, %get3A_403 : vector<16xf32>
      %get3A_405 = arith.index_cast %scan3A_112 : i32 to index
      %get3A_406 = arith.constant 240 : index
      %get3A_407 = tpu.vector_load %arg14[%get3A_405, %get3A_406] {strides = array<i32>} : memref<16x256xf32, #tpu.memory_space<vmem>>, vector<1x16xf32>,
      %get3A_408 = vector.shape_cast %get3A_407 : vector<1x16xf32> to vector<16xf32>
      %get3A_409 = arith.index_cast %scan3A_112 : i32 to index
      %get3A_410 = arith.constant 240 : index
      %get3A_411 = tpu.vector_load %arg16[%get3A_409, %get3A_410] {strides = array<i32>} : memref<16x256xf32, #tpu.memory_space<vmem>>, vector<1x16xf32>,
      %get3A_412 = vector.shape_cast %get3A_411 : vector<1x16xf32> to vector<16xf32>
      %add3A_413 = arith.addf %get3A_408, %get3A_412 : vector<16xf32>
      %get3A_414 = arith.index_cast %scan3A_112 : i32 to index
      %get3A_415 = arith.constant 240 : index
      %get3A_416 = tpu.vector_load %arg18[%get3A_414, %get3A_415] {strides = array<i32>} : memref<16x256xf32, #tpu.memory_space<vmem>>, vector<1x16xf32>,
      %get3A_417 = vector.shape_cast %get3A_416 : vector<1x16xf32> to vector<16xf32>
      %add3A_418 = arith.addf %add3A_413, %get3A_417 : vector<16xf32>
      %neg3A_419 = arith.constant 0.000000e+00 : f32
      %neg3A_420 = vector.broadcast %neg3A_419 : f32 to vector<16xf32>
      %neg3A_421 = arith.subf %neg3A_420, %add3A_320 : vector<16xf32>
      %exp3A_422 = math.exp %neg3A_421 : vector<16xf32>
      %neg3A_423 = arith.constant 0.000000e+00 : f32
      %neg3A_424 = vector.broadcast %neg3A_423 : f32 to vector<16xf32>
      %neg3A_425 = arith.subf %neg3A_424, %add3A_334 : vector<16xf32>
      %exp3A_426 = math.exp %neg3A_425 : vector<16xf32>
      %neg3A_427 = arith.constant 0.000000e+00 : f32
      %neg3A_428 = vector.broadcast %neg3A_427 : f32 to vector<16xf32>
      %neg3A_429 = arith.subf %neg3A_428, %add3A_348 : vector<16xf32>
      %exp3A_430 = math.exp %neg3A_429 : vector<16xf32>
      %neg3A_431 = arith.constant 0.000000e+00 : f32
      %neg3A_432 = vector.broadcast %neg3A_431 : f32 to vector<16xf32>
      %neg3A_433 = arith.subf %neg3A_432, %add3A_362 : vector<16xf32>
      %exp3A_434 = math.exp %neg3A_433 : vector<16xf32>
      %neg3A_435 = arith.constant 0.000000e+00 : f32
      %neg3A_436 = vector.broadcast %neg3A_435 : f32 to vector<16xf32>
      %neg3A_437 = arith.subf %neg3A_436, %add3A_376 : vector<16xf32>
      %exp3A_438 = math.exp %neg3A_437 : vector<16xf32>
      %neg3A_439 = arith.constant 0.000000e+00 : f32
      %neg3A_440 = vector.broadcast %neg3A_439 : f32 to vector<16xf32>
      %neg3A_441 = arith.subf %neg3A_440, %add3A_390 : vector<16xf32>
      %exp3A_442 = math.exp %neg3A_441 : vector<16xf32>
      %neg3A_443 = arith.constant 0.000000e+00 : f32
      %neg3A_444 = vector.broadcast %neg3A_443 : f32 to vector<16xf32>
      %neg3A_445 = arith.subf %neg3A_444, %add3A_404 : vector<16xf32>
      %exp3A_446 = math.exp %neg3A_445 : vector<16xf32>
      %neg3A_447 = arith.constant 0.000000e+00 : f32
      %neg3A_448 = vector.broadcast %neg3A_447 : f32 to vector<16xf32>
      %neg3A_449 = arith.subf %neg3A_448, %add3A_418 : vector<16xf32>
      %exp3A_450 = math.exp %neg3A_449 : vector<16xf32>
      %add3A_451 = arith.constant 1.000000e+00 : f32
      %add3A_452 = vector.broadcast %add3A_451 : f32 to vector<16xf32>
      %add3A_453 = arith.addf %add3A_452, %exp3A_422 : vector<16xf32>
      %add3A_454 = arith.constant 1.000000e+00 : f32
      %add3A_455 = vector.broadcast %add3A_454 : f32 to vector<16xf32>
      %add3A_456 = arith.addf %add3A_455, %exp3A_438 : vector<16xf32>
      %mul3A_457 = arith.mulf %add3A_453, %add3A_456 : vector<16xf32>
      %div3A_458 = arith.divf %add3A_376, %mul3A_457 : vector<16xf32>
      %swap3A_459 = arith.index_cast %scan3A_112 : i32 to index
      %swap3A_460 = arith.constant 64 : index
      %swap3A_461 = tpu.vector_load %arg20[%swap3A_459, %swap3A_460] {strides = array<i32>} : memref<16x128xf32, #tpu.memory_space<vmem>>, vector<1x16xf32>,
      %swap3A_462 = vector.shape_cast %swap3A_461 : vector<1x16xf32> to vector<16xf32>
      %swap3A_463 = vector.shape_cast %div3A_458 : vector<16xf32> to vector<1x16xf32>
      tpu.vector_store %arg20[%swap3A_459, %swap3A_460], %swap3A_463 {strides = array<i32>} : memref<16x128xf32, #tpu.memory_space<vmem>>, vector<1x16xf32>,
      %add3A_464 = arith.constant 1.000000e+00 : f32
      %add3A_465 = vector.broadcast %add3A_464 : f32 to vector<16xf32>
      %add3A_466 = arith.addf %add3A_465, %exp3A_426 : vector<16xf32>
      %add3A_467 = arith.constant 1.000000e+00 : f32
      %add3A_468 = vector.broadcast %add3A_467 : f32 to vector<16xf32>
      %add3A_469 = arith.addf %add3A_468, %exp3A_442 : vector<16xf32>
      %mul3A_470 = arith.mulf %add3A_466, %add3A_469 : vector<16xf32>
      %div3A_471 = arith.divf %add3A_390, %mul3A_470 : vector<16xf32>
      %swap3A_472 = arith.index_cast %scan3A_112 : i32 to index
      %swap3A_473 = arith.constant 80 : index
      %swap3A_474 = tpu.vector_load %arg20[%swap3A_472, %swap3A_473] {strides = array<i32>} : memref<16x128xf32, #tpu.memory_space<vmem>>, vector<1x16xf32>,
      %swap3A_475 = vector.shape_cast %swap3A_474 : vector<1x16xf32> to vector<16xf32>
      %swap3A_476 = vector.shape_cast %div3A_471 : vector<16xf32> to vector<1x16xf32>
      tpu.vector_store %arg20[%swap3A_472, %swap3A_473], %swap3A_476 {strides = array<i32>} : memref<16x128xf32, #tpu.memory_space<vmem>>, vector<1x16xf32>,
      %add3A_477 = arith.constant 1.000000e+00 : f32
      %add3A_478 = vector.broadcast %add3A_477 : f32 to vector<16xf32>
      %add3A_479 = arith.addf %add3A_478, %exp3A_430 : vector<16xf32>
      %add3A_480 = arith.constant 1.000000e+00 : f32
      %add3A_481 = vector.broadcast %add3A_480 : f32 to vector<16xf32>
      %add3A_482 = arith.addf %add3A_481, %exp3A_446 : vector<16xf32>
      %mul3A_483 = arith.mulf %add3A_479, %add3A_482 : vector<16xf32>
      %div3A_484 = arith.divf %add3A_404, %mul3A_483 : vector<16xf32>
      %swap3A_485 = arith.index_cast %scan3A_112 : i32 to index
      %swap3A_486 = arith.constant 96 : index
      %swap3A_487 = tpu.vector_load %arg20[%swap3A_485, %swap3A_486] {strides = array<i32>} : memref<16x128xf32, #tpu.memory_space<vmem>>, vector<1x16xf32>,
      %swap3A_488 = vector.shape_cast %swap3A_487 : vector<1x16xf32> to vector<16xf32>
      %swap3A_489 = vector.shape_cast %div3A_484 : vector<16xf32> to vector<1x16xf32>
      tpu.vector_store %arg20[%swap3A_485, %swap3A_486], %swap3A_489 {strides = array<i32>} : memref<16x128xf32, #tpu.memory_space<vmem>>, vector<1x16xf32>,
      %add3A_490 = arith.constant 1.000000e+00 : f32
      %add3A_491 = vector.broadcast %add3A_490 : f32 to vector<16xf32>
      %add3A_492 = arith.addf %add3A_491, %exp3A_434 : vector<16xf32>
      %add3A_493 = arith.constant 1.000000e+00 : f32
      %add3A_494 = vector.broadcast %add3A_493 : f32 to vector<16xf32>
      %add3A_495 = arith.addf %add3A_494, %exp3A_450 : vector<16xf32>
      %mul3A_496 = arith.mulf %add3A_492, %add3A_495 : vector<16xf32>
      %div3A_497 = arith.divf %add3A_418, %mul3A_496 : vector<16xf32>
      %swap3A_498 = arith.index_cast %scan3A_112 : i32 to index
      %swap3A_499 = arith.constant 112 : index
      %swap3A_500 = tpu.vector_load %arg20[%swap3A_498, %swap3A_499] {strides = array<i32>} : memref<16x128xf32, #tpu.memory_space<vmem>>, vector<1x16xf32>,
      %swap3A_501 = vector.shape_cast %swap3A_500 : vector<1x16xf32> to vector<16xf32>
      %swap3A_502 = vector.shape_cast %div3A_497 : vector<16xf32> to vector<1x16xf32>
      tpu.vector_store %arg20[%swap3A_498, %swap3A_499], %swap3A_502 {strides = array<i32>} : memref<16x128xf32, #tpu.memory_space<vmem>>, vector<1x16xf32>,
      %scan3A_503 = arith.constant 0 : i32
      scf.yield %scan3A_503 : i32
    }
    %scan3A_88 = arith.constant 16 : i32
    %dma_start3A_89 = arith.constant 0 : i32
    %dma_start3A_90 = arith.constant 0 : i32
    %dma_start3A_91 = tpu.memref_slice %arg23[%dma_start3A_89, %dma_start3A_90] : memref<10000x128xf32, #tpu.memory_space<vmem_shared>> -> memref<10000x128xf32, #tpu.memory_space<vmem_shared>>
    tpu.enqueue_indirect_dma source(%arg20 : memref<16x128xf32, #tpu.memory_space<vmem>>) target(%dma_start3A_91 : memref<10000x128xf32, #tpu.memory_space<vmem_shared>>) offsets(%arg12 : memref<16xi32, #tpu.memory_space<vmem>>) semaphore(%arg28 : memref<!tpu.dma_semaphore, #tpu.memory_space<semaphore_mem>>) {add = true}
    %dma_wait3A_92 = arith.constant 0 : i32
    %dma_wait3A_93 = arith.constant 0 : i32
    %dma_wait3A_94 = tpu.memref_slice %arg23[%dma_wait3A_92, %dma_wait3A_93] : memref<10000x128xf32, #tpu.memory_space<vmem_shared>> -> memref<16x128xf32, #tpu.memory_space<vmem_shared>>
    %dma_wait3A_95 = arith.constant 0 : i32
    %dma_wait3A_96 = arith.constant 0 : i32
    %dma_wait3A_97 = tpu.memref_slice %arg23[%dma_wait3A_95, %dma_wait3A_96] : memref<10000x128xf32, #tpu.memory_space<vmem_shared>> -> memref<16x128xf32, #tpu.memory_space<vmem_shared>>
    tpu.wait_dma2 semaphore(%arg29 : memref<!tpu.dma_semaphore, #tpu.memory_space<semaphore_mem>>) src(%arg21 : memref<16x128xf32, #tpu.memory_space<vmem>>) dst(%dma_wait3A_97 : memref<16x128xf32, #tpu.memory_space<vmem_shared>>)
    %dma_wait3A_98 = arith.constant 0 : i32
    %dma_wait3A_99 = arith.constant 0 : i32
    %dma_wait3A_100 = tpu.memref_slice %arg23[%dma_wait3A_98, %dma_wait3A_99] : memref<10000x128xf32, #tpu.memory_space<vmem_shared>> -> memref<16x128xf32, #tpu.memory_space<vmem_shared>>
    %dma_wait3A_101 = arith.constant 0 : i32
    %dma_wait3A_102 = arith.constant 0 : i32
    %dma_wait3A_103 = tpu.memref_slice %arg23[%dma_wait3A_101, %dma_wait3A_102] : memref<10000x128xf32, #tpu.memory_space<vmem_shared>> -> memref<16x128xf32, #tpu.memory_space<vmem_shared>>
    tpu.wait_dma2 semaphore(%arg28 : memref<!tpu.dma_semaphore, #tpu.memory_space<semaphore_mem>>) src(%arg20 : memref<16x128xf32, #tpu.memory_space<vmem>>) dst(%dma_wait3A_103 : memref<16x128xf32, #tpu.memory_space<vmem_shared>>)
    %barrier3A_104 = arith.constant 0 : index
    tpu.barrier barrier_id(%barrier3A_104)
    %scan3A_105 = arith.constant 0 : i32
    %scan3A_106 = arith.constant 0 : i32
    %scan3A_107 = arith.constant 8 : i32
    %scan3A_108 = arith.addi %scan3A_106, %scan3A_107 : i32
    %scan3A_109 = arith.constant 1 : i32
    %scan3A_110 = scf.for %scan3A_112 = %scan3A_106 to %scan3A_108 step %scan3A_109 iter_args(%scan3A_113 = %scan3A_105) -> (i32)  : i32 {
      %mul3A_114 = arith.constant 16 : i32
      %mul3A_115 = arith.muli %scan3A_112, %mul3A_114 : i32
      %add3A_116 = arith.addi %arg1, %mul3A_115 : i32
      %lt3A = arith.constant 125 : i32
      %lt3A_117 = arith.cmpi slt, %add3A_116, %lt3A : i32
      %convert_element_type3A = arith.extui %lt3A_117 : i1 to i32
      %cond3A = arith.constant 0 : i32
      %cond3A_118 = arith.cmpi ne, %convert_element_type3A, %cond3A : i32
      scf.if %cond3A_118 {
        %mul3A_120 = arith.constant 80 : i32
        %mul3A_121 = arith.muli %add3A_116, %mul3A_120 : i32
        "tpu.region"() ({
          %run_scoped3A = tpu.sem_alloc : memref<!tpu.dma_semaphore, #tpu.memory_space<semaphore_mem>>
          %dma_start3A_124 = arith.constant 0 : i32
          %dma_start3A_125 = tpu.memref_slice %arg23[%mul3A_121, %dma_start3A_124] : memref<10000x128xf32, #tpu.memory_space<vmem_shared>> -> memref<80x128xf32, #tpu.memory_space<vmem_shared>>
          %dma_start3A_126 = arith.constant 0 : i32
          %dma_start3A_127 = tpu.memref_slice %arg23[%mul3A_121, %dma_start3A_126] : memref<10000x128xf32, #tpu.memory_space<vmem_shared>> -> memref<80x128xf32, #tpu.memory_space<vmem_shared>>
          tpu.enqueue_dma source(%dma_start3A_127 : memref<80x128xf32, #tpu.memory_space<vmem_shared>>) target(%arg22 : memref<80x128xf32, #tpu.memory_space<vmem>>) target_semaphore(%run_scoped3A : memref<!tpu.dma_semaphore, #tpu.memory_space<semaphore_mem>>)
          %dma_wait3A_128 = arith.constant 0 : i32
          %dma_wait3A_129 = tpu.memref_slice %arg23[%mul3A_121, %dma_wait3A_128] : memref<10000x128xf32, #tpu.memory_space<vmem_shared>> -> memref<80x128xf32, #tpu.memory_space<vmem_shared>>
          %dma_wait3A_130 = arith.constant 0 : i32
          %dma_wait3A_131 = tpu.memref_slice %arg23[%mul3A_121, %dma_wait3A_130] : memref<10000x128xf32, #tpu.memory_space<vmem_shared>> -> memref<80x128xf32, #tpu.memory_space<vmem_shared>>
          tpu.wait_dma2 semaphore(%run_scoped3A : memref<!tpu.dma_semaphore, #tpu.memory_space<semaphore_mem>>) src(%dma_wait3A_131 : memref<80x128xf32, #tpu.memory_space<vmem_shared>>) dst(%arg22 : memref<80x128xf32, #tpu.memory_space<vmem>>)
          tpu.yield
        }) : () -> ()
        %mul3A_122 = arith.constant 80 : i32
        %mul3A_123 = arith.muli %add3A_116, %mul3A_122 : i32
        "tpu.region"() ({
          %run_scoped3A = tpu.sem_alloc : memref<!tpu.dma_semaphore, #tpu.memory_space<semaphore_mem>>
          %dma_start3A_124 = arith.constant 0 : i32
          %dma_start3A_125 = tpu.memref_slice %arg7[%arg0, %mul3A_123, %dma_start3A_124] : memref<2x10000x128xf32, #tpu.memory_space<hbm>> -> memref<1x80x128xf32, #tpu.memory_space<hbm>>
          %dma_start3A_126 = tpu.memref_squeeze %dma_start3A_125 : memref<1x80x128xf32, #tpu.memory_space<hbm>> -> memref<80x128xf32, #tpu.memory_space<hbm>>
          %dma_start3A_127 = arith.constant 0 : i32
          %dma_start3A_128 = tpu.memref_slice %arg7[%arg0, %mul3A_123, %dma_start3A_127] : memref<2x10000x128xf32, #tpu.memory_space<hbm>> -> memref<1x80x128xf32, #tpu.memory_space<hbm>>
          %dma_start3A_129 = tpu.memref_squeeze %dma_start3A_128 : memref<1x80x128xf32, #tpu.memory_space<hbm>> -> memref<80x128xf32, #tpu.memory_space<hbm>>
          tpu.enqueue_dma source(%arg22 : memref<80x128xf32, #tpu.memory_space<vmem>>) target(%dma_start3A_129 : memref<80x128xf32, #tpu.memory_space<hbm>>) target_semaphore(%run_scoped3A : memref<!tpu.dma_semaphore, #tpu.memory_space<semaphore_mem>>)
          %dma_wait3A_130 = arith.constant 0 : i32
          %dma_wait3A_131 = tpu.memref_slice %arg7[%arg0, %mul3A_123, %dma_wait3A_130] : memref<2x10000x128xf32, #tpu.memory_space<hbm>> -> memref<1x80x128xf32, #tpu.memory_space<hbm>>
          %dma_wait3A_132 = tpu.memref_squeeze %dma_wait3A_131 : memref<1x80x128xf32, #tpu.memory_space<hbm>> -> memref<80x128xf32, #tpu.memory_space<hbm>>
          %dma_wait3A_133 = arith.constant 0 : i32
          %dma_wait3A_134 = tpu.memref_slice %arg7[%arg0, %mul3A_123, %dma_wait3A_133] : memref<2x10000x128xf32, #tpu.memory_space<hbm>> -> memref<1x80x128xf32, #tpu.memory_space<hbm>>
          %dma_wait3A_135 = tpu.memref_squeeze %dma_wait3A_134 : memref<1x80x128xf32, #tpu.memory_space<hbm>> -> memref<80x128xf32, #tpu.memory_space<hbm>>
          tpu.wait_dma2 semaphore(%run_scoped3A : memref<!tpu.dma_semaphore, #tpu.memory_space<semaphore_mem>>) src(%arg22 : memref<80x128xf32, #tpu.memory_space<vmem>>) dst(%dma_wait3A_135 : memref<80x128xf32, #tpu.memory_space<hbm>>)
          tpu.yield
        }) : () -> ()
      } else {
      }
      %scan3A_119 = arith.constant 0 : i32
      scf.yield %scan3A_119 : i32
    }
    %scan3A_111 = arith.constant 8 : i32
    return
  }
}

module attributes {stable_mosaic.version = 14 : i64} {
  func.func @_ab_body(%arg0: i32, %arg1: memref<1000x128xf32, #tpu.memory_space<vmem>>, %arg2: memref<128x256xf32, #tpu.memory_space<vmem>>, %arg3: memref<128x256xf32, #tpu.memory_space<vmem>>, %arg4: memref<1000x256xf32, #tpu.memory_space<vmem>>, %arg5: memref<1000x256xf32, #tpu.memory_space<vmem>>) attributes {dimension_semantics = [#tpu.dimension_semantics<arbitrary>], iteration_bounds = array<i64: 10>, scalar_prefetch = 0 : i64, scratch_operands = 0 : i64, tpu.core_type = #tpu.core_type<tc>, window_params = [{transform_indices = @transform_0, window_bounds = array<i64: 1000, 128>}, {pipeline_mode = #tpu.pipeline_mode<synchronous>, transform_indices = @transform_1, window_bounds = array<i64: 128, 256>}, {pipeline_mode = #tpu.pipeline_mode<synchronous>, transform_indices = @transform_2, window_bounds = array<i64: 128, 256>}, {transform_indices = @transform_3, window_bounds = array<i64: 1000, 256>}, {transform_indices = @transform_4, window_bounds = array<i64: 1000, 256>}]} {
    %get3A = arith.constant 0 : index
    %get3A_0 = arith.constant 0 : index
    %get3A_1 = vector.load %arg1[%get3A, %get3A_0] : memref<1000x128xf32, #tpu.memory_space<vmem>>, vector<1000x128xf32>
    %get3A_2 = arith.constant 0 : index
    %get3A_3 = arith.constant 0 : index
    %get3A_4 = vector.load %arg2[%get3A_2, %get3A_3] : memref<128x256xf32, #tpu.memory_space<vmem>>, vector<128x256xf32>
    %dot_general3A = arith.constant dense<0.000000e+00> : vector<1000x256xf32>
    %dot_general3A_5 = tpu.matmul %get3A_1, %get3A_4, %dot_general3A {dimension_numbers = #tpu.dot_dimension_numbers<[1], [0], [0], [1], [0, 0, 1, 1], [], []>, transpose_lhs_hint = false} : vector<1000x128xf32>, vector<128x256xf32>, vector<1000x256xf32> -> vector<1000x256xf32>
    %swap3A = arith.constant 0 : index
    %swap3A_6 = arith.constant 0 : index
    %swap3A_7 = vector.load %arg4[%swap3A, %swap3A_6] : memref<1000x256xf32, #tpu.memory_space<vmem>>, vector<1000x256xf32>
    tpu.vector_store %arg4[%swap3A, %swap3A_6], %dot_general3A_5 {strides = array<i32>} : memref<1000x256xf32, #tpu.memory_space<vmem>>, vector<1000x256xf32>,
    %get3A_8 = arith.constant 0 : index
    %get3A_9 = arith.constant 0 : index
    %get3A_10 = vector.load %arg3[%get3A_8, %get3A_9] : memref<128x256xf32, #tpu.memory_space<vmem>>, vector<128x256xf32>
    %dot_general3A_11 = arith.constant dense<0.000000e+00> : vector<1000x256xf32>
    %dot_general3A_12 = tpu.matmul %get3A_1, %get3A_10, %dot_general3A_11 {dimension_numbers = #tpu.dot_dimension_numbers<[1], [0], [0], [1], [0, 0, 1, 1], [], []>, transpose_lhs_hint = false} : vector<1000x128xf32>, vector<128x256xf32>, vector<1000x256xf32> -> vector<1000x256xf32>
    %swap3A_13 = arith.constant 0 : index
    %swap3A_14 = arith.constant 0 : index
    %swap3A_15 = vector.load %arg5[%swap3A_13, %swap3A_14] : memref<1000x256xf32, #tpu.memory_space<vmem>>, vector<1000x256xf32>
    tpu.vector_store %arg5[%swap3A_13, %swap3A_14], %dot_general3A_12 {strides = array<i32>} : memref<1000x256xf32, #tpu.memory_space<vmem>>, vector<1000x256xf32>,
    return
  }
  func.func @transform_0(%arg0: i32) -> (i32, i32) {
    %c0_i32 = arith.constant 0 : i32
    %c0_i32_0 = arith.constant 0 : i32
    return %arg0, %c0_i32 : i32, i32
  }
  func.func @transform_1(%arg0: i32) -> (i32, i32) {
    %c0_i32 = arith.constant 0 : i32
    %c0_i32_0 = arith.constant 0 : i32
    %c0_i32_1 = arith.constant 0 : i32
    return %c0_i32, %c0_i32_0 : i32, i32
  }
  func.func @transform_2(%arg0: i32) -> (i32, i32) {
    %c0_i32 = arith.constant 0 : i32
    %c0_i32_0 = arith.constant 0 : i32
    %c0_i32_1 = arith.constant 0 : i32
    return %c0_i32, %c0_i32_0 : i32, i32
  }
  func.func @transform_3(%arg0: i32) -> (i32, i32) {
    %c0_i32 = arith.constant 0 : i32
    %c0_i32_0 = arith.constant 0 : i32
    return %arg0, %c0_i32 : i32, i32
  }
  func.func @transform_4(%arg0: i32) -> (i32, i32) {
    %c0_i32 = arith.constant 0 : i32
    %c0_i32_0 = arith.constant 0 : i32
    return %arg0, %c0_i32 : i32, i32
  }
}

module attributes {stable_mosaic.version = 14 : i64} {
  func.func @_c_body(%arg0: i32, %arg1: memref<4000x16xf32, #tpu.memory_space<vmem>>, %arg2: memref<16x256xf32, #tpu.memory_space<vmem>>, %arg3: memref<1x256xf32, #tpu.memory_space<vmem>>, %arg4: memref<4000x256xf32, #tpu.memory_space<vmem>>) attributes {dimension_semantics = [#tpu.dimension_semantics<arbitrary>], iteration_bounds = array<i64: 80>, scalar_prefetch = 0 : i64, scratch_operands = 0 : i64, tpu.core_type = #tpu.core_type<tc>, window_params = [{transform_indices = @transform_0, window_bounds = array<i64: 4000, 16>}, {pipeline_mode = #tpu.pipeline_mode<synchronous>, transform_indices = @transform_1, window_bounds = array<i64: 16, 256>}, {pipeline_mode = #tpu.pipeline_mode<synchronous>, transform_indices = @transform_2, window_bounds = array<i64: 1, 256>}, {transform_indices = @transform_3, window_bounds = array<i64: 4000, 256>}]} {
    %get3A = arith.constant 0 : index
    %get3A_0 = arith.constant 0 : index
    %get3A_1 = vector.load %arg1[%get3A, %get3A_0] : memref<4000x16xf32, #tpu.memory_space<vmem>>, vector<4000x16xf32>
    %get3A_2 = arith.constant 0 : index
    %get3A_3 = arith.constant 0 : index
    %get3A_4 = vector.load %arg2[%get3A_2, %get3A_3] : memref<16x256xf32, #tpu.memory_space<vmem>>, vector<16x256xf32>
    %dot_general3A = arith.constant dense<0.000000e+00> : vector<4000x256xf32>
    %dot_general3A_5 = tpu.matmul %get3A_1, %get3A_4, %dot_general3A {dimension_numbers = #tpu.dot_dimension_numbers<[1], [0], [0], [1], [0, 0, 1, 1], [], []>, transpose_lhs_hint = false} : vector<4000x16xf32>, vector<16x256xf32>, vector<4000x256xf32> -> vector<4000x256xf32>
    %get3A_6 = arith.constant 0 : index
    %get3A_7 = arith.constant 0 : index
    %get3A_8 = vector.load %arg3[%get3A_6, %get3A_7] : memref<1x256xf32, #tpu.memory_space<vmem>>, vector<1x256xf32>
    %add3A = vector.broadcast %get3A_8 : vector<1x256xf32> to vector<4000x256xf32>
    %add3A_9 = arith.addf %dot_general3A_5, %add3A : vector<4000x256xf32>
    %swap3A = arith.constant 0 : index
    %swap3A_10 = arith.constant 0 : index
    %swap3A_11 = vector.load %arg4[%swap3A, %swap3A_10] : memref<4000x256xf32, #tpu.memory_space<vmem>>, vector<4000x256xf32>
    tpu.vector_store %arg4[%swap3A, %swap3A_10], %add3A_9 {strides = array<i32>} : memref<4000x256xf32, #tpu.memory_space<vmem>>, vector<4000x256xf32>,
    return
  }
  func.func @transform_0(%arg0: i32) -> (i32, i32) {
    %c0_i32 = arith.constant 0 : i32
    %c0_i32_0 = arith.constant 0 : i32
    return %arg0, %c0_i32 : i32, i32
  }
  func.func @transform_1(%arg0: i32) -> (i32, i32) {
    %c0_i32 = arith.constant 0 : i32
    %c0_i32_0 = arith.constant 0 : i32
    %c0_i32_1 = arith.constant 0 : i32
    return %c0_i32, %c0_i32_0 : i32, i32
  }
  func.func @transform_2(%arg0: i32) -> (i32, i32) {
    %c0_i32 = arith.constant 0 : i32
    %c0_i32_0 = arith.constant 0 : i32
    %c0_i32_1 = arith.constant 0 : i32
    return %c0_i32, %c0_i32_0 : i32, i32
  }
  func.func @transform_3(%arg0: i32) -> (i32, i32) {
    %c0_i32 = arith.constant 0 : i32
    %c0_i32_0 = arith.constant 0 : i32
    return %arg0, %c0_i32 : i32, i32
  }
}

module attributes {stable_mosaic.version = 14 : i64} {
  func.func @_post_body(%arg0: i32, %arg1: memref<2x1000x128xf32, #tpu.memory_space<vmem>>, %arg2: memref<1000x128xf32, #tpu.memory_space<vmem>>, %arg3: memref<128x128xf32, #tpu.memory_space<vmem>>, %arg4: memref<1x128xf32, #tpu.memory_space<vmem>>, %arg5: memref<1000x128xf32, #tpu.memory_space<vmem>>) attributes {dimension_semantics = [#tpu.dimension_semantics<arbitrary>], iteration_bounds = array<i64: 10>, scalar_prefetch = 0 : i64, scratch_operands = 0 : i64, tpu.core_type = #tpu.core_type<tc>, window_params = [{transform_indices = @transform_0, window_bounds = array<i64: 2, 1000, 128>}, {transform_indices = @transform_1, window_bounds = array<i64: 1000, 128>}, {pipeline_mode = #tpu.pipeline_mode<synchronous>, transform_indices = @transform_2, window_bounds = array<i64: 128, 128>}, {pipeline_mode = #tpu.pipeline_mode<synchronous>, transform_indices = @transform_3, window_bounds = array<i64: 1, 128>}, {transform_indices = @transform_4, window_bounds = array<i64: 1000, 128>}]} {
    %get3A = arith.constant 0 : index
    %get3A_0 = arith.constant 0 : index
    %get3A_1 = arith.constant 0 : index
    %get3A_2 = vector.load %arg1[%get3A, %get3A_0, %get3A_1] : memref<2x1000x128xf32, #tpu.memory_space<vmem>>, vector<1x1000x128xf32>
    %get3A_3 = vector.shape_cast %get3A_2 : vector<1x1000x128xf32> to vector<1000x128xf32>
    %get3A_4 = arith.constant 1 : index
    %get3A_5 = arith.constant 0 : index
    %get3A_6 = arith.constant 0 : index
    %get3A_7 = vector.load %arg1[%get3A_4, %get3A_5, %get3A_6] : memref<2x1000x128xf32, #tpu.memory_space<vmem>>, vector<1x1000x128xf32>
    %get3A_8 = vector.shape_cast %get3A_7 : vector<1x1000x128xf32> to vector<1000x128xf32>
    %add3A = arith.addf %get3A_3, %get3A_8 : vector<1000x128xf32>
    %get3A_9 = arith.constant 0 : index
    %get3A_10 = arith.constant 0 : index
    %get3A_11 = vector.load %arg2[%get3A_9, %get3A_10] : memref<1000x128xf32, #tpu.memory_space<vmem>>, vector<1000x128xf32>
    %get3A_12 = arith.constant 0 : index
    %get3A_13 = arith.constant 0 : index
    %get3A_14 = vector.load %arg3[%get3A_12, %get3A_13] : memref<128x128xf32, #tpu.memory_space<vmem>>, vector<128x128xf32>
    %dot_general3A = arith.constant dense<0.000000e+00> : vector<1000x128xf32>
    %dot_general3A_15 = tpu.matmul %add3A, %get3A_14, %dot_general3A {dimension_numbers = #tpu.dot_dimension_numbers<[1], [0], [0], [1], [0, 0, 1, 1], [], []>, transpose_lhs_hint = false} : vector<1000x128xf32>, vector<128x128xf32>, vector<1000x128xf32> -> vector<1000x128xf32>
    %add3A_16 = arith.addf %get3A_11, %dot_general3A_15 : vector<1000x128xf32>
    %get3A_17 = arith.constant 0 : index
    %get3A_18 = arith.constant 0 : index
    %get3A_19 = vector.load %arg4[%get3A_17, %get3A_18] : memref<1x128xf32, #tpu.memory_space<vmem>>, vector<1x128xf32>
    %add3A_20 = vector.broadcast %get3A_19 : vector<1x128xf32> to vector<1000x128xf32>
    %add3A_21 = arith.addf %add3A_16, %add3A_20 : vector<1000x128xf32>
    %swap3A = arith.constant 0 : index
    %swap3A_22 = arith.constant 0 : index
    %swap3A_23 = vector.load %arg5[%swap3A, %swap3A_22] : memref<1000x128xf32, #tpu.memory_space<vmem>>, vector<1000x128xf32>
    tpu.vector_store %arg5[%swap3A, %swap3A_22], %add3A_21 {strides = array<i32>} : memref<1000x128xf32, #tpu.memory_space<vmem>>, vector<1000x128xf32>,
    return
  }
  func.func @transform_0(%arg0: i32) -> (i32, i32, i32) {
    %c0_i32 = arith.constant 0 : i32
    %c0_i32_0 = arith.constant 0 : i32
    %c0_i32_1 = arith.constant 0 : i32
    return %c0_i32, %arg0, %c0_i32_0 : i32, i32, i32
  }
  func.func @transform_1(%arg0: i32) -> (i32, i32) {
    %c0_i32 = arith.constant 0 : i32
    %c0_i32_0 = arith.constant 0 : i32
    return %arg0, %c0_i32 : i32, i32
  }
  func.func @transform_2(%arg0: i32) -> (i32, i32) {
    %c0_i32 = arith.constant 0 : i32
    %c0_i32_0 = arith.constant 0 : i32
    %c0_i32_1 = arith.constant 0 : i32
    return %c0_i32, %c0_i32_0 : i32, i32
  }
  func.func @transform_3(%arg0: i32) -> (i32, i32) {
    %c0_i32 = arith.constant 0 : i32
    %c0_i32_0 = arith.constant 0 : i32
    %c0_i32_1 = arith.constant 0 : i32
    return %c0_i32, %c0_i32_0 : i32, i32
  }
  func.func @transform_4(%arg0: i32) -> (i32, i32) {
    %c0_i32 = arith.constant 0 : i32
    %c0_i32_0 = arith.constant 0 : i32
    return %arg0, %c0_i32 : i32, i32
  }
}

</mosaic_0001>

<sc_bundles>
// kernel: kernel.6.cloned.1.call-start
scs
__scs_entry_jumppad:
0x0: {  	(pc) =	sbr.rel $0x88, $3  }
0x1: {  	(tag) =	ssettag $0x0;
	lr =	simm.s32 $0x1  }
0x2: {  	[smem:$0x3F9A] =	sst lr;
	_ =	strace $0xD0000000  }
0x3: {  	_ = 	snop  }
0x4: {  	_ = 	snop  }
0x5: {  	_ = 	snop  }
0x6: {  	_ = 	snop  }
0x7: {  	_ = 	snop  }
__scs_overlays_trampoline_lowered:
0x8: {  	[smem:$0x3FA9] =	sst s0  }
0x9: {  	[smem:$0x3FAA] =	sst s1  }
0xa: {  	[smem:$0x3FAB] =	sst s2  }
0xb: {  	[smem:$0x3FAC] =	sst s3  }
0xc: {  	[smem:$0x3FAD] =	sst s4  }
0xd: {  	[smem:$0x3FAE] =	sst s5  }
0xe: {  	[smem:$0x3FAF] =	sst s6  }
0xf: {  	[smem:$0x3FB0] =	sst s7  }
0x10: {  	[smem:$0x3FB1] =	sst s8  }
0x11: {  	[smem:$0x3FB2] =	sst s9;
	s0 =	simm.s32 @!p0 $0x0  }
0x12: {  	s1 =	sld [smem:$0x3F98];
	s0 =	simm.s32 @p0 $0x1  }
0x13: {  	[smem:$0x3FB3] =	sst s0;
	s0 =	simm.s32 @!p1 $0x0  }
0x14: {  	s2 =	sld [smem:$0x3F97];
	s0 =	simm.s32 @p1 $0x1  }
0x15: {  	[smem:$0x3FB4] =	sst s0;
	s0 =	simm.s32 @!p2 $0x0  }
0x16: {  	s3 =	sld [smem:$0x3FDB];
	s0 =	simm.s32 @p2 $0x1  }
0x17: {  	s4 =	simm.s32 $0x1BF5;
	[smem:$0x3FB6] =	sst s0  }
0x18: {  	s0 =	sld [smem:$0x3F99];
	_ =	swait.ge [sflag:s4], $0x0  }
0x19: {  	s7 =	sld [smem:$0x3F9A]  }
0x1a: {  	s8 =	sadd.s32 $0xFFFFE003, lr  }
0x1b: {  	s9 =	sadd.s32 $0xFFFFFEF7, lr;
	s5 =	simm.s32 $0xFFFFFFFF;
	p2 =	slt.u32 s8, $0xFFFFF086  }
0x1c: {  	p1 =	slt.u32 s9, $0xF7A;
	s5 =	simm.s32 @!p2 $0x0  }
0x1d: {  	s5 =	simm.s32 @p1 $0x1;
	p0 =	seq.s32 s7, s2  }
0x1e: {  	s7 =	smul.u32 @!p0 $0xF7A, s2;
	p2 =	seq.s32 @!p0 s5, $0x0  }
0x1f: {  	s9 =	smul.u32 $0xF7A, s1;
	s8 =	simm.s32 @!p0 $0x1BF5;
	p2 =	por !p2, p0  }
0x20: {  	[sflag:s8] =	ssyncset.s32 @!p0 $0xFFFFF086;
	s6 =	sadd.s32 @!p0 s3, s7;
	s7 =	simm.s32 @!p0 $0x108  }
0x21: {  	s3 =	sadd.s32 s3, s9;
	s6 =	sadd.s32 @!p0 $0x88, s6;
	s7 =	simm.s32 @p2 $0x1082  }
0x22: {  	[simem:s7], [sflag:s8] =	dma.local @!p0 [hbm:s6], $0xF7A  }
0x23: {  	s9 =	sor.u32 $0xD0000000, s2;
	s6 =	simm.s32 $0x108;
	_ =	swait.ge @!p0 [sflag:s8], $0x0  }
0x24: {  	s3 =	sadd.s32 $0x88, s3;
	s6 =	simm.s32 @!p1 $0x1082;
	[sflag:s4] =	ssyncset.s32 $0xFFFFF086  }
0x25: {  	[simem:s6], [sflag:s4] =	dma.local [hbm:s3], $0xF7A  }
0x26: {  	[smem:$0x3F9A] =	sst s1;
	(tag) =	ssettag s2;
	_ =	strace s9  }
0x27: {  	s1 =	sld [smem:$0x3FAA]  }
0x28: {  	s2 =	sld [smem:$0x3FAB]  }
0x29: {  	s4 =	sld [smem:$0x3FAD]  }
0x2a: {  	p0 =	seq.s32 s5, $0x0;
	s5 =	sld [smem:$0x3FAE]  }
0x2b: {  	s6 =	sld [smem:$0x3FAF]  }
0x2c: {  	s7 =	sld [smem:$0x3FB0]  }
0x2d: {  	s3 =	simm.s32 $0x108;
	s8 =	sld [smem:$0x3FB1]  }
0x2e: {  	s3 =	simm.s32 @!p0 $0x1082;
	s9 =	sld [smem:$0x3FB2]  }
0x2f: {  	lr =	sadd.s32 s0, s3;
	s0 =	sld [smem:$0x3FA9]  }
0x30: {  	s3 =	sld [smem:$0x3FAC]  }
0x31: {  	[smem:$0x3FB5] =	sst s10  }
0x32: {  	s10 =	sld [smem:$0x3FB3];
	_ =	sdelay $0x3  }
0x33: {  	p0 =	seq.s32 s10, $0x1;
	s10 =	sld [smem:$0x3FB5];
	_ =	sdelay $0x3  }
0x34: {  	[smem:$0x3FB5] =	sst s10  }
0x35: {  	s10 =	sld [smem:$0x3FB4];
	_ =	sdelay $0x3  }
0x36: {  	p1 =	seq.s32 s10, $0x1;
	s10 =	sld [smem:$0x3FB5];
	_ =	sdelay $0x3  }
0x37: {  	[smem:$0x3FB5] =	sst s10  }
0x38: {  	s10 =	sld [smem:$0x3FB6]  }
0x39: {  	_ = 	snop;
	(pc) =	sbr.ind lr, $3  }
0x3a: {  	_ = 	snop  }
0x3b: {  	_ = 	snop  }
0x3c: {  	p2 =	seq.s32 s10, $0x1;
	s10 =	sld [smem:$0x3FB5]  }
0x3d: {  	_ =	shalt  }
0x3e: {  	_ =	shalt  }
0x3f: {  	_ =	shalt  }
0x40: {  	_ =	shalt  }
0x41: {  	_ =	shalt  }
0x42: {  	_ =	shalt  }
0x43: {  	_ =	shalt  }
0x44: {  	_ =	shalt  }
0x45: {  	_ =	shalt  }
0x46: {  	_ =	shalt  }
0x47: {  	_ =	shalt  }
0x48: {  	_ =	shalt  }
0x49: {  	_ =	shalt  }
0x4a: {  	_ =	shalt  }
0x4b: {  	_ =	shalt  }
0x4c: {  	_ =	shalt  }
0x4d: {  	_ =	shalt  }
0x4e: {  	_ =	shalt  }
0x4f: {  	_ =	shalt  }
0x50: {  	_ =	shalt  }
0x51: {  	_ =	shalt  }
0x52: {  	_ =	shalt  }
0x53: {  	_ =	shalt  }
0x54: {  	_ =	shalt  }
0x55: {  	_ =	shalt  }
0x56: {  	_ =	shalt  }
0x57: {  	_ =	shalt  }
0x58: {  	_ =	shalt  }
0x59: {  	_ =	shalt  }
0x5a: {  	_ =	shalt  }
0x5b: {  	_ =	shalt  }
0x5c: {  	_ =	shalt  }
0x5d: {  	_ =	shalt  }
0x5e: {  	_ =	shalt  }
0x5f: {  	_ =	shalt  }
0x60: {  	_ =	shalt  }
0x61: {  	_ =	shalt  }
0x62: {  	_ =	shalt  }
0x63: {  	_ =	shalt  }
0x64: {  	_ =	shalt  }
0x65: {  	_ =	shalt  }
0x66: {  	_ =	shalt  }
0x67: {  	_ =	shalt  }
0x68: {  	_ =	shalt  }
0x69: {  	_ =	shalt  }
0x6a: {  	_ =	shalt  }
0x6b: {  	_ =	shalt  }
0x6c: {  	_ =	shalt  }
0x6d: {  	_ =	shalt  }
0x6e: {  	_ =	shalt  }
0x6f: {  	_ =	shalt  }
0x70: {  	_ =	shalt  }
0x71: {  	_ =	shalt  }
0x72: {  	_ =	shalt  }
0x73: {  	_ =	shalt  }
0x74: {  	_ =	shalt  }
0x75: {  	_ =	shalt  }
0x76: {  	_ =	shalt  }
0x77: {  	_ =	shalt  }
0x78: {  	_ =	shalt  }
0x79: {  	_ =	shalt  }
0x7a: {  	_ =	shalt  }
0x7b: {  	_ =	shalt  }
0x7c: {  	_ =	shalt  }
0x7d: {  	_ =	shalt  }
0x7e: {  	_ =	shalt  }
0x7f: {  	_ =	shalt  }
0x80: {  	_ =	shalt  }
0x81: {  	_ =	shalt  }
0x82: {  	_ =	shalt  }
0x83: {  	_ =	shalt  }
0x84: {  	_ =	shalt  }
0x85: {  	_ =	shalt  }
0x86: {  	_ =	shalt  }
0x87: {  	_ =	shalt  }
.Lfunc_end0:
.L_simem_size_0:
called_computation_lowered:
.L_overlay_start_0:
0x88: {  	s2 =	sld [smem:$0x3FD9]  }
0x89: {  	s3 =	sld [smem:$0x3FFE];
	_ =	sdelay $0x1  }
0x8a: {  	s1 =	srdreg.scid  }
0x8b: {  	s0 =	sand.u32 $0x1, s1  }
0x8c: {  	s17 =	sshll.u32 s0, $0xA;
	s2 =	sadd.s32 s3, s2  }
0x8d: {  	s2 =	sadd.s32 s2, s17  }
0x8e: {  	[smem:$0x3FC1] =	sst s2  }
0x8f: {  	_ = 	snop  }
0x90: {  	s2 =	sld [smem:$0x3FD0];
	(tm) =	ssettm $0x1  }
0x91: {  	s18 =	sld [smem:$0x3FFB];
	_ =	sdelay $0x3  }
0x92: {  	_ =	strace s18  }
0x93: {  	s3 =	sld [smem:$0x3FFC];
	_ =	sdelay $0x3  }
0x94: {  	_ =	strace s3  }
0x95: {  	s3 =	sld [smem:$0x3FFD];
	_ =	sdelay $0x3  }
0x96: {  	_ =	strace s3  }
0x97: {  	_ =	strace $0x8FFFFFFF  }
0x98: {  	s19 =	sld [smem:$0x3FDB];
	_ =	sdelay $0x1  }
0x99: {  	s4 =	simm.s32 $_scs_section_size  }
0x9a: {  	s5 =	simm.s32 $_size__tile_overlayer_lowered;
	s6 =	simm.s32 $_tile_overlayer_lowered  }
0x9b: {  	s22 =	simm.s32 $0x1BFF;
	s21 =	sshll.u32 s6, $0x1;
	s3 =	sadd.s32 s4, s19  }
0x9c: {  	s7 =	simm.s32 $0x0;
	s20 =	sshll.u32 s5, $0x1;
	s5 =	sadd.s32 s21, s3  }
0x9d: {  	[timem:s7], [sflag:s22] =	dma.local [hbm:s5], s20  }
0x9e: {  	_ =	swait.ge [sflag:s22], s20  }
0x9f: {  	s4 =	ssub.s32 $0x0, s20;
	[sflag:s22] =	ssyncset.done $0x0  }
0xa0: {  	[sflag:s22] =	ssyncadd.s32 s4;
	_ =	sdelay $0x1  }
0xa1: {  	s23 =	simm.s32 $0x1B8B  }
0xa2: {  	_ =	swait.ge [sflag:s23], $0x1  }
0xa3: {  	[sflag:s23] =	ssyncset.done $0x0  }
0xa4: {  	s25 =	simm.s32 $0x1B8E;
	s24 =	sld [smem:$0x3FFE];
	[sflag:s23] =	ssyncadd.s32 $0xFFFFFFFF  }
0xa5: {  	s26 =	simm.s32 $execute0_lowered;
	[smem:$0x3FD2] =	sst s25  }
0xa6: {  	s5 =	sshll.u32 s26, $0x1;
	_ =	strace $0x80000046;
	[dreg:$0x1] =	wrdreg $0xFFFFFFFF  }
0xa7: {  	s28 =	simm.s32 $_size_execute0_lowered;
	s3 =	sadd.s32 s3, s5;
	[dreg:$0x0] =	wrdreg $0x0  }
0xa8: {  	s5 =	sshll.u32 s28, $0x1;
	[dreg:$0x2] =	wrdreg s3  }
0xa9: {  	[dreg:$0x3] =	wrdreg s5  }
0xaa: {  	[dreg:$0x4] =	wrdreg $0xC0  }
0xab: {  	_ =	task [dreg:s7], $0x5FFFF  }
0xac: {  	[dreg:$0x1] =	wrdreg $0xFFFFFFFF  }
0xad: {  	[dreg:$0x0] =	wrdreg $0x60  }
0xae: {  	[dreg:$0x2] =	wrdreg s24  }
0xaf: {  	[dreg:$0x3] =	wrdreg s2  }
0xb0: {  	[dreg:$0x4] =	wrdreg $0x9B000  }
0xb1: {  	[dreg:$0x5] =	wrdreg $0x9  }
0xb2: {  	_ =	task.clear_ibuf [dreg:s7], $0x6FFFF;
	_ =	strace $0x90000046  }
0xb3: {  	s29 =	simm.s32 $0x9;
	_ =	strace $0x80000048  }
0xb4: {  	_ =	swait.ge [sflag:s29], $0x1  }
0xb5: {  	[sflag:s29] =	ssyncadd.s32 $0xFFFFFFFF  }
0xb6: {  	_ =	strace $0x90000048  }
0xb7: {  	_ =	sfence  }
0xb8: {  	s30 =	sld [smem:$0x0];
	_ =	sdelay $0x2  }
0xb9: {  	s31 =	sshll.u32 s1, $0xD;
	s1 =	sshrl.u32 s1, $0x2  }
0xba: {  	s3 =	sand.u32 $0x4000, s31;
	s1 =	sadd.s32 s1, s30  }
0xbb: {  	s0 =	sor.u32 s3, s0;
	s1 =	sshll.u32 s1, $0x11  }
0xbc: {  	s0 =	sor.u32 s1, s0  }
0xbd: {  	s0 =	sadd.s32 $0x8F2B, s0  }
0xbe: {  	[sflag:s0] =	ssyncadd.remote.s32 $0x1  }
0xbf: {  	_ =	sfence.sel $0xFFFF  }
0xc0: {  	[dreg:$0x0] =	wrdreg $0xFFFFFFFF;
	(pc) =	sbr.abs _section_cstart, $3  }
0xc1: {  	[dreg:$0x1] =	wrdreg $0xFFFFFFFF  }
0xc2: {  	_ =	task.clear_ibuf [dreg:s7], $0x2FFFF;
	_ =	strace $0x9FFFFFFF  }
0xc3: {  	(tm) =	ssettm $0x7FFFFFFF  }
tec
execute0_lowered:
.L_overlay_start_1:
0x0: {  	(tag) =	ssettag $0x1  }
0x1: {  	s0 =	rddreg [dreg:$0x0]  }
0x2: {  	s1 =	rddreg [dreg:$0x1]  }
0x3: {  	s2 =	rddreg [dreg:$0x2]  }
0x4: {  	s3 =	simm.s32 $0x0;
	s4 =	srdreg.scid;
	s25 =	stileid.u32  }
0x5: {  	s31 =	simm.s32 $0x3;
	s4 =	sand.u32 $0x1, s4;
	s9 =	smul.u32 $0x2800, s25  }
0x6: {  	[smem:$0x7FF] =	sst s3;
	s8 =	sor.u32 $0x10, s25;
	s6 =	smul.u32 $0x138800, s4  }
0x7: {  	s5 =	sadd.s32 $0x53B000, s0;
	s11 =	sor.u32 $0x20, s25;
	s12 =	smul.u32 $0x2800, s8  }
0x8: {  	s7 =	sadd.s32 $0x1000, s0;
	s17 =	sor.u32 $0x30, s25;
	s14 =	smul.u32 $0x2800, s11  }
0x9: {  	s18 =	sor.u32 $0x50, s25;
	s20 =	sor.u32 $0x60, s25;
	s15 =	smul.u32 $0x2800, s17  }
0xa: {  	s21 =	sor.u32 $0x70, s25;
	_ =	strace $0x80000047;
	s19 =	smul.u32 $0x2800, s18  }
0xb: {  	s10 =	ssub.s32 $0x2, s4;
	s4 =	sshll.u32 s4, $0x4;
	s22 =	smul.u32 $0x2800, s20  }
0xc: {  	s23 =	smul.u32 $0x2800, s21;
	p0 =	sgt.u32 s21, $0x7C;
	s13 =	sshrl.u32 s10, $0x1  }
0xd: {  	s4 =	sor.u32 s25, s4;
	s10 =	ssub.s32 s10, s13;
	s13 =	sor.u32 $0x40, s25  }
0xe: {  	s9 =	sadd.s32 s6, s9;
	s12 =	sadd.s32 s6, s12;
	s14 =	sadd.s32 s6, s14  }
0xf: {  	s15 =	sadd.s32 s6, s15;
	s19 =	sadd.s32 s6, s19;
	s24 =	smul.u32 $0x2710, s4  }
0x10: {  	s22 =	sadd.s32 s6, s22;
	s16 =	smul.u32 $0x2800, s13;
	s9 =	sshrl.u32 s9, $0x3  }
0x11: {  	s30 =	sshrl.u32 s12, $0x3;
	s12 =	sshrl.u32 s14, $0x3;
	s14 =	sshrl.u32 s15, $0x3  }
0x12: {  	s26 =	sshrl.u32 s22, $0x3;
	s9 =	sadd.s32 s7, s9;
	s15 =	sadd.s32 s7, s14  }
0x13: {  	s29 =	sadd.s32 s7, s26;
	s14 =	sadd.s32 $0x4ECE00, s0;
	s26 =	smul.u32 $0xA000, s25  }
0x14: {  	[dreg:$0x4] =	wrdreg s9;
	s9 =	sadd.s32 s7, s30;
	s30 =	smul.u32 $0x4E200, s4  }
0x15: {  	s16 =	sadd.s32 s6, s16;
	[dreg:$0xa] =	wrdreg s29;
	s29 =	smul.u32 $0xA000, s11  }
0x16: {  	s6 =	sadd.s32 s6, s23;
	[dreg:$0x7] =	wrdreg s15;
	s11 =	smul.u32 $0xA000, s18  }
0x17: {  	s23 =	sshrl.u32 s19, $0x3;
	s15 =	sadd.s32 $0x589200, s0;
	s18 =	smul.u32 $0xA000, s21  }
0x18: {  	[dreg:$0x5] =	wrdreg s9;
	s9 =	sadd.s32 s7, s12;
	s12 =	smul.u32 $0xA000, s8  }
0x19: {  	s19 =	sadd.s32 $0x10, s24;
	s16 =	sshrl.u32 s16, $0x3;
	s8 =	smul.u32 $0xA000, s17  }
0x1a: {  	s6 =	sshrl.u32 s6, $0x3;
	s22 =	sshrl.u32 s19, $0x3;
	s17 =	smul.u32 $0xA000, s20  }
0x1b: {  	[dreg:$0x6] =	wrdreg s9;
	s9 =	sadd.s32 s7, s16;
	s6 =	sadd.s32 s7, s6  }
0x1c: {  	s16 =	sadd.s32 $0x4E3000, s0;
	s0 =	sadd.s32 s15, s30;
	s30 =	smax.u32 s10, $0x1  }
0x1d: {  	s10 =	sshrl.u32 s29, $0x2;
	s21 =	sshrl.u32 s11, $0x2;
	[dreg:$0x8] =	wrdreg s9  }
0x1e: {  	s29 =	sshrl.u32 s18, $0x2;
	s18 =	simm.s32 $0x4300;
	[dreg:$0xb] =	wrdreg s6  }
0x1f: {  	s9 =	sadd.s32 s7, s23;
	s7 =	sshrl.u32 s24, $0x3;
	[dreg:$0xe] =	wrdreg s0  }
0x20: {  	s23 =	sadd.s32 s16, s22;
	[dreg:$0x11] =	wrdreg s30;
	s0 =	sshrl.u32 s12, $0x2  }
0x21: {  	s12 =	sshrl.u32 s8, $0x2;
	s30 =	sadd.s32 s29, s2;
	s6 =	simm.s32 $0x6300  }
0x22: {  	s8 =	simm.s32 $0x280;
	[dreg:$0x9] =	wrdreg s9;
	s9 =	sadd.s32 s16, s7  }
0x23: {  	s4 =	sadd.s32 s1, s7;
	[dreg:$0xf] =	wrdreg s23;
	s23 =	sadd.s32 $0x20, s24  }
0x24: {  	s24 =	sadd.s32 $0x30, s24;
	s28 =	sadd.s32 s12, s2;
	[dreg:$0x19] =	wrdreg s30  }
0x25: {  	s7 =	simm.s32 $0x4;
	s12 =	simm.s32 $0x0;
	[dreg:$0xc] =	wrdreg s9  }
0x26: {  	[dreg:$0xd] =	wrdreg s4;
	s4 =	sadd.s32 s1, s22;
	s9 =	smul.u32 $0xA000, s13  }
0x27: {  	s13 =	sadd.s32 s0, s2;
	s0 =	sadd.s32 s21, s2;
	[dreg:$0x15] =	wrdreg s28  }
0x28: {  	s22 =	sshrl.u32 s17, $0x2;
	s17 =	simm.s32 $0x2B00;
	[dreg:$0x10] =	wrdreg s4  }
0x29: {  	s21 =	simm.s32 $0x6;
	s4 =	sshrl.u32 s26, $0x2;
	[dreg:$0x17] =	wrdreg s0  }
0x2a: {  	s26 =	sadd.s32 s10, s2;
	s0 =	sadd.s32 s22, s2;
	[dreg:$0x13] =	wrdreg s13  }
0x2b: {  	s10 =	simm.s32 $0x1;
	s22 =	simm.s32 $0x2;
	[dreg:$0x18] =	wrdreg s0  }
0x2c: {  	v3 =	vlaneseq.u32;
	s25 =	sadd.s32 s4, s2;
	s4 =	sshrl.u32 s9, $0x2;
	[dreg:$0x14] =	wrdreg s26  }
0x2d: {  	v0 =	vimm.f32 $0.0e+00;
	vm0 =	vmmov $0xffff;
	v2 =	vshrl.u32 v3, $0x3;
	s0 =	simm.s32 $0x10;
	s20 =	sadd.s32 s4, s2;
	[dreg:$0x12] =	wrdreg s25  }
0x2e: {  	v1 =	vand.u32 $0x7, v3;
	v3 =	vor.u32 $0x8, v3;
	v2 =	vmul.u32 $0x8, v2;
	s4 =	simm.s32 $0x200;
	[dreg:$0x16] =	wrdreg s20;
	s20 =	simm.s32 $0x6B00  }
.LBB2_1:
0x2f: {  	[dreg:$0x1a] =	wrdreg s12;
	s9 =	simm.s32 $0x0;
	s11 =	simm.s32 $0x200  }
.LBB2_2:
0x30: {  	p1 =	sne.s32 s11, $0x9E00;
	[tilespmem:s9+$0x7370] =	vst v0  }
0x31: {  	[tilespmem:s9+$0x7300] =	vst v0  }
0x32: {  	[tilespmem:s9+$0x7310] =	vst v0  }
.Ltmp0:
0x33: {  	[tilespmem:s9+$0x7320] =	vst v0;
	(pc) =	sbr.rel @p1 .LBB2_2-.Ltmp0, $4  }
0x34: {  	[tilespmem:s9+$0x7330] =	vst v0  }
0x35: {  	[tilespmem:s9+$0x7340] =	vst v0  }
0x36: {  	[tilespmem:s9+$0x7350] =	vst v0  }
0x37: {  	[tilespmem:s9+$0x7360] =	vst v0;
	s9 =	sshra.s32 s11, $0x2;
	s11 =	sadd.s32 $0x200, s11  }
0x38: {  	[tilespmem:s9+$0x7370] =	vst v0  }
0x39: {  	[tilespmem:s9+$0x7300] =	vst v0  }
0x3a: {  	[tilespmem:s9+$0x7310] =	vst v0  }
0x3b: {  	[tilespmem:s9+$0x7320] =	vst v0  }
0x3c: {  	[tilespmem:s9+$0x7330] =	vst v0  }
0x3d: {  	[tilespmem:s9+$0x7340] =	vst v0  }
0x3e: {  	[tilespmem:s9+$0x7350] =	vst v0  }
0x3f: {  	[tilespmem:s9+$0x7360] =	vst v0;
	s11 =	simm.s32 $0x7300;
	s12 =	simm.s32 $0x7  }
0x40: {  	[spmem:s25] =	stream.linear.scatter [tilespmem:s11], [sflag:$0x7], $0x2800, $0x38;
	[tilespmem:$0x1D380] =	vst v63  }
0x41: {  	_ =	swait.ge [sflag:s12], $0x2800  }
0x42: {  	[sflag:s12] =	ssyncset.done $0x0  }
0x43: {  	[sflag:s12] =	ssyncadd.s32 $0xFFFFD800  }
0x44: {  	[spmem:s13] =	stream.linear.scatter [tilespmem:s11], [sflag:$0x7], $0x2800, $0x38;
	[tilespmem:$0x1D380] =	vst v63  }
0x45: {  	_ =	swait.ge [sflag:s12], $0x2800  }
0x46: {  	[sflag:s12] =	ssyncset.done $0x0  }
0x47: {  	[sflag:s12] =	ssyncadd.s32 $0xFFFFD800  }
0x48: {  	[spmem:s26] =	stream.linear.scatter [tilespmem:s11], [sflag:$0x7], $0x2800, $0x38;
	[tilespmem:$0x1D380] =	vst v63  }
0x49: {  	_ =	swait.ge [sflag:s12], $0x2800  }
0x4a: {  	[sflag:s12] =	ssyncset.done $0x0  }
0x4b: {  	[sflag:s12] =	ssyncadd.s32 $0xFFFFD800  }
0x4c: {  	[spmem:s28] =	stream.linear.scatter [tilespmem:s11], [sflag:$0x7], $0x2800, $0x38;
	[tilespmem:$0x1D380] =	vst v63  }
0x4d: {  	_ =	swait.ge [sflag:s12], $0x2800  }
0x4e: {  	[sflag:s12] =	ssyncset.done $0x0  }
0x4f: {  	s30 =	rddreg [dreg:$0x16];
	[sflag:s12] =	ssyncadd.s32 $0xFFFFD800  }
0x50: {  	[spmem:s30] =	stream.linear.scatter [tilespmem:s11], [sflag:$0x7], $0x2800, $0x38;
	[tilespmem:$0x1D380] =	vst v63  }
0x51: {  	_ =	swait.ge [sflag:s12], $0x2800  }
0x52: {  	[sflag:s12] =	ssyncset.done $0x0  }
0x53: {  	s13 =	rddreg [dreg:$0x17];
	[sflag:s12] =	ssyncadd.s32 $0xFFFFD800  }
0x54: {  	[spmem:s13] =	stream.linear.scatter [tilespmem:s11], [sflag:$0x7], $0x2800, $0x38;
	[tilespmem:$0x1D380] =	vst v63  }
0x55: {  	_ =	swait.ge [sflag:s12], $0x2800  }
0x56: {  	[sflag:s12] =	ssyncset.done $0x0  }
0x57: {  	s25 =	rddreg [dreg:$0x18];
	[sflag:s12] =	ssyncadd.s32 $0xFFFFD800  }
0x58: {  	[spmem:s25] =	stream.linear.scatter [tilespmem:s11], [sflag:$0x7], $0x2800, $0x38;
	[tilespmem:$0x1D380] =	vst v63  }
0x59: {  	_ =	swait.ge [sflag:s12], $0x2800  }
0x5a: {  	[sflag:s12] =	ssyncset.done $0x0  }
0x5b: {  	s9 =	simm.s32 @!p0 $0x7300;
	s11 =	rddreg [dreg:$0x19];
	[sflag:s12] =	ssyncadd.s32 $0xFFFFD800  }
0x5c: {  	[spmem:s11] =	stream.linear.scatter @!p0 [tilespmem:s9], [sflag:$0x7], $0x2800, $0x38;
	[tilespmem:$0x1D380] =	vst v63  }
0x5d: {  	s9 =	simm.s32 @!p0 $0x7  }
0x5e: {  	_ =	swait.ge @!p0 [sflag:s9], $0x2800  }
0x5f: {  	[sflag:s9] =	ssyncset.done @!p0 $0x0  }
0x60: {  	[sflag:s9] =	ssyncadd.s32 @!p0 $0xFFFFD800  }
0x61: {  	[bflag:$0x0] =	sbarrier.arrive $0xFFFF  }
0x62: {  	s25 =	simm.s32 $0x0;
	s26 =	rddreg [dreg:$0xc]  }
0x63: {  	[tilespmem:s25], [sflag:$0x1] =	stream.linear.gather [hbm4b:s26+s25], $0x10, $0x38;
	[tilespmem:$0x1D380] =	vst v63  }
0x64: {  	s29 =	simm.s32 $0x100;
	s28 =	rddreg [dreg:$0xd]  }
0x65: {  	[tilespmem:s29], [sflag:$0x1] =	stream.linear.gather [hbm4b:s28+s25], $0x10, $0x38;
	[tilespmem:$0x1D380] =	vst v63  }
0x66: {  	_ =	swait.ge [sflag:s10], $0x10  }
0x67: {  	[sflag:s10] =	ssyncset.done $0x0  }
0x68: {  	[sflag:s10] =	ssyncadd.s32 $0xFFFFFFF0  }
0x69: {  	_ =	swait.ge [sflag:s10], $0x10  }
0x6a: {  	[sflag:s10] =	ssyncset.done $0x0  }
0x6b: {  	[sflag:s10] =	ssyncadd.s32 $0xFFFFFFF0  }
0x6c: {  	v4 =	vld [tilespmem:$0x0];
	_ =	sdelay $0x4  }
0x6d: {  	v5 =	vshll.u32 v4, $0x1  }
0x6e: {  	v4 =	vand.u32 $0x7, v4;
	v5 =	vand.u32 $0xFFFFFFF0, v5  }
0x6f: {  	v4 =	vor.u32 v4, v5  }
0x70: {  	v5 =	vperm.xlane v4, v1;
	_ =	sdelay $0x1  }
0x71: {  	v4 =	vperm.xlane v4, v3;
	v5 =	vadd.s32 v2, v5;
	_ =	sdelay $0x1  }
0x72: {  	v4 =	vadd.s32 v2, v4;
	_ =	sdelay $0x1  }
0x73: {  	s30 =	simm.s32 $0x300  }
0x74: {  	[tilespmem:s30], [sflag:$0x3] =	stream.indirect_vreg.gather [hbm4b:s5+s25], $0x80, v5, vm0, $0xb8;
	[tilespmem:$0x1D380] =	vst v63  }
0x75: {  	s11 =	simm.s32 $0xB00  }
0x76: {  	[tilespmem:s11], [sflag:$0x3] =	stream.indirect_vreg.gather [hbm4b:s5+s25], $0x80, v4, vm0, $0xb8;
	[tilespmem:$0x1D380] =	vst v63  }
0x77: {  	v4 =	vld [tilespmem:$0x100];
	_ =	sdelay $0x4  }
0x78: {  	v5 =	vshll.u32 v4, $0x1  }
0x79: {  	v4 =	vand.u32 $0x7, v4;
	v5 =	vand.u32 $0xFFFFFFF0, v5  }
0x7a: {  	v4 =	vor.u32 v4, v5  }
0x7b: {  	v5 =	vperm.xlane v4, v1;
	_ =	sdelay $0x1  }
0x7c: {  	v4 =	vperm.xlane v4, v3;
	v5 =	vadd.s32 v2, v5;
	_ =	sdelay $0x1  }
0x7d: {  	v4 =	vadd.s32 v2, v4;
	_ =	sdelay $0x1  }
0x7e: {  	s12 =	simm.s32 $0x2300  }
0x7f: {  	[tilespmem:s12], [sflag:$0x3] =	stream.indirect_vreg.gather [hbm4b:s14+s25], $0x80, v5, vm0, $0xb8;
	[tilespmem:$0x1D380] =	vst v63  }
0x80: {  	_ = 	snop  }
0x81: {  	[tilespmem:s17], [sflag:$0x3] =	stream.indirect_vreg.gather [hbm4b:s14+s25], $0x80, v4, vm0, $0xb8;
	[tilespmem:$0x1D380] =	vst v63  }
0x82: {  	s13 =	rddreg [dreg:$0xe]  }
0x83: {  	[tilespmem:s18], [sflag:$0x3] =	stream.linear.gather [hbm4b:s13+s25], $0x1000, $0x38;
	[tilespmem:$0x1D380] =	vst v63  }
0x84: {  	s28 =	simm.s32 $0x80;
	s26 =	rddreg [dreg:$0xf]  }
0x85: {  	[tilespmem:s28], [sflag:$0x2] =	stream.linear.gather [hbm4b:s26+s25], $0x10, $0x38;
	[tilespmem:$0x1D380] =	vst v63  }
0x86: {  	s29 =	rddreg [dreg:$0x10];
	s30 =	simm.s32 $0x180;
	s26 =	simm.s32 $0x0  }
0x87: {  	[tilespmem:s30], [sflag:$0x2] =	stream.linear.gather [hbm4b:s29+s25], $0x10, $0x38;
	[tilespmem:$0x1D380] =	vst v63  }
.LBB2_4:
0x88: {  	_ =	swait.ge [sflag:s22], $0x10  }
0x89: {  	[sflag:s22] =	ssyncset.done $0x0  }
0x8a: {  	[sflag:s22] =	ssyncadd.s32 $0xFFFFFFF0  }
0x8b: {  	_ =	swait.ge [sflag:s22], $0x10  }
0x8c: {  	[sflag:s22] =	ssyncset.done $0x0  }
0x8d: {  	[sflag:s22] =	ssyncadd.s32 $0xFFFFFFF0  }
0x8e: {  	v4 =	vld [tilespmem:$0x80];
	_ =	sdelay $0x4  }
0x8f: {  	v5 =	vshll.u32 v4, $0x1  }
0x90: {  	v4 =	vand.u32 $0x7, v4;
	v5 =	vand.u32 $0xFFFFFFF0, v5  }
0x91: {  	v4 =	vor.u32 v4, v5  }
0x92: {  	v5 =	vperm.xlane v4, v1;
	_ =	sdelay $0x1  }
0x93: {  	v4 =	vperm.xlane v4, v3;
	v5 =	vadd.s32 v2, v5;
	_ =	sdelay $0x1  }
0x94: {  	v4 =	vadd.s32 v2, v4;
	_ =	sdelay $0x1  }
0x95: {  	s9 =	simm.s32 $0x1300  }
0x96: {  	[tilespmem:s9], [sflag:$0x4] =	stream.indirect_vreg.gather [hbm4b:s5+s3], $0x80, v5, vm0, $0xb8;
	[tilespmem:$0x1D380] =	vst v63  }
0x97: {  	s12 =	simm.s32 $0x1B00  }
0x98: {  	[tilespmem:s12], [sflag:$0x4] =	stream.indirect_vreg.gather [hbm4b:s5+s3], $0x80, v4, vm0, $0xb8;
	[tilespmem:$0x1D380] =	vst v63  }
0x99: {  	v4 =	vld [tilespmem:$0x180];
	_ =	sdelay $0x4  }
0x9a: {  	v5 =	vshll.u32 v4, $0x1  }
0x9b: {  	v4 =	vand.u32 $0x7, v4;
	v5 =	vand.u32 $0xFFFFFFF0, v5  }
0x9c: {  	v4 =	vor.u32 v4, v5  }
0x9d: {  	v5 =	vperm.xlane v4, v1;
	_ =	sdelay $0x1  }
0x9e: {  	v4 =	vperm.xlane v4, v3;
	v5 =	vadd.s32 v2, v5;
	_ =	sdelay $0x1  }
0x9f: {  	v4 =	vadd.s32 v2, v4  }
0xa0: {  	s28 =	sshll.u32 s26, $0x5  }
0xa1: {  	s13 =	simm.s32 $0x3300;
	s12 =	sadd.s32 s28, s19  }
0xa2: {  	[tilespmem:s13], [sflag:$0x4] =	stream.indirect_vreg.gather [hbm4b:s14+s3], $0x80, v5, vm0, $0xb8;
	[tilespmem:$0x1D380] =	vst v63  }
0xa3: {  	s11 =	simm.s32 $0x3B00;
	s9 =	sshll.u32 s12, $0x5  }
0xa4: {  	[tilespmem:s11], [sflag:$0x4] =	stream.indirect_vreg.gather [hbm4b:s14+s3], $0x80, v4, vm0, $0xb8;
	[tilespmem:$0x1D380] =	vst v63  }
0xa5: {  	p1 =	seq.s32 s26, $0x0;
	s9 =	sadd.s32 s15, s9;
	s11 =	simm.s32 $0x5300  }
0xa6: {  	[tilespmem:s11], [sflag:$0x4] =	stream.linear.gather [hbm4b:s9+s3], $0x1000, $0x38;
	[tilespmem:$0x1D380] =	vst v63  }
0xa7: {  	s9 =	simm.s32 @!p1 $0x5  }
0xa8: {  	_ =	swait.ge @!p1 [sflag:s9], $0x800  }
0xa9: {  	[sflag:s9] =	ssyncset.done @!p1 $0x0  }
0xaa: {  	[sflag:s9] =	ssyncadd.s32 @!p1 $0xFFFFF800  }
0xab: {  	_ =	swait.ge [sflag:s31], $0x1000  }
0xac: {  	[sflag:s31] =	ssyncset.done $0x0  }
0xad: {  	[sflag:s31] =	ssyncadd.s32 $0xFFFFF000  }
0xae: {  	_ =	swait.ge [sflag:s31], $0x1000  }
0xaf: {  	[sflag:s31] =	ssyncset.done $0x0  }
0xb0: {  	[sflag:s31] =	ssyncadd.s32 $0xFFFFF000  }
0xb1: {  	_ =	swait.ge [sflag:s31], $0x1000  }
0xb2: {  	[sflag:s31] =	ssyncset.done $0x0  }
0xb3: {  	[sflag:s31] =	ssyncadd.s32 $0xFFFFF000  }
0xb4: {  	v4 =	vld [tilespmem:$0x100];
	_ =	sdelay $0x2  }
0xb5: {  	s29 =	sadd.s32 s28, s23  }
0xb6: {  	s13 =	sshrl.u32 s29, $0x3  }
0xb7: {  	s12 =	sadd.s32 s16, s13;
	[tilespmem:$0x200] =	vst v4  }
0xb8: {  	[tilespmem:s25], [sflag:$0x1] =	stream.linear.gather [hbm4b:s12+s25], $0x10, $0x38;
	[tilespmem:$0x1D380] =	vst v63  }
0xb9: {  	s9 =	sadd.s32 s1, s13;
	s13 =	simm.s32 $0x100  }
0xba: {  	[tilespmem:s13], [sflag:$0x1] =	stream.linear.gather [hbm4b:s9+s25], $0x10, $0x38;
	[tilespmem:$0x1D380] =	vst v63  }
0xbb: {  	s30 =	simm.s32 $0x6340;
	s11 =	simm.s32 $0x0;
	s9 =	simm.s32 $0x0  }
.LBB2_5:
0xbc: {  	s12 =	sand.u32 $0x800, s11;
	s13 =	sand.u32 $0x380, s9  }
0xbd: {  	s12 =	sor.u32 s13, s12  }
0xbe: {  	v4 =	vld [tilespmem:s12+$0x300]  }
0xbf: {  	v5 =	vld [tilespmem:s12+$0x2300]  }
0xc0: {  	v6 =	vld [tilespmem:s12+$0x4300]  }
0xc1: {  	v7 =	vld [tilespmem:s12+$0x310]  }
0xc2: {  	v8 =	vld [tilespmem:s12+$0x2310]  }
0xc3: {  	v9 =	vld [tilespmem:s12+$0x4310]  }
0xc4: {  	v10 =	vld [tilespmem:s12+$0x320]  }
0xc5: {  	v11 =	vld [tilespmem:s12+$0x2320]  }
0xc6: {  	v12 =	vld [tilespmem:s12+$0x4320]  }
0xc7: {  	v13 =	vld [tilespmem:s12+$0x330]  }
0xc8: {  	v14 =	vld [tilespmem:s12+$0x2330]  }
0xc9: {  	v15 =	vld [tilespmem:s12+$0x4330]  }
0xca: {  	v16 =	vld [tilespmem:s12+$0x700]  }
0xcb: {  	v17 =	vld [tilespmem:s12+$0x2700]  }
0xcc: {  	v19 =	vld [tilespmem:s12+$0x710]  }
0xcd: {  	v20 =	vld [tilespmem:s12+$0x2710]  }
0xce: {  	v36 =	vld [tilespmem:s12+$0x720]  }
0xcf: {  	v37 =	vld [tilespmem:s12+$0x2720]  }
0xd0: {  	v18 =	vld [tilespmem:s12+$0x4700]  }
0xd1: {  	v21 =	vld [tilespmem:s12+$0x4710];
	v4 =	vadd.f32 v5, v4;
	v5 =	vadd.f32 v8, v7  }
0xd2: {  	v38 =	vld [tilespmem:s12+$0x730];
	v39 =	vadd.f32 v11, v10;
	v40 =	vadd.f32 v14, v13  }
0xd3: {  	v41 =	vld [tilespmem:s12+$0x2730];
	v42 =	vadd.f32 v17, v16;
	v43 =	vadd.f32 v20, v19  }
0xd4: {  	v44 =	vld [tilespmem:s12+$0x4720];
	v7 =	vadd.f32 v37, v36;
	v4 =	vadd.f32 v6, v4  }
0xd5: {  	v45 =	vld [tilespmem:s12+$0x4730];
	v5 =	vadd.f32 v9, v5;
	v9 =	vadd.f32 v12, v39  }
0xd6: {  	v10 =	vadd.f32 v15, v40;
	v13 =	vadd.f32 v18, v42  }
0xd7: {  	v14 =	vadd.f32 v21, v43;
	v4 =	vsub.f32 $0.0e+00, v4  }
0xd8: {  	v6 =	vadd.f32 v41, v38;
	v5 =	vsub.f32 $0.0e+00, v5  }
0xd9: {  	v7 =	vadd.f32 v44, v7;
	v46 =	vsub.f32 $0.0e+00, v9;
	v4 =	vmul.f32 $1.442695020e+00, v4  }
0xda: {  	v6 =	vadd.f32 v45, v6;
	v47 =	vsub.f32 $0.0e+00, v10;
	v5 =	vmul.f32 $1.442695020e+00, v5  }
0xdb: {  	v48 =	vsub.f32 $0.0e+00, v13;
	(erf) = vpow2.f32 v4;
	v4 =	vmul.f32 $1.442695020e+00, v46  }
0xdc: {  	v49 =	vsub.f32 $0.0e+00, v14;
	(erf) = vpow2.f32 v5;
	v5 =	vmul.f32 $1.442695020e+00, v47  }
0xdd: {  	v50 =	vsub.f32 $0.0e+00, v7;
	(erf) = vpow2.f32 v4;
	v4 =	vmul.f32 $1.442695020e+00, v48  }
0xde: {  	v51 =	vsub.f32 $0.0e+00, v6;
	(erf) = vpow2.f32 v5;
	v5 =	vmul.f32 $1.442695020e+00, v49  }
0xdf: {  	(erf) = vpow2.f32 v4;
	v4 =	vmul.f32 $1.442695020e+00, v50  }
0xe0: {  	(erf) = vpow2.f32 v5;
	v5 =	vmul.f32 $1.442695020e+00, v51  }
0xe1: {  	(erf) = vpow2.f32 v4  }
0xe2: {  	(erf) = vpow2.f32 v5;
	_ =	sdelay $0x1  }
0xe3: {  	v4 =	vpop (erf)  }
0xe4: {  	v5 =	vpop (erf)  }
0xe5: {  	v52 =	vpop (erf)  }
0xe6: {  	v53 =	vpop (erf)  }
0xe7: {  	v54 =	vpop (erf)  }
0xe8: {  	v4 =	vadd.f32 $1.000000000e+00, v4;
	v55 =	vpop (erf);
	v10 =	vadd.f32 $1.000000000e+00, v54  }
0xe9: {  	v5 =	vadd.f32 $1.000000000e+00, v5;
	v56 =	vpop (erf);
	v11 =	vadd.f32 $1.000000000e+00, v55  }
0xea: {  	v8 =	vadd.f32 $1.000000000e+00, v52;
	v57 =	vpop (erf);
	v4 =	vmul.f32 v10, v4;
	v58 =	vadd.f32 $1.000000000e+00, v56  }
0xeb: {  	v9 =	vadd.f32 $1.000000000e+00, v53;
	v5 =	vmul.f32 v11, v5;
	v59 =	vadd.f32 $1.000000000e+00, v57  }
0xec: {  	(erf) = vrcp.f32 v4;
	v4 =	vmul.f32 v58, v8  }
0xed: {  	(erf) = vrcp.f32 v5;
	v5 =	vmul.f32 v59, v9  }
0xee: {  	(erf) = vrcp.f32 v4  }
0xef: {  	(erf) = vrcp.f32 v5;
	_ =	sdelay $0x5  }
0xf0: {  	v4 =	vpop (erf)  }
0xf1: {  	v4 =	vmul.f32 v4, v13;
	v5 =	vpop (erf)  }
0xf2: {  	v5 =	vmul.f32 v5, v14;
	v60 =	vpop (erf)  }
0xf3: {  	[tilespmem:s30+$0xFFFFFFC0] =	vst v4;
	v4 =	vmul.f32 v60, v7;
	v61 =	vpop (erf)  }
0xf4: {  	[tilespmem:s30+$0xFFFFFFD0] =	vst v5;
	v5 =	vmul.f32 v61, v6  }
0xf5: {  	[tilespmem:s30+$0xFFFFFFE0] =	vst v4  }
0xf6: {  	[tilespmem:s30+$0xFFFFFFF0] =	vst v5  }
0xf7: {  	v4 =	vld [tilespmem:s12+$0x340]  }
0xf8: {  	v5 =	vld [tilespmem:s12+$0x2340]  }
0xf9: {  	v62 =	vld [tilespmem:s12+$0x4340]  }
0xfa: {  	v63 =	vld [tilespmem:s12+$0x350]  }
0xfb: {  	v24 =	vld [tilespmem:s12+$0x2350]  }
0xfc: {  	v25 =	vld [tilespmem:s12+$0x4350]  }
0xfd: {  	v26 =	vld [tilespmem:s12+$0x360]  }
0xfe: {  	v27 =	vld [tilespmem:s12+$0x2360]  }
0xff: {  	v29 =	vld [tilespmem:s12+$0x370]  }
0x100: {  	v30 =	vld [tilespmem:s12+$0x2370]  }
0x101: {  	v32 =	vld [tilespmem:s12+$0x740]  }
0x102: {  	v33 =	vld [tilespmem:s12+$0x2740]  }
0x103: {  	v35 =	vld [tilespmem:s12+$0x750]  }
0x104: {  	v36 =	vld [tilespmem:s12+$0x2750]  }
0x105: {  	v38 =	vld [tilespmem:s12+$0x760]  }
0x106: {  	v39 =	vld [tilespmem:s12+$0x2760]  }
0x107: {  	v40 =	vld [tilespmem:s12+$0x770]  }
0x108: {  	v43 =	vld [tilespmem:s12+$0x2770]  }
0x109: {  	v28 =	vld [tilespmem:s12+$0x4360]  }
0x10a: {  	v31 =	vld [tilespmem:s12+$0x4370];
	v4 =	vadd.f32 v5, v4;
	v5 =	vadd.f32 v24, v63  }
0x10b: {  	v34 =	vld [tilespmem:s12+$0x4740];
	v41 =	vadd.f32 v27, v26;
	v42 =	vadd.f32 v30, v29  }
0x10c: {  	v37 =	vld [tilespmem:s12+$0x4750];
	v44 =	vadd.f32 v33, v32;
	v45 =	vadd.f32 v36, v35  }
0x10d: {  	v46 =	vld [tilespmem:s12+$0x4760];
	v7 =	vadd.f32 v39, v38;
	v6 =	vadd.f32 v43, v40  }
0x10e: {  	v47 =	vld [tilespmem:s12+$0x4770];
	v4 =	vadd.f32 v62, v4;
	v5 =	vadd.f32 v25, v5  }
0x10f: {  	v9 =	vadd.f32 v28, v41;
	v10 =	vadd.f32 v31, v42  }
0x110: {  	v13 =	vadd.f32 v34, v44;
	v4 =	vsub.f32 $0.0e+00, v4  }
0x111: {  	v14 =	vadd.f32 v37, v45;
	v5 =	vsub.f32 $0.0e+00, v5  }
0x112: {  	v7 =	vadd.f32 v46, v7;
	v48 =	vsub.f32 $0.0e+00, v9;
	v4 =	vmul.f32 $1.442695020e+00, v4  }
0x113: {  	v6 =	vadd.f32 v47, v6;
	v49 =	vsub.f32 $0.0e+00, v10;
	v5 =	vmul.f32 $1.442695020e+00, v5  }
0x114: {  	v50 =	vsub.f32 $0.0e+00, v13;
	(erf) = vpow2.f32 v4;
	v4 =	vmul.f32 $1.442695020e+00, v48  }
0x115: {  	v51 =	vsub.f32 $0.0e+00, v14;
	(erf) = vpow2.f32 v5;
	v5 =	vmul.f32 $1.442695020e+00, v49  }
0x116: {  	v52 =	vsub.f32 $0.0e+00, v7;
	(erf) = vpow2.f32 v4;
	v4 =	vmul.f32 $1.442695020e+00, v50  }
0x117: {  	v53 =	vsub.f32 $0.0e+00, v6;
	(erf) = vpow2.f32 v5;
	v5 =	vmul.f32 $1.442695020e+00, v51  }
0x118: {  	(erf) = vpow2.f32 v4;
	v4 =	vmul.f32 $1.442695020e+00, v52  }
0x119: {  	(erf) = vpow2.f32 v5;
	v5 =	vmul.f32 $1.442695020e+00, v53  }
0x11a: {  	(erf) = vpow2.f32 v4  }
0x11b: {  	(erf) = vpow2.f32 v5;
	_ =	sdelay $0x1  }
0x11c: {  	v4 =	vpop (erf)  }
0x11d: {  	v5 =	vpop (erf)  }
0x11e: {  	v54 =	vpop (erf)  }
0x11f: {  	v55 =	vpop (erf)  }
0x120: {  	v56 =	vpop (erf)  }
0x121: {  	v4 =	vadd.f32 $1.000000000e+00, v4;
	v57 =	vpop (erf);
	v10 =	vadd.f32 $1.000000000e+00, v56  }
0x122: {  	v5 =	vadd.f32 $1.000000000e+00, v5;
	v58 =	vpop (erf);
	v11 =	vadd.f32 $1.000000000e+00, v57  }
0x123: {  	v8 =	vadd.f32 $1.000000000e+00, v54;
	v59 =	vpop (erf);
	v4 =	vmul.f32 v10, v4;
	v60 =	vadd.f32 $1.000000000e+00, v58  }
0x124: {  	v9 =	vadd.f32 $1.000000000e+00, v55;
	v5 =	vmul.f32 v11, v5;
	v61 =	vadd.f32 $1.000000000e+00, v59  }
0x125: {  	(erf) = vrcp.f32 v4;
	v4 =	vmul.f32 v60, v8  }
0x126: {  	(erf) = vrcp.f32 v5;
	v5 =	vmul.f32 v61, v9  }
0x127: {  	(erf) = vrcp.f32 v4  }
0x128: {  	(erf) = vrcp.f32 v5;
	_ =	sdelay $0x5  }
0x129: {  	v4 =	vpop (erf)  }
0x12a: {  	p2 =	sne.s32 s11, $0xF00;
	v5 =	vpop (erf);
	v4 =	vmul.f32 v4, v13  }
.Ltmp1:
0x12b: {  	v62 =	vpop (erf);
	v5 =	vmul.f32 v5, v14;
	(pc) =	sbr.rel @p2 .LBB2_5-.Ltmp1, $4  }
0x12c: {  	[tilespmem:s30+$0x0] =	vst v4;
	v4 =	vmul.f32 v62, v7;
	v63 =	vpop (erf)  }
0x12d: {  	[tilespmem:s30+$0x10] =	vst v5;
	v5 =	vmul.f32 v63, v6  }
0x12e: {  	[tilespmem:s30+$0x20] =	vst v4  }
0x12f: {  	s9 =	sadd.s32 $0x80, s9;
	s11 =	sadd.s32 $0x100, s11;
	[tilespmem:s30+$0x30] =	vst v5;
	s30 =	sadd.s32 $0x80, s30  }
0x130: {  	[spmem:s2] =	stream.indirect.scatter.add.f32 [tilespmem:s6], [sflag:$0x5], $0x80, s4, s0, $0xb8;
	[tilespmem:$0x1D380] =	vst v63  }
0x131: {  	_ =	swait.ge [sflag:s10], $0x10  }
0x132: {  	[sflag:s10] =	ssyncset.done $0x0  }
0x133: {  	[sflag:s10] =	ssyncadd.s32 $0xFFFFFFF0  }
0x134: {  	_ =	swait.ge [sflag:s10], $0x10  }
0x135: {  	[sflag:s10] =	ssyncset.done $0x0  }
0x136: {  	[sflag:s10] =	ssyncadd.s32 $0xFFFFFFF0  }
0x137: {  	v4 =	vld [tilespmem:$0x0];
	_ =	sdelay $0x4  }
0x138: {  	v5 =	vshll.u32 v4, $0x1  }
0x139: {  	v4 =	vand.u32 $0x7, v4;
	v5 =	vand.u32 $0xFFFFFFF0, v5  }
0x13a: {  	v4 =	vor.u32 v4, v5  }
0x13b: {  	v5 =	vperm.xlane v4, v1;
	_ =	sdelay $0x1  }
0x13c: {  	v4 =	vperm.xlane v4, v3;
	v5 =	vadd.s32 v2, v5;
	_ =	sdelay $0x1  }
0x13d: {  	v4 =	vadd.s32 v2, v4;
	_ =	sdelay $0x1  }
0x13e: {  	s9 =	simm.s32 $0x300  }
0x13f: {  	[tilespmem:s9], [sflag:$0x3] =	stream.indirect_vreg.gather [hbm4b:s5+s3], $0x80, v5, vm0, $0xb8;
	[tilespmem:$0x1D380] =	vst v63  }
0x140: {  	s12 =	simm.s32 $0xB00  }
0x141: {  	[tilespmem:s12], [sflag:$0x3] =	stream.indirect_vreg.gather [hbm4b:s5+s3], $0x80, v4, vm0, $0xb8;
	[tilespmem:$0x1D380] =	vst v63  }
0x142: {  	v4 =	vld [tilespmem:$0x100];
	_ =	sdelay $0x4  }
0x143: {  	v5 =	vshll.u32 v4, $0x1  }
0x144: {  	v4 =	vand.u32 $0x7, v4;
	v5 =	vand.u32 $0xFFFFFFF0, v5  }
0x145: {  	v4 =	vor.u32 v4, v5  }
0x146: {  	v5 =	vperm.xlane v4, v1;
	_ =	sdelay $0x1  }
0x147: {  	v5 =	vadd.s32 v2, v5  }
0x148: {  	v4 =	vperm.xlane v4, v3;
	_ =	sdelay $0x1  }
0x149: {  	v4 =	vadd.s32 v2, v4  }
0x14a: {  	s13 =	simm.s32 $0x2300  }
0x14b: {  	[tilespmem:s13], [sflag:$0x3] =	stream.indirect_vreg.gather [hbm4b:s14+s3], $0x80, v5, vm0, $0xb8;
	[tilespmem:$0x1D380] =	vst v63  }
.Ltmp2:
0x14c: {  	_ = 	snop;
	(pc) =	sbr.rel @p1 .LBB2_9-.Ltmp2, $4  }
0x14d: {  	s30 =	sshll.u32 s29, $0x5  }
0x14e: {  	[tilespmem:s17], [sflag:$0x3] =	stream.indirect_vreg.gather [hbm4b:s14+s3], $0x80, v4, vm0, $0xb8;
	[tilespmem:$0x1D380] =	vst v63  }
0x14f: {  	s9 =	sadd.s32 s15, s30  }
0x150: {  	[tilespmem:s18], [sflag:$0x3] =	stream.linear.gather [hbm4b:s9+s3], $0x1000, $0x38;
	[tilespmem:$0x1D380] =	vst v63  }
0x151: {  	p1 =	seq.s32 s26, $0x137  }
.Ltmp3:
0x152: {  	_ = 	snop;
	(pc) =	sbr.rel @p1 .LBB2_12-.Ltmp3, $1  }
0x153: {  	_ =	sdelay $0x3  }
0x154: {  	_ =	swait.ge [sflag:s21], $0x800  }
0x155: {  	[sflag:s21] =	ssyncset.done $0x0  }
0x156: {  	[sflag:s21] =	ssyncadd.s32 $0xFFFFF800  }
.LBB2_9:
0x157: {  	_ =	swait.ge [sflag:s7], $0x1000  }
0x158: {  	[sflag:s7] =	ssyncset.done $0x0  }
0x159: {  	[sflag:s7] =	ssyncadd.s32 $0xFFFFF000  }
0x15a: {  	_ =	swait.ge [sflag:s7], $0x1000  }
0x15b: {  	[sflag:s7] =	ssyncset.done $0x0  }
0x15c: {  	[sflag:s7] =	ssyncadd.s32 $0xFFFFF000  }
0x15d: {  	_ =	swait.ge [sflag:s7], $0x1000  }
0x15e: {  	[sflag:s7] =	ssyncset.done $0x0  }
0x15f: {  	[sflag:s7] =	ssyncadd.s32 $0xFFFFF000  }
0x160: {  	v4 =	vld [tilespmem:$0x180];
	_ =	sdelay $0x2  }
0x161: {  	s9 =	sadd.s32 s28, s24  }
0x162: {  	s9 =	sshrl.u32 s9, $0x3  }
0x163: {  	s28 =	simm.s32 $0x0;
	s12 =	simm.s32 $0x80;
	s11 =	sadd.s32 s16, s9;
	[tilespmem:$0x280] =	vst v4  }
0x164: {  	[tilespmem:s12], [sflag:$0x2] =	stream.linear.gather [hbm4b:s11+s28], $0x10, $0x38;
	[tilespmem:$0x1D380] =	vst v63  }
0x165: {  	s30 =	simm.s32 $0x180;
	s9 =	sadd.s32 s1, s9  }
0x166: {  	[tilespmem:s30], [sflag:$0x2] =	stream.linear.gather [hbm4b:s9+s28], $0x10, $0x38;
	[tilespmem:$0x1D380] =	vst v63  }
0x167: {  	s11 =	simm.s32 $0x0;
	s9 =	simm.s32 $0x6B40  }
.LBB2_10:
0x168: {  	s12 =	sand.u32 $0x800, s11;
	s13 =	sand.u32 $0x380, s28  }
0x169: {  	s12 =	sor.u32 s13, s12  }
0x16a: {  	v4 =	vld [tilespmem:s12+$0x1300]  }
0x16b: {  	v5 =	vld [tilespmem:s12+$0x3300]  }
0x16c: {  	v6 =	vld [tilespmem:s12+$0x5300]  }
0x16d: {  	v7 =	vld [tilespmem:s12+$0x1310]  }
0x16e: {  	v8 =	vld [tilespmem:s12+$0x3310]  }
0x16f: {  	v9 =	vld [tilespmem:s12+$0x5310]  }
0x170: {  	v10 =	vld [tilespmem:s12+$0x1320]  }
0x171: {  	v11 =	vld [tilespmem:s12+$0x3320]  }
0x172: {  	v12 =	vld [tilespmem:s12+$0x5320]  }
0x173: {  	v13 =	vld [tilespmem:s12+$0x1330]  }
0x174: {  	v14 =	vld [tilespmem:s12+$0x3330]  }
0x175: {  	v15 =	vld [tilespmem:s12+$0x5330]  }
0x176: {  	v16 =	vld [tilespmem:s12+$0x1700]  }
0x177: {  	v17 =	vld [tilespmem:s12+$0x3700]  }
0x178: {  	v19 =	vld [tilespmem:s12+$0x1710]  }
0x179: {  	v20 =	vld [tilespmem:s12+$0x3710]  }
0x17a: {  	v36 =	vld [tilespmem:s12+$0x1720]  }
0x17b: {  	v37 =	vld [tilespmem:s12+$0x3720]  }
0x17c: {  	v18 =	vld [tilespmem:s12+$0x5700]  }
0x17d: {  	v21 =	vld [tilespmem:s12+$0x5710];
	v4 =	vadd.f32 v5, v4;
	v5 =	vadd.f32 v8, v7  }
0x17e: {  	v38 =	vld [tilespmem:s12+$0x1730];
	v39 =	vadd.f32 v11, v10;
	v40 =	vadd.f32 v14, v13  }
0x17f: {  	v41 =	vld [tilespmem:s12+$0x3730];
	v42 =	vadd.f32 v17, v16;
	v43 =	vadd.f32 v20, v19  }
0x180: {  	v44 =	vld [tilespmem:s12+$0x5720];
	v7 =	vadd.f32 v37, v36;
	v4 =	vadd.f32 v6, v4  }
0x181: {  	v45 =	vld [tilespmem:s12+$0x5730];
	v5 =	vadd.f32 v9, v5;
	v9 =	vadd.f32 v12, v39  }
0x182: {  	v10 =	vadd.f32 v15, v40;
	v13 =	vadd.f32 v18, v42  }
0x183: {  	v14 =	vadd.f32 v21, v43;
	v4 =	vsub.f32 $0.0e+00, v4  }
0x184: {  	v6 =	vadd.f32 v41, v38;
	v5 =	vsub.f32 $0.0e+00, v5  }
0x185: {  	v7 =	vadd.f32 v44, v7;
	v46 =	vsub.f32 $0.0e+00, v9;
	v4 =	vmul.f32 $1.442695020e+00, v4  }
0x186: {  	v6 =	vadd.f32 v45, v6;
	v47 =	vsub.f32 $0.0e+00, v10;
	v5 =	vmul.f32 $1.442695020e+00, v5  }
0x187: {  	v48 =	vsub.f32 $0.0e+00, v13;
	(erf) = vpow2.f32 v4;
	v4 =	vmul.f32 $1.442695020e+00, v46  }
0x188: {  	v49 =	vsub.f32 $0.0e+00, v14;
	(erf) = vpow2.f32 v5;
	v5 =	vmul.f32 $1.442695020e+00, v47  }
0x189: {  	v50 =	vsub.f32 $0.0e+00, v7;
	(erf) = vpow2.f32 v4;
	v4 =	vmul.f32 $1.442695020e+00, v48  }
0x18a: {  	v51 =	vsub.f32 $0.0e+00, v6;
	(erf) = vpow2.f32 v5;
	v5 =	vmul.f32 $1.442695020e+00, v49  }
0x18b: {  	(erf) = vpow2.f32 v4;
	v4 =	vmul.f32 $1.442695020e+00, v50  }
0x18c: {  	(erf) = vpow2.f32 v5;
	v5 =	vmul.f32 $1.442695020e+00, v51  }
0x18d: {  	(erf) = vpow2.f32 v4  }
0x18e: {  	(erf) = vpow2.f32 v5;
	_ =	sdelay $0x1  }
0x18f: {  	v4 =	vpop (erf)  }
0x190: {  	v5 =	vpop (erf)  }
0x191: {  	v52 =	vpop (erf)  }
0x192: {  	v53 =	vpop (erf)  }
0x193: {  	v54 =	vpop (erf)  }
0x194: {  	v4 =	vadd.f32 $1.000000000e+00, v4;
	v55 =	vpop (erf);
	v10 =	vadd.f32 $1.000000000e+00, v54  }
0x195: {  	v5 =	vadd.f32 $1.000000000e+00, v5;
	v56 =	vpop (erf);
	v11 =	vadd.f32 $1.000000000e+00, v55  }
0x196: {  	v8 =	vadd.f32 $1.000000000e+00, v52;
	v57 =	vpop (erf);
	v4 =	vmul.f32 v10, v4;
	v58 =	vadd.f32 $1.000000000e+00, v56  }
0x197: {  	v9 =	vadd.f32 $1.000000000e+00, v53;
	v5 =	vmul.f32 v11, v5;
	v59 =	vadd.f32 $1.000000000e+00, v57  }
0x198: {  	(erf) = vrcp.f32 v4;
	v4 =	vmul.f32 v58, v8  }
0x199: {  	(erf) = vrcp.f32 v5;
	v5 =	vmul.f32 v59, v9  }
0x19a: {  	(erf) = vrcp.f32 v4  }
0x19b: {  	(erf) = vrcp.f32 v5;
	_ =	sdelay $0x5  }
0x19c: {  	v4 =	vpop (erf)  }
0x19d: {  	v4 =	vmul.f32 v4, v13;
	v5 =	vpop (erf)  }
0x19e: {  	v5 =	vmul.f32 v5, v14;
	v60 =	vpop (erf)  }
0x19f: {  	[tilespmem:s9+$0xFFFFFFC0] =	vst v4;
	v4 =	vmul.f32 v60, v7;
	v61 =	vpop (erf)  }
0x1a0: {  	[tilespmem:s9+$0xFFFFFFD0] =	vst v5;
	v5 =	vmul.f32 v61, v6  }
0x1a1: {  	[tilespmem:s9+$0xFFFFFFE0] =	vst v4  }
0x1a2: {  	[tilespmem:s9+$0xFFFFFFF0] =	vst v5  }
0x1a3: {  	v4 =	vld [tilespmem:s12+$0x1340]  }
0x1a4: {  	v5 =	vld [tilespmem:s12+$0x3340]  }
0x1a5: {  	v62 =	vld [tilespmem:s12+$0x5340]  }
0x1a6: {  	v63 =	vld [tilespmem:s12+$0x1350]  }
0x1a7: {  	v24 =	vld [tilespmem:s12+$0x3350]  }
0x1a8: {  	v25 =	vld [tilespmem:s12+$0x5350]  }
0x1a9: {  	v26 =	vld [tilespmem:s12+$0x1360]  }
0x1aa: {  	v27 =	vld [tilespmem:s12+$0x3360]  }
0x1ab: {  	v29 =	vld [tilespmem:s12+$0x1370]  }
0x1ac: {  	v30 =	vld [tilespmem:s12+$0x3370]  }
0x1ad: {  	v32 =	vld [tilespmem:s12+$0x1740]  }
0x1ae: {  	v33 =	vld [tilespmem:s12+$0x3740]  }
0x1af: {  	v35 =	vld [tilespmem:s12+$0x1750]  }
0x1b0: {  	v36 =	vld [tilespmem:s12+$0x3750]  }
0x1b1: {  	v38 =	vld [tilespmem:s12+$0x1760]  }
0x1b2: {  	v39 =	vld [tilespmem:s12+$0x3760]  }
0x1b3: {  	v40 =	vld [tilespmem:s12+$0x1770]  }
0x1b4: {  	v43 =	vld [tilespmem:s12+$0x3770]  }
0x1b5: {  	v28 =	vld [tilespmem:s12+$0x5360]  }
0x1b6: {  	v31 =	vld [tilespmem:s12+$0x5370];
	v4 =	vadd.f32 v5, v4;
	v5 =	vadd.f32 v24, v63  }
0x1b7: {  	v34 =	vld [tilespmem:s12+$0x5740];
	v41 =	vadd.f32 v27, v26;
	v42 =	vadd.f32 v30, v29  }
0x1b8: {  	v37 =	vld [tilespmem:s12+$0x5750];
	v44 =	vadd.f32 v33, v32;
	v45 =	vadd.f32 v36, v35  }
0x1b9: {  	v46 =	vld [tilespmem:s12+$0x5760];
	v7 =	vadd.f32 v39, v38;
	v6 =	vadd.f32 v43, v40  }
0x1ba: {  	v47 =	vld [tilespmem:s12+$0x5770];
	v4 =	vadd.f32 v62, v4;
	v5 =	vadd.f32 v25, v5  }
0x1bb: {  	v9 =	vadd.f32 v28, v41;
	v10 =	vadd.f32 v31, v42  }
0x1bc: {  	v13 =	vadd.f32 v34, v44;
	v4 =	vsub.f32 $0.0e+00, v4  }
0x1bd: {  	v14 =	vadd.f32 v37, v45;
	v5 =	vsub.f32 $0.0e+00, v5  }
0x1be: {  	v7 =	vadd.f32 v46, v7;
	v48 =	vsub.f32 $0.0e+00, v9;
	v4 =	vmul.f32 $1.442695020e+00, v4  }
0x1bf: {  	v6 =	vadd.f32 v47, v6;
	v49 =	vsub.f32 $0.0e+00, v10;
	v5 =	vmul.f32 $1.442695020e+00, v5  }
0x1c0: {  	v50 =	vsub.f32 $0.0e+00, v13;
	(erf) = vpow2.f32 v4;
	v4 =	vmul.f32 $1.442695020e+00, v48  }
0x1c1: {  	v51 =	vsub.f32 $0.0e+00, v14;
	(erf) = vpow2.f32 v5;
	v5 =	vmul.f32 $1.442695020e+00, v49  }
0x1c2: {  	v52 =	vsub.f32 $0.0e+00, v7;
	(erf) = vpow2.f32 v4;
	v4 =	vmul.f32 $1.442695020e+00, v50  }
0x1c3: {  	v53 =	vsub.f32 $0.0e+00, v6;
	(erf) = vpow2.f32 v5;
	v5 =	vmul.f32 $1.442695020e+00, v51  }
0x1c4: {  	(erf) = vpow2.f32 v4;
	v4 =	vmul.f32 $1.442695020e+00, v52  }
0x1c5: {  	(erf) = vpow2.f32 v5;
	v5 =	vmul.f32 $1.442695020e+00, v53  }
0x1c6: {  	(erf) = vpow2.f32 v4  }
0x1c7: {  	(erf) = vpow2.f32 v5;
	_ =	sdelay $0x1  }
0x1c8: {  	v4 =	vpop (erf)  }
0x1c9: {  	v5 =	vpop (erf)  }
0x1ca: {  	v54 =	vpop (erf)  }
0x1cb: {  	v55 =	vpop (erf)  }
0x1cc: {  	v56 =	vpop (erf)  }
0x1cd: {  	v4 =	vadd.f32 $1.000000000e+00, v4;
	v57 =	vpop (erf);
	v10 =	vadd.f32 $1.000000000e+00, v56  }
0x1ce: {  	v5 =	vadd.f32 $1.000000000e+00, v5;
	v58 =	vpop (erf);
	v11 =	vadd.f32 $1.000000000e+00, v57  }
0x1cf: {  	v8 =	vadd.f32 $1.000000000e+00, v54;
	v59 =	vpop (erf);
	v4 =	vmul.f32 v10, v4;
	v60 =	vadd.f32 $1.000000000e+00, v58  }
0x1d0: {  	v9 =	vadd.f32 $1.000000000e+00, v55;
	v5 =	vmul.f32 v11, v5;
	v61 =	vadd.f32 $1.000000000e+00, v59  }
0x1d1: {  	(erf) = vrcp.f32 v4;
	v4 =	vmul.f32 v60, v8  }
0x1d2: {  	(erf) = vrcp.f32 v5;
	v5 =	vmul.f32 v61, v9  }
0x1d3: {  	(erf) = vrcp.f32 v4  }
0x1d4: {  	(erf) = vrcp.f32 v5;
	_ =	sdelay $0x5  }
0x1d5: {  	v4 =	vpop (erf)  }
0x1d6: {  	p1 =	seq.s32 s11, $0xF00;
	v5 =	vpop (erf);
	v4 =	vmul.f32 v4, v13  }
.Ltmp4:
0x1d7: {  	v62 =	vpop (erf);
	v5 =	vmul.f32 v5, v14;
	(pc) =	sbr.rel @!p1 .LBB2_10-.Ltmp4, $4  }
0x1d8: {  	[tilespmem:s9+$0x0] =	vst v4;
	v4 =	vmul.f32 v62, v7;
	v63 =	vpop (erf)  }
0x1d9: {  	[tilespmem:s9+$0x10] =	vst v5;
	v5 =	vmul.f32 v63, v6  }
0x1da: {  	[tilespmem:s9+$0x20] =	vst v4  }
0x1db: {  	s28 =	sadd.s32 $0x80, s28;
	s11 =	sadd.s32 $0x100, s11;
	[tilespmem:s9+$0x30] =	vst v5;
	s9 =	sadd.s32 $0x80, s9  }
.Ltmp5:
0x1dc: {  	(pc) =	sbr.rel .LBB2_4-.Ltmp5, $3  }
0x1dd: {  	_ =	sdelay $0x1  }
0x1de: {  	[spmem:s2] =	stream.indirect.scatter.add.f32 [tilespmem:s20], [sflag:$0x6], $0x80, s8, s0, $0xb8;
	[tilespmem:$0x1D380] =	vst v63  }
0x1df: {  	s26 =	sadd.s32 $0x1, s26  }
.LBB2_12:
0x1e0: {  	_ =	swait.ge [sflag:s21], $0x800  }
0x1e1: {  	[sflag:s21] =	ssyncset.done $0x0  }
0x1e2: {  	[sflag:s21] =	ssyncadd.s32 $0xFFFFF800  }
0x1e3: {  	_ =	swait.ge [sflag:s7], $0x1000  }
0x1e4: {  	[sflag:s7] =	ssyncset.done $0x0  }
0x1e5: {  	[sflag:s7] =	ssyncadd.s32 $0xFFFFF000  }
0x1e6: {  	_ =	swait.ge [sflag:s7], $0x1000  }
0x1e7: {  	[sflag:s7] =	ssyncset.done $0x0  }
0x1e8: {  	[sflag:s7] =	ssyncadd.s32 $0xFFFFF000  }
0x1e9: {  	_ =	swait.ge [sflag:s7], $0x1000  }
0x1ea: {  	[sflag:s7] =	ssyncset.done $0x0  }
0x1eb: {  	[sflag:s7] =	ssyncadd.s32 $0xFFFFF000  }
0x1ec: {  	v4 =	vld [tilespmem:$0x180];
	_ =	sdelay $0x4  }
0x1ed: {  	s25 =	simm.s32 $0x0;
	s9 =	simm.s32 $0x6B40;
	s11 =	simm.s32 $0x0;
	[tilespmem:$0x280] =	vst v4  }
.LBB2_13:
0x1ee: {  	s12 =	sand.u32 $0x800, s11;
	s13 =	sand.u32 $0x380, s25  }
0x1ef: {  	s12 =	sor.u32 s13, s12  }
0x1f0: {  	v4 =	vld [tilespmem:s12+$0x1300]  }
0x1f1: {  	v5 =	vld [tilespmem:s12+$0x3300]  }
0x1f2: {  	v6 =	vld [tilespmem:s12+$0x5300]  }
0x1f3: {  	v7 =	vld [tilespmem:s12+$0x1310]  }
0x1f4: {  	v8 =	vld [tilespmem:s12+$0x3310]  }
0x1f5: {  	v9 =	vld [tilespmem:s12+$0x5310]  }
0x1f6: {  	v10 =	vld [tilespmem:s12+$0x1320]  }
0x1f7: {  	v11 =	vld [tilespmem:s12+$0x3320]  }
0x1f8: {  	v12 =	vld [tilespmem:s12+$0x5320]  }
0x1f9: {  	v13 =	vld [tilespmem:s12+$0x1330]  }
0x1fa: {  	v14 =	vld [tilespmem:s12+$0x3330]  }
0x1fb: {  	v15 =	vld [tilespmem:s12+$0x5330]  }
0x1fc: {  	v16 =	vld [tilespmem:s12+$0x1700]  }
0x1fd: {  	v17 =	vld [tilespmem:s12+$0x3700]  }
0x1fe: {  	v19 =	vld [tilespmem:s12+$0x1710]  }
0x1ff: {  	v20 =	vld [tilespmem:s12+$0x3710]  }
0x200: {  	v36 =	vld [tilespmem:s12+$0x1720]  }
0x201: {  	v37 =	vld [tilespmem:s12+$0x3720]  }
0x202: {  	v18 =	vld [tilespmem:s12+$0x5700]  }
0x203: {  	v21 =	vld [tilespmem:s12+$0x5710];
	v4 =	vadd.f32 v5, v4;
	v5 =	vadd.f32 v8, v7  }
0x204: {  	v38 =	vld [tilespmem:s12+$0x1730];
	v39 =	vadd.f32 v11, v10;
	v40 =	vadd.f32 v14, v13  }
0x205: {  	v41 =	vld [tilespmem:s12+$0x3730];
	v42 =	vadd.f32 v17, v16;
	v43 =	vadd.f32 v20, v19  }
0x206: {  	v44 =	vld [tilespmem:s12+$0x5720];
	v7 =	vadd.f32 v37, v36;
	v4 =	vadd.f32 v6, v4  }
0x207: {  	v45 =	vld [tilespmem:s12+$0x5730];
	v5 =	vadd.f32 v9, v5;
	v9 =	vadd.f32 v12, v39  }
0x208: {  	v10 =	vadd.f32 v15, v40;
	v13 =	vadd.f32 v18, v42  }
0x209: {  	v14 =	vadd.f32 v21, v43;
	v4 =	vsub.f32 $0.0e+00, v4  }
0x20a: {  	v6 =	vadd.f32 v41, v38;
	v5 =	vsub.f32 $0.0e+00, v5  }
0x20b: {  	v7 =	vadd.f32 v44, v7;
	v46 =	vsub.f32 $0.0e+00, v9;
	v4 =	vmul.f32 $1.442695020e+00, v4  }
0x20c: {  	v6 =	vadd.f32 v45, v6;
	v47 =	vsub.f32 $0.0e+00, v10;
	v5 =	vmul.f32 $1.442695020e+00, v5  }
0x20d: {  	v48 =	vsub.f32 $0.0e+00, v13;
	(erf) = vpow2.f32 v4;
	v4 =	vmul.f32 $1.442695020e+00, v46  }
0x20e: {  	v49 =	vsub.f32 $0.0e+00, v14;
	(erf) = vpow2.f32 v5;
	v5 =	vmul.f32 $1.442695020e+00, v47  }
0x20f: {  	v50 =	vsub.f32 $0.0e+00, v7;
	(erf) = vpow2.f32 v4;
	v4 =	vmul.f32 $1.442695020e+00, v48  }
0x210: {  	v51 =	vsub.f32 $0.0e+00, v6;
	(erf) = vpow2.f32 v5;
	v5 =	vmul.f32 $1.442695020e+00, v49  }
0x211: {  	(erf) = vpow2.f32 v4;
	v4 =	vmul.f32 $1.442695020e+00, v50  }
0x212: {  	(erf) = vpow2.f32 v5;
	v5 =	vmul.f32 $1.442695020e+00, v51  }
0x213: {  	(erf) = vpow2.f32 v4  }
0x214: {  	(erf) = vpow2.f32 v5;
	_ =	sdelay $0x1  }
0x215: {  	v4 =	vpop (erf)  }
0x216: {  	v5 =	vpop (erf)  }
0x217: {  	v52 =	vpop (erf)  }
0x218: {  	v53 =	vpop (erf)  }
0x219: {  	v54 =	vpop (erf)  }
0x21a: {  	v4 =	vadd.f32 $1.000000000e+00, v4;
	v55 =	vpop (erf);
	v10 =	vadd.f32 $1.000000000e+00, v54  }
0x21b: {  	v5 =	vadd.f32 $1.000000000e+00, v5;
	v56 =	vpop (erf);
	v11 =	vadd.f32 $1.000000000e+00, v55  }
0x21c: {  	v8 =	vadd.f32 $1.000000000e+00, v52;
	v57 =	vpop (erf);
	v4 =	vmul.f32 v10, v4;
	v58 =	vadd.f32 $1.000000000e+00, v56  }
0x21d: {  	v9 =	vadd.f32 $1.000000000e+00, v53;
	v5 =	vmul.f32 v11, v5;
	v59 =	vadd.f32 $1.000000000e+00, v57  }
0x21e: {  	(erf) = vrcp.f32 v4;
	v4 =	vmul.f32 v58, v8  }
0x21f: {  	(erf) = vrcp.f32 v5;
	v5 =	vmul.f32 v59, v9  }
0x220: {  	(erf) = vrcp.f32 v4  }
0x221: {  	(erf) = vrcp.f32 v5;
	_ =	sdelay $0x5  }
0x222: {  	v4 =	vpop (erf)  }
0x223: {  	v4 =	vmul.f32 v4, v13;
	v5 =	vpop (erf)  }
0x224: {  	v5 =	vmul.f32 v5, v14;
	v60 =	vpop (erf)  }
0x225: {  	[tilespmem:s9+$0xFFFFFFC0] =	vst v4;
	v4 =	vmul.f32 v60, v7;
	v61 =	vpop (erf)  }
0x226: {  	[tilespmem:s9+$0xFFFFFFD0] =	vst v5;
	v5 =	vmul.f32 v61, v6  }
0x227: {  	[tilespmem:s9+$0xFFFFFFE0] =	vst v4  }
0x228: {  	[tilespmem:s9+$0xFFFFFFF0] =	vst v5  }
0x229: {  	v4 =	vld [tilespmem:s12+$0x1340]  }
0x22a: {  	v5 =	vld [tilespmem:s12+$0x3340]  }
0x22b: {  	v62 =	vld [tilespmem:s12+$0x5340]  }
0x22c: {  	v63 =	vld [tilespmem:s12+$0x1350]  }
0x22d: {  	v24 =	vld [tilespmem:s12+$0x3350]  }
0x22e: {  	v25 =	vld [tilespmem:s12+$0x5350]  }
0x22f: {  	v26 =	vld [tilespmem:s12+$0x1360]  }
0x230: {  	v27 =	vld [tilespmem:s12+$0x3360]  }
0x231: {  	v29 =	vld [tilespmem:s12+$0x1370]  }
0x232: {  	v30 =	vld [tilespmem:s12+$0x3370]  }
0x233: {  	v32 =	vld [tilespmem:s12+$0x1740]  }
0x234: {  	v33 =	vld [tilespmem:s12+$0x3740]  }
0x235: {  	v35 =	vld [tilespmem:s12+$0x1750]  }
0x236: {  	v36 =	vld [tilespmem:s12+$0x3750]  }
0x237: {  	v38 =	vld [tilespmem:s12+$0x1760]  }
0x238: {  	v39 =	vld [tilespmem:s12+$0x3760]  }
0x239: {  	v40 =	vld [tilespmem:s12+$0x1770]  }
0x23a: {  	v43 =	vld [tilespmem:s12+$0x3770]  }
0x23b: {  	v28 =	vld [tilespmem:s12+$0x5360]  }
0x23c: {  	v31 =	vld [tilespmem:s12+$0x5370];
	v4 =	vadd.f32 v5, v4;
	v5 =	vadd.f32 v24, v63  }
0x23d: {  	v34 =	vld [tilespmem:s12+$0x5740];
	v41 =	vadd.f32 v27, v26;
	v42 =	vadd.f32 v30, v29  }
0x23e: {  	v37 =	vld [tilespmem:s12+$0x5750];
	v44 =	vadd.f32 v33, v32;
	v45 =	vadd.f32 v36, v35  }
0x23f: {  	v46 =	vld [tilespmem:s12+$0x5760];
	v7 =	vadd.f32 v39, v38;
	v6 =	vadd.f32 v43, v40  }
0x240: {  	v47 =	vld [tilespmem:s12+$0x5770];
	v4 =	vadd.f32 v62, v4;
	v5 =	vadd.f32 v25, v5  }
0x241: {  	v9 =	vadd.f32 v28, v41;
	v10 =	vadd.f32 v31, v42  }
0x242: {  	v13 =	vadd.f32 v34, v44;
	v4 =	vsub.f32 $0.0e+00, v4  }
0x243: {  	v14 =	vadd.f32 v37, v45;
	v5 =	vsub.f32 $0.0e+00, v5  }
0x244: {  	v7 =	vadd.f32 v46, v7;
	v48 =	vsub.f32 $0.0e+00, v9;
	v4 =	vmul.f32 $1.442695020e+00, v4  }
0x245: {  	v6 =	vadd.f32 v47, v6;
	v49 =	vsub.f32 $0.0e+00, v10;
	v5 =	vmul.f32 $1.442695020e+00, v5  }
0x246: {  	v50 =	vsub.f32 $0.0e+00, v13;
	(erf) = vpow2.f32 v4;
	v4 =	vmul.f32 $1.442695020e+00, v48  }
0x247: {  	v51 =	vsub.f32 $0.0e+00, v14;
	(erf) = vpow2.f32 v5;
	v5 =	vmul.f32 $1.442695020e+00, v49  }
0x248: {  	v52 =	vsub.f32 $0.0e+00, v7;
	(erf) = vpow2.f32 v4;
	v4 =	vmul.f32 $1.442695020e+00, v50  }
0x249: {  	v53 =	vsub.f32 $0.0e+00, v6;
	(erf) = vpow2.f32 v5;
	v5 =	vmul.f32 $1.442695020e+00, v51  }
0x24a: {  	(erf) = vpow2.f32 v4;
	v4 =	vmul.f32 $1.442695020e+00, v52  }
0x24b: {  	(erf) = vpow2.f32 v5;
	v5 =	vmul.f32 $1.442695020e+00, v53  }
0x24c: {  	(erf) = vpow2.f32 v4  }
0x24d: {  	(erf) = vpow2.f32 v5;
	_ =	sdelay $0x1  }
0x24e: {  	v4 =	vpop (erf)  }
0x24f: {  	v5 =	vpop (erf)  }
0x250: {  	v54 =	vpop (erf)  }
0x251: {  	v55 =	vpop (erf)  }
0x252: {  	v56 =	vpop (erf)  }
0x253: {  	v4 =	vadd.f32 $1.000000000e+00, v4;
	v57 =	vpop (erf);
	v10 =	vadd.f32 $1.000000000e+00, v56  }
0x254: {  	v5 =	vadd.f32 $1.000000000e+00, v5;
	v58 =	vpop (erf);
	v11 =	vadd.f32 $1.000000000e+00, v57  }
0x255: {  	v8 =	vadd.f32 $1.000000000e+00, v54;
	v59 =	vpop (erf);
	v4 =	vmul.f32 v10, v4;
	v60 =	vadd.f32 $1.000000000e+00, v58  }
0x256: {  	v9 =	vadd.f32 $1.000000000e+00, v55;
	v5 =	vmul.f32 v11, v5;
	v61 =	vadd.f32 $1.000000000e+00, v59  }
0x257: {  	(erf) = vrcp.f32 v4;
	v4 =	vmul.f32 v60, v8  }
0x258: {  	(erf) = vrcp.f32 v5;
	v5 =	vmul.f32 v61, v9  }
0x259: {  	(erf) = vrcp.f32 v4  }
0x25a: {  	(erf) = vrcp.f32 v5;
	_ =	sdelay $0x5  }
0x25b: {  	v4 =	vpop (erf)  }
0x25c: {  	p1 =	seq.s32 s11, $0xF00;
	v5 =	vpop (erf);
	v4 =	vmul.f32 v4, v13  }
.Ltmp6:
0x25d: {  	v62 =	vpop (erf);
	v5 =	vmul.f32 v5, v14;
	(pc) =	sbr.rel @!p1 .LBB2_13-.Ltmp6, $4  }
0x25e: {  	[tilespmem:s9+$0x0] =	vst v4;
	v4 =	vmul.f32 v62, v7;
	v63 =	vpop (erf)  }
0x25f: {  	[tilespmem:s9+$0x10] =	vst v5;
	v5 =	vmul.f32 v63, v6  }
0x260: {  	[tilespmem:s9+$0x20] =	vst v4  }
0x261: {  	s25 =	sadd.s32 $0x80, s25;
	s11 =	sadd.s32 $0x100, s11;
	[tilespmem:s9+$0x30] =	vst v5;
	s9 =	sadd.s32 $0x80, s9  }
0x262: {  	[spmem:s2] =	stream.indirect.scatter.add.f32 [tilespmem:s20], [sflag:$0x6], $0x80, s8, s0, $0xb8;
	[tilespmem:$0x1D380] =	vst v63  }
0x263: {  	s9 =	simm.s32 $0x5  }
0x264: {  	_ =	swait.ge [sflag:s9], $0x800  }
0x265: {  	[sflag:s9] =	ssyncset.done $0x0  }
0x266: {  	[sflag:s9] =	ssyncadd.s32 $0xFFFFF800  }
0x267: {  	_ =	swait.ge [sflag:s31], $0x1000  }
0x268: {  	[sflag:s31] =	ssyncset.done $0x0  }
0x269: {  	[sflag:s31] =	ssyncadd.s32 $0xFFFFF000  }
0x26a: {  	_ =	swait.ge [sflag:s31], $0x1000  }
0x26b: {  	[sflag:s31] =	ssyncset.done $0x0  }
0x26c: {  	[sflag:s31] =	ssyncadd.s32 $0xFFFFF000  }
0x26d: {  	_ =	swait.ge [sflag:s31], $0x1000  }
0x26e: {  	[sflag:s31] =	ssyncset.done $0x0  }
0x26f: {  	[sflag:s31] =	ssyncadd.s32 $0xFFFFF000  }
0x270: {  	v4 =	vld [tilespmem:$0x100];
	_ =	sdelay $0x3  }
0x271: {  	s25 =	simm.s32 $0x0;
	s26 =	rddreg [dreg:$0x14]  }
0x272: {  	s11 =	simm.s32 $0x0;
	s9 =	simm.s32 $0x6340;
	s28 =	rddreg [dreg:$0x15];
	[tilespmem:$0x200] =	vst v4  }
.LBB2_15:
0x273: {  	s12 =	sand.u32 $0x800, s11;
	s13 =	sand.u32 $0x380, s25  }
0x274: {  	s12 =	sor.u32 s13, s12  }
0x275: {  	v4 =	vld [tilespmem:s12+$0x300]  }
0x276: {  	v5 =	vld [tilespmem:s12+$0x2300]  }
0x277: {  	v6 =	vld [tilespmem:s12+$0x4300]  }
0x278: {  	v7 =	vld [tilespmem:s12+$0x310]  }
0x279: {  	v8 =	vld [tilespmem:s12+$0x2310]  }
0x27a: {  	v9 =	vld [tilespmem:s12+$0x4310]  }
0x27b: {  	v10 =	vld [tilespmem:s12+$0x320]  }
0x27c: {  	v11 =	vld [tilespmem:s12+$0x2320]  }
0x27d: {  	v12 =	vld [tilespmem:s12+$0x4320]  }
0x27e: {  	v13 =	vld [tilespmem:s12+$0x330]  }
0x27f: {  	v14 =	vld [tilespmem:s12+$0x2330]  }
0x280: {  	v15 =	vld [tilespmem:s12+$0x4330]  }
0x281: {  	v16 =	vld [tilespmem:s12+$0x700]  }
0x282: {  	v17 =	vld [tilespmem:s12+$0x2700]  }
0x283: {  	v19 =	vld [tilespmem:s12+$0x710]  }
0x284: {  	v20 =	vld [tilespmem:s12+$0x2710]  }
0x285: {  	v36 =	vld [tilespmem:s12+$0x720]  }
0x286: {  	v37 =	vld [tilespmem:s12+$0x2720]  }
0x287: {  	v18 =	vld [tilespmem:s12+$0x4700]  }
0x288: {  	v21 =	vld [tilespmem:s12+$0x4710];
	v4 =	vadd.f32 v5, v4;
	v5 =	vadd.f32 v8, v7  }
0x289: {  	v38 =	vld [tilespmem:s12+$0x730];
	v39 =	vadd.f32 v11, v10;
	v40 =	vadd.f32 v14, v13  }
0x28a: {  	v41 =	vld [tilespmem:s12+$0x2730];
	v42 =	vadd.f32 v17, v16;
	v43 =	vadd.f32 v20, v19  }
0x28b: {  	v44 =	vld [tilespmem:s12+$0x4720];
	v7 =	vadd.f32 v37, v36;
	v4 =	vadd.f32 v6, v4  }
0x28c: {  	v45 =	vld [tilespmem:s12+$0x4730];
	v5 =	vadd.f32 v9, v5;
	v9 =	vadd.f32 v12, v39  }
0x28d: {  	v10 =	vadd.f32 v15, v40;
	v13 =	vadd.f32 v18, v42  }
0x28e: {  	v14 =	vadd.f32 v21, v43;
	v4 =	vsub.f32 $0.0e+00, v4  }
0x28f: {  	v6 =	vadd.f32 v41, v38;
	v5 =	vsub.f32 $0.0e+00, v5  }
0x290: {  	v7 =	vadd.f32 v44, v7;
	v46 =	vsub.f32 $0.0e+00, v9;
	v4 =	vmul.f32 $1.442695020e+00, v4  }
0x291: {  	v6 =	vadd.f32 v45, v6;
	v47 =	vsub.f32 $0.0e+00, v10;
	v5 =	vmul.f32 $1.442695020e+00, v5  }
0x292: {  	v48 =	vsub.f32 $0.0e+00, v13;
	(erf) = vpow2.f32 v4;
	v4 =	vmul.f32 $1.442695020e+00, v46  }
0x293: {  	v49 =	vsub.f32 $0.0e+00, v14;
	(erf) = vpow2.f32 v5;
	v5 =	vmul.f32 $1.442695020e+00, v47  }
0x294: {  	v50 =	vsub.f32 $0.0e+00, v7;
	(erf) = vpow2.f32 v4;
	v4 =	vmul.f32 $1.442695020e+00, v48  }
0x295: {  	v51 =	vsub.f32 $0.0e+00, v6;
	(erf) = vpow2.f32 v5;
	v5 =	vmul.f32 $1.442695020e+00, v49  }
0x296: {  	(erf) = vpow2.f32 v4;
	v4 =	vmul.f32 $1.442695020e+00, v50  }
0x297: {  	(erf) = vpow2.f32 v5;
	v5 =	vmul.f32 $1.442695020e+00, v51  }
0x298: {  	(erf) = vpow2.f32 v4  }
0x299: {  	(erf) = vpow2.f32 v5;
	_ =	sdelay $0x1  }
0x29a: {  	v4 =	vpop (erf)  }
0x29b: {  	v5 =	vpop (erf)  }
0x29c: {  	v52 =	vpop (erf)  }
0x29d: {  	v53 =	vpop (erf)  }
0x29e: {  	v54 =	vpop (erf)  }
0x29f: {  	v4 =	vadd.f32 $1.000000000e+00, v4;
	v55 =	vpop (erf);
	v10 =	vadd.f32 $1.000000000e+00, v54  }
0x2a0: {  	v5 =	vadd.f32 $1.000000000e+00, v5;
	v56 =	vpop (erf);
	v11 =	vadd.f32 $1.000000000e+00, v55  }
0x2a1: {  	v8 =	vadd.f32 $1.000000000e+00, v52;
	v57 =	vpop (erf);
	v4 =	vmul.f32 v10, v4;
	v58 =	vadd.f32 $1.000000000e+00, v56  }
0x2a2: {  	v9 =	vadd.f32 $1.000000000e+00, v53;
	v5 =	vmul.f32 v11, v5;
	v59 =	vadd.f32 $1.000000000e+00, v57  }
0x2a3: {  	(erf) = vrcp.f32 v4;
	v4 =	vmul.f32 v58, v8  }
0x2a4: {  	(erf) = vrcp.f32 v5;
	v5 =	vmul.f32 v59, v9  }
0x2a5: {  	(erf) = vrcp.f32 v4  }
0x2a6: {  	(erf) = vrcp.f32 v5;
	_ =	sdelay $0x5  }
0x2a7: {  	v4 =	vpop (erf)  }
0x2a8: {  	v4 =	vmul.f32 v4, v13;
	v5 =	vpop (erf)  }
0x2a9: {  	v5 =	vmul.f32 v5, v14;
	v60 =	vpop (erf)  }
0x2aa: {  	[tilespmem:s9+$0xFFFFFFC0] =	vst v4;
	v4 =	vmul.f32 v60, v7;
	v61 =	vpop (erf)  }
0x2ab: {  	[tilespmem:s9+$0xFFFFFFD0] =	vst v5;
	v5 =	vmul.f32 v61, v6  }
0x2ac: {  	[tilespmem:s9+$0xFFFFFFE0] =	vst v4  }
0x2ad: {  	[tilespmem:s9+$0xFFFFFFF0] =	vst v5  }
0x2ae: {  	v4 =	vld [tilespmem:s12+$0x340]  }
0x2af: {  	v5 =	vld [tilespmem:s12+$0x2340]  }
0x2b0: {  	v62 =	vld [tilespmem:s12+$0x4340]  }
0x2b1: {  	v63 =	vld [tilespmem:s12+$0x350]  }
0x2b2: {  	v24 =	vld [tilespmem:s12+$0x2350]  }
0x2b3: {  	v25 =	vld [tilespmem:s12+$0x4350]  }
0x2b4: {  	v26 =	vld [tilespmem:s12+$0x360]  }
0x2b5: {  	v27 =	vld [tilespmem:s12+$0x2360]  }
0x2b6: {  	v29 =	vld [tilespmem:s12+$0x370]  }
0x2b7: {  	v30 =	vld [tilespmem:s12+$0x2370]  }
0x2b8: {  	v32 =	vld [tilespmem:s12+$0x740]  }
0x2b9: {  	v33 =	vld [tilespmem:s12+$0x2740]  }
0x2ba: {  	v35 =	vld [tilespmem:s12+$0x750]  }
0x2bb: {  	v36 =	vld [tilespmem:s12+$0x2750]  }
0x2bc: {  	v38 =	vld [tilespmem:s12+$0x760]  }
0x2bd: {  	v39 =	vld [tilespmem:s12+$0x2760]  }
0x2be: {  	v40 =	vld [tilespmem:s12+$0x770]  }
0x2bf: {  	v43 =	vld [tilespmem:s12+$0x2770]  }
0x2c0: {  	v28 =	vld [tilespmem:s12+$0x4360]  }
0x2c1: {  	v31 =	vld [tilespmem:s12+$0x4370];
	v4 =	vadd.f32 v5, v4;
	v5 =	vadd.f32 v24, v63  }
0x2c2: {  	v34 =	vld [tilespmem:s12+$0x4740];
	v41 =	vadd.f32 v27, v26;
	v42 =	vadd.f32 v30, v29  }
0x2c3: {  	v37 =	vld [tilespmem:s12+$0x4750];
	v44 =	vadd.f32 v33, v32;
	v45 =	vadd.f32 v36, v35  }
0x2c4: {  	v46 =	vld [tilespmem:s12+$0x4760];
	v7 =	vadd.f32 v39, v38;
	v6 =	vadd.f32 v43, v40  }
0x2c5: {  	v47 =	vld [tilespmem:s12+$0x4770];
	v4 =	vadd.f32 v62, v4;
	v5 =	vadd.f32 v25, v5  }
0x2c6: {  	v9 =	vadd.f32 v28, v41;
	v10 =	vadd.f32 v31, v42  }
0x2c7: {  	v13 =	vadd.f32 v34, v44;
	v4 =	vsub.f32 $0.0e+00, v4  }
0x2c8: {  	v14 =	vadd.f32 v37, v45;
	v5 =	vsub.f32 $0.0e+00, v5  }
0x2c9: {  	v7 =	vadd.f32 v46, v7;
	v48 =	vsub.f32 $0.0e+00, v9;
	v4 =	vmul.f32 $1.442695020e+00, v4  }
0x2ca: {  	v6 =	vadd.f32 v47, v6;
	v49 =	vsub.f32 $0.0e+00, v10;
	v5 =	vmul.f32 $1.442695020e+00, v5  }
0x2cb: {  	v50 =	vsub.f32 $0.0e+00, v13;
	(erf) = vpow2.f32 v4;
	v4 =	vmul.f32 $1.442695020e+00, v48  }
0x2cc: {  	v51 =	vsub.f32 $0.0e+00, v14;
	(erf) = vpow2.f32 v5;
	v5 =	vmul.f32 $1.442695020e+00, v49  }
0x2cd: {  	v52 =	vsub.f32 $0.0e+00, v7;
	(erf) = vpow2.f32 v4;
	v4 =	vmul.f32 $1.442695020e+00, v50  }
0x2ce: {  	v53 =	vsub.f32 $0.0e+00, v6;
	(erf) = vpow2.f32 v5;
	v5 =	vmul.f32 $1.442695020e+00, v51  }
0x2cf: {  	(erf) = vpow2.f32 v4;
	v4 =	vmul.f32 $1.442695020e+00, v52  }
0x2d0: {  	(erf) = vpow2.f32 v5;
	v5 =	vmul.f32 $1.442695020e+00, v53  }
0x2d1: {  	(erf) = vpow2.f32 v4  }
0x2d2: {  	(erf) = vpow2.f32 v5;
	_ =	sdelay $0x1  }
0x2d3: {  	v4 =	vpop (erf)  }
0x2d4: {  	v5 =	vpop (erf)  }
0x2d5: {  	v54 =	vpop (erf)  }
0x2d6: {  	v55 =	vpop (erf)  }
0x2d7: {  	v56 =	vpop (erf)  }
0x2d8: {  	v4 =	vadd.f32 $1.000000000e+00, v4;
	v57 =	vpop (erf);
	v10 =	vadd.f32 $1.000000000e+00, v56  }
0x2d9: {  	v5 =	vadd.f32 $1.000000000e+00, v5;
	v58 =	vpop (erf);
	v11 =	vadd.f32 $1.000000000e+00, v57  }
0x2da: {  	v8 =	vadd.f32 $1.000000000e+00, v54;
	v59 =	vpop (erf);
	v4 =	vmul.f32 v10, v4;
	v60 =	vadd.f32 $1.000000000e+00, v58  }
0x2db: {  	v9 =	vadd.f32 $1.000000000e+00, v55;
	v5 =	vmul.f32 v11, v5;
	v61 =	vadd.f32 $1.000000000e+00, v59  }
0x2dc: {  	(erf) = vrcp.f32 v4;
	v4 =	vmul.f32 v60, v8  }
0x2dd: {  	(erf) = vrcp.f32 v5;
	v5 =	vmul.f32 v61, v9  }
0x2de: {  	(erf) = vrcp.f32 v4  }
0x2df: {  	(erf) = vrcp.f32 v5;
	_ =	sdelay $0x5  }
0x2e0: {  	v4 =	vpop (erf)  }
0x2e1: {  	p1 =	sne.s32 s11, $0xF00;
	v5 =	vpop (erf);
	v4 =	vmul.f32 v4, v13  }
.Ltmp7:
0x2e2: {  	v62 =	vpop (erf);
	v5 =	vmul.f32 v5, v14;
	(pc) =	sbr.rel @p1 .LBB2_15-.Ltmp7, $4  }
0x2e3: {  	[tilespmem:s9+$0x0] =	vst v4;
	v4 =	vmul.f32 v62, v7;
	v63 =	vpop (erf)  }
0x2e4: {  	[tilespmem:s9+$0x10] =	vst v5;
	v5 =	vmul.f32 v63, v6  }
0x2e5: {  	[tilespmem:s9+$0x20] =	vst v4  }
0x2e6: {  	s25 =	sadd.s32 $0x80, s25;
	s11 =	sadd.s32 $0x100, s11;
	[tilespmem:s9+$0x30] =	vst v5;
	s9 =	sadd.s32 $0x80, s9  }
0x2e7: {  	[spmem:s2] =	stream.indirect.scatter.add.f32 [tilespmem:s6], [sflag:$0x5], $0x80, s4, s0, $0xb8;
	[tilespmem:$0x1D380] =	vst v63  }
0x2e8: {  	_ =	swait.ge [sflag:s21], $0x800  }
0x2e9: {  	[sflag:s21] =	ssyncset.done $0x0  }
0x2ea: {  	s9 =	simm.s32 $0x5;
	[sflag:s21] =	ssyncadd.s32 $0xFFFFF800  }
0x2eb: {  	_ =	swait.ge [sflag:s9], $0x800  }
0x2ec: {  	[sflag:s9] =	ssyncset.done $0x0  }
0x2ed: {  	[sflag:s9] =	ssyncadd.s32 $0xFFFFF800  }
0x2ee: {  	[bflag:$0x0] =	sbarrier.arrive $0xFFFF  }
0x2ef: {  	s11 =	simm.s32 $0x7300;
	s29 =	simm.s32 $0x8;
	s25 =	rddreg [dreg:$0x12]  }
0x2f0: {  	[tilespmem:s11], [sflag:$0x8] =	stream.linear.gather [spmem:s25], $0x2800, $0x38;
	[tilespmem:$0x1D380] =	vst v63  }
0x2f1: {  	_ =	swait.ge [sflag:s29], $0x2800  }
0x2f2: {  	[sflag:s29] =	ssyncset.done $0x0  }
0x2f3: {  	s12 =	simm.s32 $0x7;
	s13 =	rddreg [dreg:$0x4];
	[sflag:s29] =	ssyncadd.s32 $0xFFFFD800  }
0x2f4: {  	[hbm4b:s13+s3] =	stream.linear.scatter [tilespmem:s11], [sflag:$0x7], $0x2800, $0x38;
	[tilespmem:$0x1D380] =	vst v63  }
0x2f5: {  	_ =	swait.ge [sflag:s12], $0x2800  }
0x2f6: {  	[sflag:s12] =	ssyncset.done $0x0  }
0x2f7: {  	s13 =	rddreg [dreg:$0x13];
	[sflag:s12] =	ssyncadd.s32 $0xFFFFD800  }
0x2f8: {  	[tilespmem:s11], [sflag:$0x8] =	stream.linear.gather [spmem:s13], $0x2800, $0x38;
	[tilespmem:$0x1D380] =	vst v63  }
0x2f9: {  	_ =	swait.ge [sflag:s29], $0x2800  }
0x2fa: {  	[sflag:s29] =	ssyncset.done $0x0  }
0x2fb: {  	s30 =	rddreg [dreg:$0x5];
	[sflag:s29] =	ssyncadd.s32 $0xFFFFD800  }
0x2fc: {  	[hbm4b:s30+s3] =	stream.linear.scatter [tilespmem:s11], [sflag:$0x7], $0x2800, $0x38;
	[tilespmem:$0x1D380] =	vst v63  }
0x2fd: {  	_ =	swait.ge [sflag:s12], $0x2800  }
0x2fe: {  	[sflag:s12] =	ssyncset.done $0x0  }
0x2ff: {  	[sflag:s12] =	ssyncadd.s32 $0xFFFFD800  }
0x300: {  	[tilespmem:s11], [sflag:$0x8] =	stream.linear.gather [spmem:s26], $0x2800, $0x38;
	[tilespmem:$0x1D380] =	vst v63  }
0x301: {  	_ =	swait.ge [sflag:s29], $0x2800  }
0x302: {  	[sflag:s29] =	ssyncset.done $0x0  }
0x303: {  	s30 =	rddreg [dreg:$0x6];
	[sflag:s29] =	ssyncadd.s32 $0xFFFFD800  }
0x304: {  	[hbm4b:s30+s3] =	stream.linear.scatter [tilespmem:s11], [sflag:$0x7], $0x2800, $0x38;
	[tilespmem:$0x1D380] =	vst v63  }
0x305: {  	_ =	swait.ge [sflag:s12], $0x2800  }
0x306: {  	[sflag:s12] =	ssyncset.done $0x0  }
0x307: {  	[sflag:s12] =	ssyncadd.s32 $0xFFFFD800  }
0x308: {  	[tilespmem:s11], [sflag:$0x8] =	stream.linear.gather [spmem:s28], $0x2800, $0x38;
	[tilespmem:$0x1D380] =	vst v63  }
0x309: {  	_ =	swait.ge [sflag:s29], $0x2800  }
0x30a: {  	[sflag:s29] =	ssyncset.done $0x0  }
0x30b: {  	s30 =	rddreg [dreg:$0x7];
	[sflag:s29] =	ssyncadd.s32 $0xFFFFD800  }
0x30c: {  	[hbm4b:s30+s3] =	stream.linear.scatter [tilespmem:s11], [sflag:$0x7], $0x2800, $0x38;
	[tilespmem:$0x1D380] =	vst v63  }
0x30d: {  	_ =	swait.ge [sflag:s12], $0x2800  }
0x30e: {  	[sflag:s12] =	ssyncset.done $0x0  }
0x30f: {  	s30 =	rddreg [dreg:$0x16];
	[sflag:s12] =	ssyncadd.s32 $0xFFFFD800  }
0x310: {  	[tilespmem:s11], [sflag:$0x8] =	stream.linear.gather [spmem:s30], $0x2800, $0x38;
	[tilespmem:$0x1D380] =	vst v63  }
0x311: {  	_ =	swait.ge [sflag:s29], $0x2800  }
0x312: {  	[sflag:s29] =	ssyncset.done $0x0  }
0x313: {  	s30 =	rddreg [dreg:$0x8];
	[sflag:s29] =	ssyncadd.s32 $0xFFFFD800  }
0x314: {  	[hbm4b:s30+s3] =	stream.linear.scatter [tilespmem:s11], [sflag:$0x7], $0x2800, $0x38;
	[tilespmem:$0x1D380] =	vst v63  }
0x315: {  	_ =	swait.ge [sflag:s12], $0x2800  }
0x316: {  	[sflag:s12] =	ssyncset.done $0x0  }
0x317: {  	s30 =	rddreg [dreg:$0x17];
	[sflag:s12] =	ssyncadd.s32 $0xFFFFD800  }
0x318: {  	[tilespmem:s11], [sflag:$0x8] =	stream.linear.gather [spmem:s30], $0x2800, $0x38;
	[tilespmem:$0x1D380] =	vst v63  }
0x319: {  	_ =	swait.ge [sflag:s29], $0x2800  }
0x31a: {  	[sflag:s29] =	ssyncset.done $0x0  }
0x31b: {  	s30 =	rddreg [dreg:$0x9];
	[sflag:s29] =	ssyncadd.s32 $0xFFFFD800  }
0x31c: {  	[hbm4b:s30+s3] =	stream.linear.scatter [tilespmem:s11], [sflag:$0x7], $0x2800, $0x38;
	[tilespmem:$0x1D380] =	vst v63  }
0x31d: {  	_ =	swait.ge [sflag:s12], $0x2800  }
0x31e: {  	[sflag:s12] =	ssyncset.done $0x0  }
0x31f: {  	s30 =	rddreg [dreg:$0x18];
	[sflag:s12] =	ssyncadd.s32 $0xFFFFD800  }
0x320: {  	[tilespmem:s11], [sflag:$0x8] =	stream.linear.gather [spmem:s30], $0x2800, $0x38;
	[tilespmem:$0x1D380] =	vst v63  }
0x321: {  	_ =	swait.ge [sflag:s29], $0x2800  }
0x322: {  	[sflag:s29] =	ssyncset.done $0x0  }
0x323: {  	s30 =	rddreg [dreg:$0xa];
	[sflag:s29] =	ssyncadd.s32 $0xFFFFD800  }
0x324: {  	[hbm4b:s30+s3] =	stream.linear.scatter [tilespmem:s11], [sflag:$0x7], $0x2800, $0x38;
	[tilespmem:$0x1D380] =	vst v63  }
0x325: {  	_ =	swait.ge [sflag:s12], $0x2800  }
0x326: {  	[sflag:s12] =	ssyncset.done $0x0  }
0x327: {  	s9 =	simm.s32 @!p0 $0x7300;
	s11 =	rddreg [dreg:$0x19];
	[sflag:s12] =	ssyncadd.s32 $0xFFFFD800  }
0x328: {  	[tilespmem:s9], [sflag:$0x8] =	stream.linear.gather @!p0 [spmem:s11], $0x2800, $0x38;
	[tilespmem:$0x1D380] =	vst v63  }
0x329: {  	s11 =	simm.s32 @!p0 $0x8  }
0x32a: {  	_ =	swait.ge @!p0 [sflag:s11], $0x2800  }
0x32b: {  	[sflag:s11] =	ssyncset.done @!p0 $0x0  }
0x32c: {  	s12 =	rddreg [dreg:$0xb];
	[sflag:s11] =	ssyncadd.s32 @!p0 $0xFFFFD800;
	s11 =	simm.s32 @!p0 $0x0  }
0x32d: {  	[hbm4b:s12+s11] =	stream.linear.scatter @!p0 [tilespmem:s9], [sflag:$0x7], $0x2800, $0x38;
	[tilespmem:$0x1D380] =	vst v63  }
0x32e: {  	s9 =	simm.s32 @!p0 $0x7  }
0x32f: {  	_ =	swait.ge @!p0 [sflag:s9], $0x2800  }
0x330: {  	s29 =	rddreg [dreg:$0x1a]  }
0x331: {  	s30 =	rddreg [dreg:$0x11];
	s12 =	sadd.s32 $0x1, s29  }
0x332: {  	p1 =	sne.s32 s12, s30  }
.Ltmp8:
0x333: {  	_ = 	snop;
	(pc) =	sbr.rel @p1 .LBB2_1-.Ltmp8, $3  }
0x334: {  	_ =	sdelay $0x1  }
0x335: {  	[sflag:s9] =	ssyncset.done @!p0 $0x0  }
0x336: {  	[sflag:s9] =	ssyncadd.s32 @!p0 $0xFFFFD800  }
0x337: {  	_ =	sfence.sel $0x180000  }
0x338: {  	[bflag:$0x0] =	sbarrier.arrive $0xFFFF  }
0x339: {  	_ =	strace $0x90000047  }
0x33a: {  	s0 =	stileid.u32;
	[bflag:$0x2] =	sbarrier.arrive $0xFFFF  }
0x33b: {  	p0 =	sne.s32 s0, $0x0;
	s0 =	rddreg [dreg:$0x3]  }
0x33c: {  	s0 =	sadd.s32 @!p0 $0x100000, s0  }
0x33d: {  	[sflag:s0] =	ssyncadd.tile.s32 @!p0 $0x1;
	_ =	shalt  }
.Lfunc_end2:
_tile_overlayer_lowered:
.L_overlay_start_2:
0x33e: {  	(tag) =	ssettag $0x2  }
0x33f: {  	s0 =	rddreg [dreg:$0x0];
	s2 =	stileid.u32  }
0x340: {  	s1 =	rddreg [dreg:$0x1];
	p0 =	sne.s32 s2, $0x0  }
0x341: {  	s3 =	rddreg [dreg:$0x2];
	[bflag:$0x3] =	sbarrier.arrive $0xFFFF;
	s2 =	simm.s32 @!p0 $0x1C07  }
0x342: {  	[timem:s3], [sflag:s2] =	dma.local @!p0 [hbm:s0], s1  }
0x343: {  	s0 =	simm.s32 @!p0 $0x7  }
0x344: {  	_ =	swait.ge @!p0 [sflag:s0], s1  }
0x345: {  	s1 =	ssub.s32 @!p0 $0x0, s1;
	[sflag:s0] =	ssyncset.done @!p0 $0x0  }
0x346: {  	[sflag:s0] =	ssyncadd.s32 @!p0 s1  }
0x347: {  	[bflag:$0x3] =	sbarrier.arrive $0xFFFF  }
0x348: {  	_ =	shalt  }

</sc_bundles>
